<compile_context>
chip_gen: v7x
topology: tpu7x:2x2x1
jax: 0.10.2.dev20260603
libtpu: 0.0.44.dev20260713+nightly
codegen_flags: <defaults>
</compile_context>

<pallas_src>
import functools

import jax
import jax.numpy as jnp
from jax import lax
from jax.experimental import pallas as pl
from jax.experimental.pallas import tpu as pltpu
from jax.experimental.pallas import tpu_sc as plsc

_D = 128

_TOTAL_GROUPS = 4096
_SC_GROUPS = 256
_TC_GROUPS = _TOTAL_GROUPS - _SC_GROUPS

_G = 64
_NBUF = 4

_R = 256
_SC_NBUF = 2
_NW = 32


def _tc_body(x_hbm, p_ref, o_hbm, xbuf, obuf, insem, outsem, *,
             base_group, nstep):
    def in_copy(step, slot):
        return pltpu.make_async_copy(
            x_hbm.at[pl.ds(base_group + step * _G, _G)], xbuf.at[slot],
            insem.at[slot])

    for s in range(_NBUF):
        in_copy(s, s).start()

    def outer(i, _):
        for b in range(_NBUF):
            step = i * _NBUF + b
            in_copy(step, b).wait()
            y = lax.dot_general(
                p_ref[...], xbuf[b],
                dimension_numbers=(((2,), (2,)), ((0,), (0,))),
                preferred_element_type=jnp.float32,
            )
            obuf[pl.ds(step * _G, _G)] = y.reshape(_G, _D)

            @pl.when(step + _NBUF < nstep)
            def _():
                in_copy(step + _NBUF, b).start()
        return 0

    lax.fori_loop(0, nstep // _NBUF, outer, 0)
    final = pltpu.make_async_copy(obuf, o_hbm, outsem)
    final.start()
    final.wait()


def _tc_matvec(xg, pb):
    nstep = _TC_GROUPS // _G
    out = pl.pallas_call(
        functools.partial(_tc_body, base_group=_SC_GROUPS, nstep=nstep),
        in_specs=[
            pl.BlockSpec(memory_space=pl.ANY),
            pl.BlockSpec(memory_space=pltpu.VMEM),
        ],
        out_specs=pl.BlockSpec(memory_space=pl.ANY),
        out_shape=jax.ShapeDtypeStruct((_TC_GROUPS, _D), jnp.float32),
        scratch_shapes=[
            pltpu.VMEM((_NBUF, _G, _D, _D), jnp.float32),
            pltpu.VMEM((_TC_GROUPS, _D), jnp.float32),
            pltpu.SemaphoreType.DMA((_NBUF,)),
            pltpu.SemaphoreType.DMA,
        ],
    )(xg, pb)
    return out


def _sc_body(x_hbm, p_hbm, o_hbm, xbuf, obuf, pbuf, tbuf, insem, outsem,
             *, rows_per_w, nchunk):
    wid = lax.axis_index("s") * 2 + lax.axis_index("c")
    row0 = wid * rows_per_w

    pltpu.sync_copy(p_hbm, pbuf)
    p_vecs = [pbuf[pl.ds(16 * j, 16)] for j in range(8)]
    iota16 = lax.iota(jnp.int32, 16)
    col_base = iota16 * 16

    def in_copy(chunk, slot):
        return pltpu.make_async_copy(
            x_hbm.at[pl.ds(row0 + chunk * _R, _R)], xbuf.at[slot],
            insem.at[slot])

    for s in range(_SC_NBUF):
        in_copy(s, s).start()

    def compute_chunk(chunk, slot):
        def group(g, _):
            for l in range(16):
                row = g * 16 + l
                prods = [xbuf[slot, row, pl.ds(16 * j, 16)] * p_vecs[j]
                         for j in range(8)]
                t = ((prods[0] + prods[1]) + (prods[2] + prods[3])) + \
                    ((prods[4] + prods[5]) + (prods[6] + prods[7]))
                tbuf[pl.ds(l * 16, 16)] = t
            acc = plsc.load_gather(tbuf, [col_base])
            for c in range(1, 16):
                acc = acc + plsc.load_gather(tbuf, [col_base + c])
            obuf[pl.ds(chunk * _R + g * 16, 16)] = acc
            return 0

        lax.fori_loop(0, _R // 16, group, 0)

    def outer(i, _):
        for b in range(_SC_NBUF):
            chunk = i * _SC_NBUF + b
            in_copy(chunk, b).wait()
            compute_chunk(chunk, b)

            @pl.when(chunk + _SC_NBUF < nchunk)
            def _():
                in_copy(chunk + _SC_NBUF, b).start()
        return 0

    lax.fori_loop(0, nchunk // _SC_NBUF, outer, 0)
    final = pltpu.make_async_copy(
        obuf, o_hbm.at[pl.ds(row0, rows_per_w)], outsem)
    final.start()
    final.wait()


def _sc_matvec(xf, p):
    rows = _SC_GROUPS * _D
    rows_per_w = rows // _NW
    nchunk = rows_per_w // _R
    mesh = plsc.VectorSubcoreMesh(core_axis_name="c", subcore_axis_name="s")
    f = pl.kernel(
        functools.partial(_sc_body, rows_per_w=rows_per_w, nchunk=nchunk),
        out_type=jax.ShapeDtypeStruct((rows,), jnp.float32),
        mesh=mesh,
        compiler_params=pltpu.CompilerParams(needs_layout_passes=False),
        scratch_types=[
            pltpu.VMEM((_SC_NBUF, _R, _D), jnp.float32),
            pltpu.VMEM((rows_per_w,), jnp.float32),
            pltpu.VMEM((_D,), jnp.float32),
            pltpu.VMEM((256,), jnp.float32),
            pltpu.SemaphoreType.DMA((_SC_NBUF,)),
            pltpu.SemaphoreType.DMA,
        ],
    )
    return f(xf, p)


def kernel(x, projection):
    b, n, d = x.shape
    rows = b * n
    xf = x.reshape(rows, d)
    xg = x.reshape(rows // d, d, d)
    pb = jnp.broadcast_to(projection.reshape(1, 1, d), (_G, 1, d))
    sc_out = _sc_matvec(xf, projection.reshape(d))
    tc_out = _tc_matvec(xg, pb)
    out = jnp.concatenate([sc_out, tc_out.reshape(-1)])
    return out.reshape(b, n, 1)

# --- scband reference (transcript-rebuilt; emitter-appended) ---
"""Pipeline reference for scband-canonical-ordering-6038724018271 (READ-ONLY COPY).

The authoritative reference and input builder live on the scoring server;
editing this copy changes nothing except your own understanding.
"""

import jax, jax.numpy as jnp
import numpy as np

def setup_inputs(seed: int = 0) -> dict:
    key = jax.random.key(seed)
    k1, k2 = jax.random.split(key)
    x = jax.random.normal(k1, (16, 32768, 128), dtype=jnp.float32)
    # buffer: projection ~ U(-1, 1), shape [embedding_dim, 1]
    projection = jax.random.uniform(k2, (128, 1), dtype=jnp.float32, minval=-1.0, maxval=1.0)
    return {"x": x, "projection": projection}

def reference(x, projection):
    # x @ projection -> [..., 1]
    y = x @ projection
    # argsort along the last dim (size 1, faithful to original code)
    indices = jnp.argsort(y, axis=-1)
    values = jnp.take_along_axis(y, indices, axis=-1)
    return values

if __name__ == "__main__":
    import jax
    _d = setup_inputs()
    print(jax.jit(kernel)(*tuple(_d.values())))

</pallas_src>

<mosaic_0001>
#map = affine_map<(d0, d1) -> (0, 0)>
#map1 = affine_map<(d0, d1) -> (0)>
module attributes {stable_mosaic.version = 14 : i64} {
  func.func @_sc_body(%arg0: i32, %arg1: i32, %arg2: memref<524288x128xf32, #tpu.memory_space<hbm>>, %arg3: memref<128xf32, #tpu.memory_space<hbm>>, %arg4: memref<32768xf32, #tpu.memory_space<hbm>>, %arg5: memref<2x256x128xf32, #tpu.memory_space<vmem>>, %arg6: memref<1024xf32, #tpu.memory_space<vmem>>, %arg7: memref<128xf32, #tpu.memory_space<vmem>>, %arg8: memref<256xf32, #tpu.memory_space<vmem>>, %arg9: memref<2x!tpu.dma_semaphore, #tpu.memory_space<semaphore_mem>>, %arg10: memref<!tpu.dma_semaphore, #tpu.memory_space<semaphore_mem>>) attributes {dimension_semantics = [#tpu.dimension_semantics<core_parallel>, #tpu.dimension_semantics<subcore_parallel>], iteration_bounds = array<i64: 2, 16>, scalar_prefetch = 0 : i64, scratch_operands = 6 : i64, tpu.core_type = #tpu.core_type<sc_vector_subcore>, window_params = [{transform_indices = #map}, {transform_indices = #map1}, {transform_indices = #map1}]} {
    %mul3A = arith.constant 2 : i32
    %mul3A_0 = arith.muli %arg1, %mul3A : i32
    %add3A = arith.addi %mul3A_0, %arg0 : i32
    %mul3A_1 = arith.constant 1024 : i32
    %mul3A_2 = arith.muli %add3A, %mul3A_1 : i32
    "tpu.region"() ({
      %run_scoped3A = tpu.sem_alloc : memref<!tpu.dma_semaphore, #tpu.memory_space<semaphore_mem>>
      tpu.enqueue_dma source(%arg3 : memref<128xf32, #tpu.memory_space<hbm>>) target(%arg7 : memref<128xf32, #tpu.memory_space<vmem>>) target_semaphore(%run_scoped3A : memref<!tpu.dma_semaphore, #tpu.memory_space<semaphore_mem>>)
      tpu.wait_dma2 semaphore(%run_scoped3A : memref<!tpu.dma_semaphore, #tpu.memory_space<semaphore_mem>>) src(%arg3 : memref<128xf32, #tpu.memory_space<hbm>>) dst(%arg7 : memref<128xf32, #tpu.memory_space<vmem>>)
      tpu.yield
    }) : () -> ()
    %get3A = arith.constant 0 : index
    %get3A_3 = tpu.vector_load %arg7[%get3A] {strides = array<i32>} : memref<128xf32, #tpu.memory_space<vmem>>, vector<16xf32>,
    %get3A_4 = arith.constant 16 : index
    %get3A_5 = tpu.vector_load %arg7[%get3A_4] {strides = array<i32>} : memref<128xf32, #tpu.memory_space<vmem>>, vector<16xf32>,
    %get3A_6 = arith.constant 32 : index
    %get3A_7 = tpu.vector_load %arg7[%get3A_6] {strides = array<i32>} : memref<128xf32, #tpu.memory_space<vmem>>, vector<16xf32>,
    %get3A_8 = arith.constant 48 : index
    %get3A_9 = tpu.vector_load %arg7[%get3A_8] {strides = array<i32>} : memref<128xf32, #tpu.memory_space<vmem>>, vector<16xf32>,
    %get3A_10 = arith.constant 64 : index
    %get3A_11 = tpu.vector_load %arg7[%get3A_10] {strides = array<i32>} : memref<128xf32, #tpu.memory_space<vmem>>, vector<16xf32>,
    %get3A_12 = arith.constant 80 : index
    %get3A_13 = tpu.vector_load %arg7[%get3A_12] {strides = array<i32>} : memref<128xf32, #tpu.memory_space<vmem>>, vector<16xf32>,
    %get3A_14 = arith.constant 96 : index
    %get3A_15 = tpu.vector_load %arg7[%get3A_14] {strides = array<i32>} : memref<128xf32, #tpu.memory_space<vmem>>, vector<16xf32>,
    %get3A_16 = arith.constant 112 : index
    %get3A_17 = tpu.vector_load %arg7[%get3A_16] {strides = array<i32>} : memref<128xf32, #tpu.memory_space<vmem>>, vector<16xf32>,
    %iota3A = tpu.iota {dimensions = array<i32: 0>} : vector<16xi32>
    %mul3A_18 = arith.constant 16 : i32
    %mul3A_19 = vector.broadcast %mul3A_18 : i32 to vector<16xi32>
    %mul3A_20 = arith.muli %iota3A, %mul3A_19 : vector<16xi32>
    %add3A_21 = arith.constant 0 : i32
    %add3A_22 = arith.addi %mul3A_2, %add3A_21 : i32
    %dma_start3A = arith.constant 0 : i32
    %dma_start3A_23 = arith.constant 0 : i32
    %dma_start3A_24 = arith.constant 0 : i32
    %dma_start3A_25 = arith.constant 0 : i32
    %dma_start3A_26 = tpu.memref_slice %arg5[%dma_start3A, %dma_start3A_24, %dma_start3A_25] : memref<2x256x128xf32, #tpu.memory_space<vmem>> -> memref<1x256x128xf32, #tpu.memory_space<vmem>>
    %dma_start3A_27 = tpu.memref_squeeze %dma_start3A_26 : memref<1x256x128xf32, #tpu.memory_space<vmem>> -> memref<256x128xf32, #tpu.memory_space<vmem>>
    %dma_start3A_28 = arith.constant 0 : i32
    %dma_start3A_29 = tpu.memref_slice %arg2[%add3A_22, %dma_start3A_28] : memref<524288x128xf32, #tpu.memory_space<hbm>> -> memref<256x128xf32, #tpu.memory_space<hbm>>
    %dma_start3A_30 = tpu.memref_slice %arg9[%dma_start3A_23] : memref<2x!tpu.dma_semaphore, #tpu.memory_space<semaphore_mem>> -> memref<1x!tpu.dma_semaphore, #tpu.memory_space<semaphore_mem>>
    %dma_start3A_31 = tpu.memref_squeeze %dma_start3A_30 : memref<1x!tpu.dma_semaphore, #tpu.memory_space<semaphore_mem>> -> memref<!tpu.dma_semaphore, #tpu.memory_space<semaphore_mem>>
    %dma_start3A_32 = arith.constant 0 : i32
    %dma_start3A_33 = arith.constant 0 : i32
    %dma_start3A_34 = tpu.memref_slice %arg5[%dma_start3A, %dma_start3A_32, %dma_start3A_33] : memref<2x256x128xf32, #tpu.memory_space<vmem>> -> memref<1x256x128xf32, #tpu.memory_space<vmem>>
    %dma_start3A_35 = tpu.memref_squeeze %dma_start3A_34 : memref<1x256x128xf32, #tpu.memory_space<vmem>> -> memref<256x128xf32, #tpu.memory_space<vmem>>
    %dma_start3A_36 = arith.constant 0 : i32
    %dma_start3A_37 = tpu.memref_slice %arg2[%add3A_22, %dma_start3A_36] : memref<524288x128xf32, #tpu.memory_space<hbm>> -> memref<256x128xf32, #tpu.memory_space<hbm>>
    tpu.enqueue_dma source(%dma_start3A_37 : memref<256x128xf32, #tpu.memory_space<hbm>>) target(%dma_start3A_35 : memref<256x128xf32, #tpu.memory_space<vmem>>) target_semaphore(%dma_start3A_31 : memref<!tpu.dma_semaphore, #tpu.memory_space<semaphore_mem>>)
    %add3A_38 = arith.constant 256 : i32
    %add3A_39 = arith.addi %mul3A_2, %add3A_38 : i32
    %dma_start3A_40 = arith.constant 1 : i32
    %dma_start3A_41 = arith.constant 1 : i32
    %dma_start3A_42 = arith.constant 0 : i32
    %dma_start3A_43 = arith.constant 0 : i32
    %dma_start3A_44 = tpu.memref_slice %arg5[%dma_start3A_40, %dma_start3A_42, %dma_start3A_43] : memref<2x256x128xf32, #tpu.memory_space<vmem>> -> memref<1x256x128xf32, #tpu.memory_space<vmem>>
    %dma_start3A_45 = tpu.memref_squeeze %dma_start3A_44 : memref<1x256x128xf32, #tpu.memory_space<vmem>> -> memref<256x128xf32, #tpu.memory_space<vmem>>
    %dma_start3A_46 = arith.constant 0 : i32
    %dma_start3A_47 = tpu.memref_slice %arg2[%add3A_39, %dma_start3A_46] : memref<524288x128xf32, #tpu.memory_space<hbm>> -> memref<256x128xf32, #tpu.memory_space<hbm>>
    %dma_start3A_48 = tpu.memref_slice %arg9[%dma_start3A_41] : memref<2x!tpu.dma_semaphore, #tpu.memory_space<semaphore_mem>> -> memref<1x!tpu.dma_semaphore, #tpu.memory_space<semaphore_mem>>
    %dma_start3A_49 = tpu.memref_squeeze %dma_start3A_48 : memref<1x!tpu.dma_semaphore, #tpu.memory_space<semaphore_mem>> -> memref<!tpu.dma_semaphore, #tpu.memory_space<semaphore_mem>>
    %dma_start3A_50 = arith.constant 0 : i32
    %dma_start3A_51 = arith.constant 0 : i32
    %dma_start3A_52 = tpu.memref_slice %arg5[%dma_start3A_40, %dma_start3A_50, %dma_start3A_51] : memref<2x256x128xf32, #tpu.memory_space<vmem>> -> memref<1x256x128xf32, #tpu.memory_space<vmem>>
    %dma_start3A_53 = tpu.memref_squeeze %dma_start3A_52 : memref<1x256x128xf32, #tpu.memory_space<vmem>> -> memref<256x128xf32, #tpu.memory_space<vmem>>
    %dma_start3A_54 = arith.constant 0 : i32
    %dma_start3A_55 = tpu.memref_slice %arg2[%add3A_39, %dma_start3A_54] : memref<524288x128xf32, #tpu.memory_space<hbm>> -> memref<256x128xf32, #tpu.memory_space<hbm>>
    tpu.enqueue_dma source(%dma_start3A_55 : memref<256x128xf32, #tpu.memory_space<hbm>>) target(%dma_start3A_53 : memref<256x128xf32, #tpu.memory_space<vmem>>) target_semaphore(%dma_start3A_49 : memref<!tpu.dma_semaphore, #tpu.memory_space<semaphore_mem>>)
    %scan3A = arith.constant 0 : i32
    %scan3A_56 = arith.constant 0 : i32
    %scan3A_57 = arith.constant 2 : i32
    %scan3A_58 = arith.addi %scan3A_56, %scan3A_57 : i32
    %scan3A_59 = arith.constant 1 : i32
    %scan3A_60 = scf.for %scan3A_65 = %scan3A_56 to %scan3A_58 step %scan3A_59 iter_args(%scan3A_66 = %scan3A) -> (i32)  : i32 {
      %mul3A_67 = arith.constant 2 : i32
      %mul3A_68 = arith.muli %scan3A_65, %mul3A_67 : i32
      %add3A_69 = arith.constant 0 : i32
      %add3A_70 = arith.addi %mul3A_68, %add3A_69 : i32
      %mul3A_71 = arith.constant 256 : i32
      %mul3A_72 = arith.muli %add3A_70, %mul3A_71 : i32
      %add3A_73 = arith.addi %mul3A_2, %mul3A_72 : i32
      %dma_wait3A_74 = arith.constant 0 : i32
      %dma_wait3A_75 = arith.constant 0 : i32
      %dma_wait3A_76 = arith.constant 0 : i32
      %dma_wait3A_77 = arith.constant 0 : i32
      %dma_wait3A_78 = tpu.memref_slice %arg5[%dma_wait3A_74, %dma_wait3A_76, %dma_wait3A_77] : memref<2x256x128xf32, #tpu.memory_space<vmem>> -> memref<1x256x128xf32, #tpu.memory_space<vmem>>
      %dma_wait3A_79 = tpu.memref_squeeze %dma_wait3A_78 : memref<1x256x128xf32, #tpu.memory_space<vmem>> -> memref<256x128xf32, #tpu.memory_space<vmem>>
      %dma_wait3A_80 = arith.constant 0 : i32
      %dma_wait3A_81 = tpu.memref_slice %arg2[%add3A_73, %dma_wait3A_80] : memref<524288x128xf32, #tpu.memory_space<hbm>> -> memref<256x128xf32, #tpu.memory_space<hbm>>
      %dma_wait3A_82 = tpu.memref_slice %arg9[%dma_wait3A_75] : memref<2x!tpu.dma_semaphore, #tpu.memory_space<semaphore_mem>> -> memref<1x!tpu.dma_semaphore, #tpu.memory_space<semaphore_mem>>
      %dma_wait3A_83 = tpu.memref_squeeze %dma_wait3A_82 : memref<1x!tpu.dma_semaphore, #tpu.memory_space<semaphore_mem>> -> memref<!tpu.dma_semaphore, #tpu.memory_space<semaphore_mem>>
      %dma_wait3A_84 = arith.constant 0 : i32
      %dma_wait3A_85 = arith.constant 0 : i32
      %dma_wait3A_86 = tpu.memref_slice %arg5[%dma_wait3A_74, %dma_wait3A_84, %dma_wait3A_85] : memref<2x256x128xf32, #tpu.memory_space<vmem>> -> memref<1x256x128xf32, #tpu.memory_space<vmem>>
      %dma_wait3A_87 = tpu.memref_squeeze %dma_wait3A_86 : memref<1x256x128xf32, #tpu.memory_space<vmem>> -> memref<256x128xf32, #tpu.memory_space<vmem>>
      %dma_wait3A_88 = arith.constant 0 : i32
      %dma_wait3A_89 = tpu.memref_slice %arg2[%add3A_73, %dma_wait3A_88] : memref<524288x128xf32, #tpu.memory_space<hbm>> -> memref<256x128xf32, #tpu.memory_space<hbm>>
      tpu.wait_dma2 semaphore(%dma_wait3A_83 : memref<!tpu.dma_semaphore, #tpu.memory_space<semaphore_mem>>) src(%dma_wait3A_89 : memref<256x128xf32, #tpu.memory_space<hbm>>) dst(%dma_wait3A_87 : memref<256x128xf32, #tpu.memory_space<vmem>>)
      %scan3A_90 = arith.constant 0 : i32
      %scan3A_91 = arith.constant 0 : i32
      %scan3A_92 = arith.constant 16 : i32
      %scan3A_93 = arith.addi %scan3A_91, %scan3A_92 : i32
      %scan3A_94 = arith.constant 1 : i32
      %scan3A_95 = scf.for %scan3A_139 = %scan3A_91 to %scan3A_93 step %scan3A_94 iter_args(%scan3A_140 = %scan3A_90) -> (i32)  : i32 {
        %mul3A_141 = arith.constant 16 : i32
        %mul3A_142 = arith.muli %scan3A_139, %mul3A_141 : i32
        %add3A_143 = arith.constant 0 : i32
        %add3A_144 = arith.addi %mul3A_142, %add3A_143 : i32
        %get3A_145 = arith.constant 0 : i32
        %get3A_146 = arith.index_cast %get3A_145 : i32 to index
        %get3A_147 = arith.index_cast %add3A_144 : i32 to index
        %get3A_148 = arith.constant 0 : index
        %get3A_149 = tpu.vector_load %arg5[%get3A_146, %get3A_147, %get3A_148] {strides = array<i32>} : memref<2x256x128xf32, #tpu.memory_space<vmem>>, vector<16xf32>,
        %mul3A_150 = arith.mulf %get3A_149, %get3A_3 : vector<16xf32>
        %get3A_151 = arith.constant 0 : i32
        %get3A_152 = arith.index_cast %get3A_151 : i32 to index
        %get3A_153 = arith.index_cast %add3A_144 : i32 to index
        %get3A_154 = arith.constant 16 : index
        %get3A_155 = tpu.vector_load %arg5[%get3A_152, %get3A_153, %get3A_154] {strides = array<i32>} : memref<2x256x128xf32, #tpu.memory_space<vmem>>, vector<16xf32>,
        %mul3A_156 = arith.mulf %get3A_155, %get3A_5 : vector<16xf32>
        %get3A_157 = arith.constant 0 : i32
        %get3A_158 = arith.index_cast %get3A_157 : i32 to index
        %get3A_159 = arith.index_cast %add3A_144 : i32 to index
        %get3A_160 = arith.constant 32 : index
        %get3A_161 = tpu.vector_load %arg5[%get3A_158, %get3A_159, %get3A_160] {strides = array<i32>} : memref<2x256x128xf32, #tpu.memory_space<vmem>>, vector<16xf32>,
        %mul3A_162 = arith.mulf %get3A_161, %get3A_7 : vector<16xf32>
        %get3A_163 = arith.constant 0 : i32
        %get3A_164 = arith.index_cast %get3A_163 : i32 to index
        %get3A_165 = arith.index_cast %add3A_144 : i32 to index
        %get3A_166 = arith.constant 48 : index
        %get3A_167 = tpu.vector_load %arg5[%get3A_164, %get3A_165, %get3A_166] {strides = array<i32>} : memref<2x256x128xf32, #tpu.memory_space<vmem>>, vector<16xf32>,
        %mul3A_168 = arith.mulf %get3A_167, %get3A_9 : vector<16xf32>
        %get3A_169 = arith.constant 0 : i32
        %get3A_170 = arith.index_cast %get3A_169 : i32 to index
        %get3A_171 = arith.index_cast %add3A_144 : i32 to index
        %get3A_172 = arith.constant 64 : index
        %get3A_173 = tpu.vector_load %arg5[%get3A_170, %get3A_171, %get3A_172] {strides = array<i32>} : memref<2x256x128xf32, #tpu.memory_space<vmem>>, vector<16xf32>,
        %mul3A_174 = arith.mulf %get3A_173, %get3A_11 : vector<16xf32>
        %get3A_175 = arith.constant 0 : i32
        %get3A_176 = arith.index_cast %get3A_175 : i32 to index
        %get3A_177 = arith.index_cast %add3A_144 : i32 to index
        %get3A_178 = arith.constant 80 : index
        %get3A_179 = tpu.vector_load %arg5[%get3A_176, %get3A_177, %get3A_178] {strides = array<i32>} : memref<2x256x128xf32, #tpu.memory_space<vmem>>, vector<16xf32>,
        %mul3A_180 = arith.mulf %get3A_179, %get3A_13 : vector<16xf32>
        %get3A_181 = arith.constant 0 : i32
        %get3A_182 = arith.index_cast %get3A_181 : i32 to index
        %get3A_183 = arith.index_cast %add3A_144 : i32 to index
        %get3A_184 = arith.constant 96 : index
        %get3A_185 = tpu.vector_load %arg5[%get3A_182, %get3A_183, %get3A_184] {strides = array<i32>} : memref<2x256x128xf32, #tpu.memory_space<vmem>>, vector<16xf32>,
        %mul3A_186 = arith.mulf %get3A_185, %get3A_15 : vector<16xf32>
        %get3A_187 = arith.constant 0 : i32
        %get3A_188 = arith.index_cast %get3A_187 : i32 to index
        %get3A_189 = arith.index_cast %add3A_144 : i32 to index
        %get3A_190 = arith.constant 112 : index
        %get3A_191 = tpu.vector_load %arg5[%get3A_188, %get3A_189, %get3A_190] {strides = array<i32>} : memref<2x256x128xf32, #tpu.memory_space<vmem>>, vector<16xf32>,
        %mul3A_192 = arith.mulf %get3A_191, %get3A_17 : vector<16xf32>
        %add3A_193 = arith.addf %mul3A_150, %mul3A_156 : vector<16xf32>
        %add3A_194 = arith.addf %mul3A_162, %mul3A_168 : vector<16xf32>
        %add3A_195 = arith.addf %add3A_193, %add3A_194 : vector<16xf32>
        %add3A_196 = arith.addf %mul3A_174, %mul3A_180 : vector<16xf32>
        %add3A_197 = arith.addf %mul3A_186, %mul3A_192 : vector<16xf32>
        %add3A_198 = arith.addf %add3A_196, %add3A_197 : vector<16xf32>
        %add3A_199 = arith.addf %add3A_195, %add3A_198 : vector<16xf32>
        %swap3A = arith.constant 0 : index
        %swap3A_200 = tpu.vector_load %arg8[%swap3A] {strides = array<i32>} : memref<256xf32, #tpu.memory_space<vmem>>, vector<16xf32>,
        tpu.vector_store %arg8[%swap3A], %add3A_199 {strides = array<i32>} : memref<256xf32, #tpu.memory_space<vmem>>, vector<16xf32>,
        %mul3A_201 = arith.constant 16 : i32
        %mul3A_202 = arith.muli %scan3A_139, %mul3A_201 : i32
        %add3A_203 = arith.constant 1 : i32
        %add3A_204 = arith.addi %mul3A_202, %add3A_203 : i32
        %get3A_205 = arith.constant 0 : i32
        %get3A_206 = arith.index_cast %get3A_205 : i32 to index
        %get3A_207 = arith.index_cast %add3A_204 : i32 to index
        %get3A_208 = arith.constant 0 : index
        %get3A_209 = tpu.vector_load %arg5[%get3A_206, %get3A_207, %get3A_208] {strides = array<i32>} : memref<2x256x128xf32, #tpu.memory_space<vmem>>, vector<16xf32>,
        %mul3A_210 = arith.mulf %get3A_209, %get3A_3 : vector<16xf32>
        %get3A_211 = arith.constant 0 : i32
        %get3A_212 = arith.index_cast %get3A_211 : i32 to index
        %get3A_213 = arith.index_cast %add3A_204 : i32 to index
        %get3A_214 = arith.constant 16 : index
        %get3A_215 = tpu.vector_load %arg5[%get3A_212, %get3A_213, %get3A_214] {strides = array<i32>} : memref<2x256x128xf32, #tpu.memory_space<vmem>>, vector<16xf32>,
        %mul3A_216 = arith.mulf %get3A_215, %get3A_5 : vector<16xf32>
        %get3A_217 = arith.constant 0 : i32
        %get3A_218 = arith.index_cast %get3A_217 : i32 to index
        %get3A_219 = arith.index_cast %add3A_204 : i32 to index
        %get3A_220 = arith.constant 32 : index
        %get3A_221 = tpu.vector_load %arg5[%get3A_218, %get3A_219, %get3A_220] {strides = array<i32>} : memref<2x256x128xf32, #tpu.memory_space<vmem>>, vector<16xf32>,
        %mul3A_222 = arith.mulf %get3A_221, %get3A_7 : vector<16xf32>
        %get3A_223 = arith.constant 0 : i32
        %get3A_224 = arith.index_cast %get3A_223 : i32 to index
        %get3A_225 = arith.index_cast %add3A_204 : i32 to index
        %get3A_226 = arith.constant 48 : index
        %get3A_227 = tpu.vector_load %arg5[%get3A_224, %get3A_225, %get3A_226] {strides = array<i32>} : memref<2x256x128xf32, #tpu.memory_space<vmem>>, vector<16xf32>,
        %mul3A_228 = arith.mulf %get3A_227, %get3A_9 : vector<16xf32>
        %get3A_229 = arith.constant 0 : i32
        %get3A_230 = arith.index_cast %get3A_229 : i32 to index
        %get3A_231 = arith.index_cast %add3A_204 : i32 to index
        %get3A_232 = arith.constant 64 : index
        %get3A_233 = tpu.vector_load %arg5[%get3A_230, %get3A_231, %get3A_232] {strides = array<i32>} : memref<2x256x128xf32, #tpu.memory_space<vmem>>, vector<16xf32>,
        %mul3A_234 = arith.mulf %get3A_233, %get3A_11 : vector<16xf32>
        %get3A_235 = arith.constant 0 : i32
        %get3A_236 = arith.index_cast %get3A_235 : i32 to index
        %get3A_237 = arith.index_cast %add3A_204 : i32 to index
        %get3A_238 = arith.constant 80 : index
        %get3A_239 = tpu.vector_load %arg5[%get3A_236, %get3A_237, %get3A_238] {strides = array<i32>} : memref<2x256x128xf32, #tpu.memory_space<vmem>>, vector<16xf32>,
        %mul3A_240 = arith.mulf %get3A_239, %get3A_13 : vector<16xf32>
        %get3A_241 = arith.constant 0 : i32
        %get3A_242 = arith.index_cast %get3A_241 : i32 to index
        %get3A_243 = arith.index_cast %add3A_204 : i32 to index
        %get3A_244 = arith.constant 96 : index
        %get3A_245 = tpu.vector_load %arg5[%get3A_242, %get3A_243, %get3A_244] {strides = array<i32>} : memref<2x256x128xf32, #tpu.memory_space<vmem>>, vector<16xf32>,
        %mul3A_246 = arith.mulf %get3A_245, %get3A_15 : vector<16xf32>
        %get3A_247 = arith.constant 0 : i32
        %get3A_248 = arith.index_cast %get3A_247 : i32 to index
        %get3A_249 = arith.index_cast %add3A_204 : i32 to index
        %get3A_250 = arith.constant 112 : index
        %get3A_251 = tpu.vector_load %arg5[%get3A_248, %get3A_249, %get3A_250] {strides = array<i32>} : memref<2x256x128xf32, #tpu.memory_space<vmem>>, vector<16xf32>,
        %mul3A_252 = arith.mulf %get3A_251, %get3A_17 : vector<16xf32>
        %add3A_253 = arith.addf %mul3A_210, %mul3A_216 : vector<16xf32>
        %add3A_254 = arith.addf %mul3A_222, %mul3A_228 : vector<16xf32>
        %add3A_255 = arith.addf %add3A_253, %add3A_254 : vector<16xf32>
        %add3A_256 = arith.addf %mul3A_234, %mul3A_240 : vector<16xf32>
        %add3A_257 = arith.addf %mul3A_246, %mul3A_252 : vector<16xf32>
        %add3A_258 = arith.addf %add3A_256, %add3A_257 : vector<16xf32>
        %add3A_259 = arith.addf %add3A_255, %add3A_258 : vector<16xf32>
        %swap3A_260 = arith.constant 16 : index
        %swap3A_261 = tpu.vector_load %arg8[%swap3A_260] {strides = array<i32>} : memref<256xf32, #tpu.memory_space<vmem>>, vector<16xf32>,
        tpu.vector_store %arg8[%swap3A_260], %add3A_259 {strides = array<i32>} : memref<256xf32, #tpu.memory_space<vmem>>, vector<16xf32>,
        %mul3A_262 = arith.constant 16 : i32
        %mul3A_263 = arith.muli %scan3A_139, %mul3A_262 : i32
        %add3A_264 = arith.constant 2 : i32
        %add3A_265 = arith.addi %mul3A_263, %add3A_264 : i32
        %get3A_266 = arith.constant 0 : i32
        %get3A_267 = arith.index_cast %get3A_266 : i32 to index
        %get3A_268 = arith.index_cast %add3A_265 : i32 to index
        %get3A_269 = arith.constant 0 : index
        %get3A_270 = tpu.vector_load %arg5[%get3A_267, %get3A_268, %get3A_269] {strides = array<i32>} : memref<2x256x128xf32, #tpu.memory_space<vmem>>, vector<16xf32>,
        %mul3A_271 = arith.mulf %get3A_270, %get3A_3 : vector<16xf32>
        %get3A_272 = arith.constant 0 : i32
        %get3A_273 = arith.index_cast %get3A_272 : i32 to index
        %get3A_274 = arith.index_cast %add3A_265 : i32 to index
        %get3A_275 = arith.constant 16 : index
        %get3A_276 = tpu.vector_load %arg5[%get3A_273, %get3A_274, %get3A_275] {strides = array<i32>} : memref<2x256x128xf32, #tpu.memory_space<vmem>>, vector<16xf32>,
        %mul3A_277 = arith.mulf %get3A_276, %get3A_5 : vector<16xf32>
        %get3A_278 = arith.constant 0 : i32
        %get3A_279 = arith.index_cast %get3A_278 : i32 to index
        %get3A_280 = arith.index_cast %add3A_265 : i32 to index
        %get3A_281 = arith.constant 32 : index
        %get3A_282 = tpu.vector_load %arg5[%get3A_279, %get3A_280, %get3A_281] {strides = array<i32>} : memref<2x256x128xf32, #tpu.memory_space<vmem>>, vector<16xf32>,
        %mul3A_283 = arith.mulf %get3A_282, %get3A_7 : vector<16xf32>
        %get3A_284 = arith.constant 0 : i32
        %get3A_285 = arith.index_cast %get3A_284 : i32 to index
        %get3A_286 = arith.index_cast %add3A_265 : i32 to index
        %get3A_287 = arith.constant 48 : index
        %get3A_288 = tpu.vector_load %arg5[%get3A_285, %get3A_286, %get3A_287] {strides = array<i32>} : memref<2x256x128xf32, #tpu.memory_space<vmem>>, vector<16xf32>,
        %mul3A_289 = arith.mulf %get3A_288, %get3A_9 : vector<16xf32>
        %get3A_290 = arith.constant 0 : i32
        %get3A_291 = arith.index_cast %get3A_290 : i32 to index
        %get3A_292 = arith.index_cast %add3A_265 : i32 to index
        %get3A_293 = arith.constant 64 : index
        %get3A_294 = tpu.vector_load %arg5[%get3A_291, %get3A_292, %get3A_293] {strides = array<i32>} : memref<2x256x128xf32, #tpu.memory_space<vmem>>, vector<16xf32>,
        %mul3A_295 = arith.mulf %get3A_294, %get3A_11 : vector<16xf32>
        %get3A_296 = arith.constant 0 : i32
        %get3A_297 = arith.index_cast %get3A_296 : i32 to index
        %get3A_298 = arith.index_cast %add3A_265 : i32 to index
        %get3A_299 = arith.constant 80 : index
        %get3A_300 = tpu.vector_load %arg5[%get3A_297, %get3A_298, %get3A_299] {strides = array<i32>} : memref<2x256x128xf32, #tpu.memory_space<vmem>>, vector<16xf32>,
        %mul3A_301 = arith.mulf %get3A_300, %get3A_13 : vector<16xf32>
        %get3A_302 = arith.constant 0 : i32
        %get3A_303 = arith.index_cast %get3A_302 : i32 to index
        %get3A_304 = arith.index_cast %add3A_265 : i32 to index
        %get3A_305 = arith.constant 96 : index
        %get3A_306 = tpu.vector_load %arg5[%get3A_303, %get3A_304, %get3A_305] {strides = array<i32>} : memref<2x256x128xf32, #tpu.memory_space<vmem>>, vector<16xf32>,
        %mul3A_307 = arith.mulf %get3A_306, %get3A_15 : vector<16xf32>
        %get3A_308 = arith.constant 0 : i32
        %get3A_309 = arith.index_cast %get3A_308 : i32 to index
        %get3A_310 = arith.index_cast %add3A_265 : i32 to index
        %get3A_311 = arith.constant 112 : index
        %get3A_312 = tpu.vector_load %arg5[%get3A_309, %get3A_310, %get3A_311] {strides = array<i32>} : memref<2x256x128xf32, #tpu.memory_space<vmem>>, vector<16xf32>,
        %mul3A_313 = arith.mulf %get3A_312, %get3A_17 : vector<16xf32>
        %add3A_314 = arith.addf %mul3A_271, %mul3A_277 : vector<16xf32>
        %add3A_315 = arith.addf %mul3A_283, %mul3A_289 : vector<16xf32>
        %add3A_316 = arith.addf %add3A_314, %add3A_315 : vector<16xf32>
        %add3A_317 = arith.addf %mul3A_295, %mul3A_301 : vector<16xf32>
        %add3A_318 = arith.addf %mul3A_307, %mul3A_313 : vector<16xf32>
        %add3A_319 = arith.addf %add3A_317, %add3A_318 : vector<16xf32>
        %add3A_320 = arith.addf %add3A_316, %add3A_319 : vector<16xf32>
        %swap3A_321 = arith.constant 32 : index
        %swap3A_322 = tpu.vector_load %arg8[%swap3A_321] {strides = array<i32>} : memref<256xf32, #tpu.memory_space<vmem>>, vector<16xf32>,
        tpu.vector_store %arg8[%swap3A_321], %add3A_320 {strides = array<i32>} : memref<256xf32, #tpu.memory_space<vmem>>, vector<16xf32>,
        %mul3A_323 = arith.constant 16 : i32
        %mul3A_324 = arith.muli %scan3A_139, %mul3A_323 : i32
        %add3A_325 = arith.constant 3 : i32
        %add3A_326 = arith.addi %mul3A_324, %add3A_325 : i32
        %get3A_327 = arith.constant 0 : i32
        %get3A_328 = arith.index_cast %get3A_327 : i32 to index
        %get3A_329 = arith.index_cast %add3A_326 : i32 to index
        %get3A_330 = arith.constant 0 : index
        %get3A_331 = tpu.vector_load %arg5[%get3A_328, %get3A_329, %get3A_330] {strides = array<i32>} : memref<2x256x128xf32, #tpu.memory_space<vmem>>, vector<16xf32>,
        %mul3A_332 = arith.mulf %get3A_331, %get3A_3 : vector<16xf32>
        %get3A_333 = arith.constant 0 : i32
        %get3A_334 = arith.index_cast %get3A_333 : i32 to index
        %get3A_335 = arith.index_cast %add3A_326 : i32 to index
        %get3A_336 = arith.constant 16 : index
        %get3A_337 = tpu.vector_load %arg5[%get3A_334, %get3A_335, %get3A_336] {strides = array<i32>} : memref<2x256x128xf32, #tpu.memory_space<vmem>>, vector<16xf32>,
        %mul3A_338 = arith.mulf %get3A_337, %get3A_5 : vector<16xf32>
        %get3A_339 = arith.constant 0 : i32
        %get3A_340 = arith.index_cast %get3A_339 : i32 to index
        %get3A_341 = arith.index_cast %add3A_326 : i32 to index
        %get3A_342 = arith.constant 32 : index
        %get3A_343 = tpu.vector_load %arg5[%get3A_340, %get3A_341, %get3A_342] {strides = array<i32>} : memref<2x256x128xf32, #tpu.memory_space<vmem>>, vector<16xf32>,
        %mul3A_344 = arith.mulf %get3A_343, %get3A_7 : vector<16xf32>
        %get3A_345 = arith.constant 0 : i32
        %get3A_346 = arith.index_cast %get3A_345 : i32 to index
        %get3A_347 = arith.index_cast %add3A_326 : i32 to index
        %get3A_348 = arith.constant 48 : index
        %get3A_349 = tpu.vector_load %arg5[%get3A_346, %get3A_347, %get3A_348] {strides = array<i32>} : memref<2x256x128xf32, #tpu.memory_space<vmem>>, vector<16xf32>,
        %mul3A_350 = arith.mulf %get3A_349, %get3A_9 : vector<16xf32>
        %get3A_351 = arith.constant 0 : i32
        %get3A_352 = arith.index_cast %get3A_351 : i32 to index
        %get3A_353 = arith.index_cast %add3A_326 : i32 to index
        %get3A_354 = arith.constant 64 : index
        %get3A_355 = tpu.vector_load %arg5[%get3A_352, %get3A_353, %get3A_354] {strides = array<i32>} : memref<2x256x128xf32, #tpu.memory_space<vmem>>, vector<16xf32>,
        %mul3A_356 = arith.mulf %get3A_355, %get3A_11 : vector<16xf32>
        %get3A_357 = arith.constant 0 : i32
        %get3A_358 = arith.index_cast %get3A_357 : i32 to index
        %get3A_359 = arith.index_cast %add3A_326 : i32 to index
        %get3A_360 = arith.constant 80 : index
        %get3A_361 = tpu.vector_load %arg5[%get3A_358, %get3A_359, %get3A_360] {strides = array<i32>} : memref<2x256x128xf32, #tpu.memory_space<vmem>>, vector<16xf32>,
        %mul3A_362 = arith.mulf %get3A_361, %get3A_13 : vector<16xf32>
        %get3A_363 = arith.constant 0 : i32
        %get3A_364 = arith.index_cast %get3A_363 : i32 to index
        %get3A_365 = arith.index_cast %add3A_326 : i32 to index
        %get3A_366 = arith.constant 96 : index
        %get3A_367 = tpu.vector_load %arg5[%get3A_364, %get3A_365, %get3A_366] {strides = array<i32>} : memref<2x256x128xf32, #tpu.memory_space<vmem>>, vector<16xf32>,
        %mul3A_368 = arith.mulf %get3A_367, %get3A_15 : vector<16xf32>
        %get3A_369 = arith.constant 0 : i32
        %get3A_370 = arith.index_cast %get3A_369 : i32 to index
        %get3A_371 = arith.index_cast %add3A_326 : i32 to index
        %get3A_372 = arith.constant 112 : index
        %get3A_373 = tpu.vector_load %arg5[%get3A_370, %get3A_371, %get3A_372] {strides = array<i32>} : memref<2x256x128xf32, #tpu.memory_space<vmem>>, vector<16xf32>,
        %mul3A_374 = arith.mulf %get3A_373, %get3A_17 : vector<16xf32>
        %add3A_375 = arith.addf %mul3A_332, %mul3A_338 : vector<16xf32>
        %add3A_376 = arith.addf %mul3A_344, %mul3A_350 : vector<16xf32>
        %add3A_377 = arith.addf %add3A_375, %add3A_376 : vector<16xf32>
        %add3A_378 = arith.addf %mul3A_356, %mul3A_362 : vector<16xf32>
        %add3A_379 = arith.addf %mul3A_368, %mul3A_374 : vector<16xf32>
        %add3A_380 = arith.addf %add3A_378, %add3A_379 : vector<16xf32>
        %add3A_381 = arith.addf %add3A_377, %add3A_380 : vector<16xf32>
        %swap3A_382 = arith.constant 48 : index
        %swap3A_383 = tpu.vector_load %arg8[%swap3A_382] {strides = array<i32>} : memref<256xf32, #tpu.memory_space<vmem>>, vector<16xf32>,
        tpu.vector_store %arg8[%swap3A_382], %add3A_381 {strides = array<i32>} : memref<256xf32, #tpu.memory_space<vmem>>, vector<16xf32>,
        %mul3A_384 = arith.constant 16 : i32
        %mul3A_385 = arith.muli %scan3A_139, %mul3A_384 : i32
        %add3A_386 = arith.constant 4 : i32
        %add3A_387 = arith.addi %mul3A_385, %add3A_386 : i32
        %get3A_388 = arith.constant 0 : i32
        %get3A_389 = arith.index_cast %get3A_388 : i32 to index
        %get3A_390 = arith.index_cast %add3A_387 : i32 to index
        %get3A_391 = arith.constant 0 : index
        %get3A_392 = tpu.vector_load %arg5[%get3A_389, %get3A_390, %get3A_391] {strides = array<i32>} : memref<2x256x128xf32, #tpu.memory_space<vmem>>, vector<16xf32>,
        %mul3A_393 = arith.mulf %get3A_392, %get3A_3 : vector<16xf32>
        %get3A_394 = arith.constant 0 : i32
        %get3A_395 = arith.index_cast %get3A_394 : i32 to index
        %get3A_396 = arith.index_cast %add3A_387 : i32 to index
        %get3A_397 = arith.constant 16 : index
        %get3A_398 = tpu.vector_load %arg5[%get3A_395, %get3A_396, %get3A_397] {strides = array<i32>} : memref<2x256x128xf32, #tpu.memory_space<vmem>>, vector<16xf32>,
        %mul3A_399 = arith.mulf %get3A_398, %get3A_5 : vector<16xf32>
        %get3A_400 = arith.constant 0 : i32
        %get3A_401 = arith.index_cast %get3A_400 : i32 to index
        %get3A_402 = arith.index_cast %add3A_387 : i32 to index
        %get3A_403 = arith.constant 32 : index
        %get3A_404 = tpu.vector_load %arg5[%get3A_401, %get3A_402, %get3A_403] {strides = array<i32>} : memref<2x256x128xf32, #tpu.memory_space<vmem>>, vector<16xf32>,
        %mul3A_405 = arith.mulf %get3A_404, %get3A_7 : vector<16xf32>
        %get3A_406 = arith.constant 0 : i32
        %get3A_407 = arith.index_cast %get3A_406 : i32 to index
        %get3A_408 = arith.index_cast %add3A_387 : i32 to index
        %get3A_409 = arith.constant 48 : index
        %get3A_410 = tpu.vector_load %arg5[%get3A_407, %get3A_408, %get3A_409] {strides = array<i32>} : memref<2x256x128xf32, #tpu.memory_space<vmem>>, vector<16xf32>,
        %mul3A_411 = arith.mulf %get3A_410, %get3A_9 : vector<16xf32>
        %get3A_412 = arith.constant 0 : i32
        %get3A_413 = arith.index_cast %get3A_412 : i32 to index
        %get3A_414 = arith.index_cast %add3A_387 : i32 to index
        %get3A_415 = arith.constant 64 : index
        %get3A_416 = tpu.vector_load %arg5[%get3A_413, %get3A_414, %get3A_415] {strides = array<i32>} : memref<2x256x128xf32, #tpu.memory_space<vmem>>, vector<16xf32>,
        %mul3A_417 = arith.mulf %get3A_416, %get3A_11 : vector<16xf32>
        %get3A_418 = arith.constant 0 : i32
        %get3A_419 = arith.index_cast %get3A_418 : i32 to index
        %get3A_420 = arith.index_cast %add3A_387 : i32 to index
        %get3A_421 = arith.constant 80 : index
        %get3A_422 = tpu.vector_load %arg5[%get3A_419, %get3A_420, %get3A_421] {strides = array<i32>} : memref<2x256x128xf32, #tpu.memory_space<vmem>>, vector<16xf32>,
        %mul3A_423 = arith.mulf %get3A_422, %get3A_13 : vector<16xf32>
        %get3A_424 = arith.constant 0 : i32
        %get3A_425 = arith.index_cast %get3A_424 : i32 to index
        %get3A_426 = arith.index_cast %add3A_387 : i32 to index
        %get3A_427 = arith.constant 96 : index
        %get3A_428 = tpu.vector_load %arg5[%get3A_425, %get3A_426, %get3A_427] {strides = array<i32>} : memref<2x256x128xf32, #tpu.memory_space<vmem>>, vector<16xf32>,
        %mul3A_429 = arith.mulf %get3A_428, %get3A_15 : vector<16xf32>
        %get3A_430 = arith.constant 0 : i32
        %get3A_431 = arith.index_cast %get3A_430 : i32 to index
        %get3A_432 = arith.index_cast %add3A_387 : i32 to index
        %get3A_433 = arith.constant 112 : index
        %get3A_434 = tpu.vector_load %arg5[%get3A_431, %get3A_432, %get3A_433] {strides = array<i32>} : memref<2x256x128xf32, #tpu.memory_space<vmem>>, vector<16xf32>,
        %mul3A_435 = arith.mulf %get3A_434, %get3A_17 : vector<16xf32>
        %add3A_436 = arith.addf %mul3A_393, %mul3A_399 : vector<16xf32>
        %add3A_437 = arith.addf %mul3A_405, %mul3A_411 : vector<16xf32>
        %add3A_438 = arith.addf %add3A_436, %add3A_437 : vector<16xf32>
        %add3A_439 = arith.addf %mul3A_417, %mul3A_423 : vector<16xf32>
        %add3A_440 = arith.addf %mul3A_429, %mul3A_435 : vector<16xf32>
        %add3A_441 = arith.addf %add3A_439, %add3A_440 : vector<16xf32>
        %add3A_442 = arith.addf %add3A_438, %add3A_441 : vector<16xf32>
        %swap3A_443 = arith.constant 64 : index
        %swap3A_444 = tpu.vector_load %arg8[%swap3A_443] {strides = array<i32>} : memref<256xf32, #tpu.memory_space<vmem>>, vector<16xf32>,
        tpu.vector_store %arg8[%swap3A_443], %add3A_442 {strides = array<i32>} : memref<256xf32, #tpu.memory_space<vmem>>, vector<16xf32>,
        %mul3A_445 = arith.constant 16 : i32
        %mul3A_446 = arith.muli %scan3A_139, %mul3A_445 : i32
        %add3A_447 = arith.constant 5 : i32
        %add3A_448 = arith.addi %mul3A_446, %add3A_447 : i32
        %get3A_449 = arith.constant 0 : i32
        %get3A_450 = arith.index_cast %get3A_449 : i32 to index
        %get3A_451 = arith.index_cast %add3A_448 : i32 to index
        %get3A_452 = arith.constant 0 : index
        %get3A_453 = tpu.vector_load %arg5[%get3A_450, %get3A_451, %get3A_452] {strides = array<i32>} : memref<2x256x128xf32, #tpu.memory_space<vmem>>, vector<16xf32>,
        %mul3A_454 = arith.mulf %get3A_453, %get3A_3 : vector<16xf32>
        %get3A_455 = arith.constant 0 : i32
        %get3A_456 = arith.index_cast %get3A_455 : i32 to index
        %get3A_457 = arith.index_cast %add3A_448 : i32 to index
        %get3A_458 = arith.constant 16 : index
        %get3A_459 = tpu.vector_load %arg5[%get3A_456, %get3A_457, %get3A_458] {strides = array<i32>} : memref<2x256x128xf32, #tpu.memory_space<vmem>>, vector<16xf32>,
        %mul3A_460 = arith.mulf %get3A_459, %get3A_5 : vector<16xf32>
        %get3A_461 = arith.constant 0 : i32
        %get3A_462 = arith.index_cast %get3A_461 : i32 to index
        %get3A_463 = arith.index_cast %add3A_448 : i32 to index
        %get3A_464 = arith.constant 32 : index
        %get3A_465 = tpu.vector_load %arg5[%get3A_462, %get3A_463, %get3A_464] {strides = array<i32>} : memref<2x256x128xf32, #tpu.memory_space<vmem>>, vector<16xf32>,
        %mul3A_466 = arith.mulf %get3A_465, %get3A_7 : vector<16xf32>
        %get3A_467 = arith.constant 0 : i32
        %get3A_468 = arith.index_cast %get3A_467 : i32 to index
        %get3A_469 = arith.index_cast %add3A_448 : i32 to index
        %get3A_470 = arith.constant 48 : index
        %get3A_471 = tpu.vector_load %arg5[%get3A_468, %get3A_469, %get3A_470] {strides = array<i32>} : memref<2x256x128xf32, #tpu.memory_space<vmem>>, vector<16xf32>,
        %mul3A_472 = arith.mulf %get3A_471, %get3A_9 : vector<16xf32>
        %get3A_473 = arith.constant 0 : i32
        %get3A_474 = arith.index_cast %get3A_473 : i32 to index
        %get3A_475 = arith.index_cast %add3A_448 : i32 to index
        %get3A_476 = arith.constant 64 : index
        %get3A_477 = tpu.vector_load %arg5[%get3A_474, %get3A_475, %get3A_476] {strides = array<i32>} : memref<2x256x128xf32, #tpu.memory_space<vmem>>, vector<16xf32>,
        %mul3A_478 = arith.mulf %get3A_477, %get3A_11 : vector<16xf32>
        %get3A_479 = arith.constant 0 : i32
        %get3A_480 = arith.index_cast %get3A_479 : i32 to index
        %get3A_481 = arith.index_cast %add3A_448 : i32 to index
        %get3A_482 = arith.constant 80 : index
        %get3A_483 = tpu.vector_load %arg5[%get3A_480, %get3A_481, %get3A_482] {strides = array<i32>} : memref<2x256x128xf32, #tpu.memory_space<vmem>>, vector<16xf32>,
        %mul3A_484 = arith.mulf %get3A_483, %get3A_13 : vector<16xf32>
        %get3A_485 = arith.constant 0 : i32
        %get3A_486 = arith.index_cast %get3A_485 : i32 to index
        %get3A_487 = arith.index_cast %add3A_448 : i32 to index
        %get3A_488 = arith.constant 96 : index
        %get3A_489 = tpu.vector_load %arg5[%get3A_486, %get3A_487, %get3A_488] {strides = array<i32>} : memref<2x256x128xf32, #tpu.memory_space<vmem>>, vector<16xf32>,
        %mul3A_490 = arith.mulf %get3A_489, %get3A_15 : vector<16xf32>
        %get3A_491 = arith.constant 0 : i32
        %get3A_492 = arith.index_cast %get3A_491 : i32 to index
        %get3A_493 = arith.index_cast %add3A_448 : i32 to index
        %get3A_494 = arith.constant 112 : index
        %get3A_495 = tpu.vector_load %arg5[%get3A_492, %get3A_493, %get3A_494] {strides = array<i32>} : memref<2x256x128xf32, #tpu.memory_space<vmem>>, vector<16xf32>,
        %mul3A_496 = arith.mulf %get3A_495, %get3A_17 : vector<16xf32>
        %add3A_497 = arith.addf %mul3A_454, %mul3A_460 : vector<16xf32>
        %add3A_498 = arith.addf %mul3A_466, %mul3A_472 : vector<16xf32>
        %add3A_499 = arith.addf %add3A_497, %add3A_498 : vector<16xf32>
        %add3A_500 = arith.addf %mul3A_478, %mul3A_484 : vector<16xf32>
        %add3A_501 = arith.addf %mul3A_490, %mul3A_496 : vector<16xf32>
        %add3A_502 = arith.addf %add3A_500, %add3A_501 : vector<16xf32>
        %add3A_503 = arith.addf %add3A_499, %add3A_502 : vector<16xf32>
        %swap3A_504 = arith.constant 80 : index
        %swap3A_505 = tpu.vector_load %arg8[%swap3A_504] {strides = array<i32>} : memref<256xf32, #tpu.memory_space<vmem>>, vector<16xf32>,
        tpu.vector_store %arg8[%swap3A_504], %add3A_503 {strides = array<i32>} : memref<256xf32, #tpu.memory_space<vmem>>, vector<16xf32>,
        %mul3A_506 = arith.constant 16 : i32
        %mul3A_507 = arith.muli %scan3A_139, %mul3A_506 : i32
        %add3A_508 = arith.constant 6 : i32
        %add3A_509 = arith.addi %mul3A_507, %add3A_508 : i32
        %get3A_510 = arith.constant 0 : i32
        %get3A_511 = arith.index_cast %get3A_510 : i32 to index
        %get3A_512 = arith.index_cast %add3A_509 : i32 to index
        %get3A_513 = arith.constant 0 : index
        %get3A_514 = tpu.vector_load %arg5[%get3A_511, %get3A_512, %get3A_513] {strides = array<i32>} : memref<2x256x128xf32, #tpu.memory_space<vmem>>, vector<16xf32>,
        %mul3A_515 = arith.mulf %get3A_514, %get3A_3 : vector<16xf32>
        %get3A_516 = arith.constant 0 : i32
        %get3A_517 = arith.index_cast %get3A_516 : i32 to index
        %get3A_518 = arith.index_cast %add3A_509 : i32 to index
        %get3A_519 = arith.constant 16 : index
        %get3A_520 = tpu.vector_load %arg5[%get3A_517, %get3A_518, %get3A_519] {strides = array<i32>} : memref<2x256x128xf32, #tpu.memory_space<vmem>>, vector<16xf32>,
        %mul3A_521 = arith.mulf %get3A_520, %get3A_5 : vector<16xf32>
        %get3A_522 = arith.constant 0 : i32
        %get3A_523 = arith.index_cast %get3A_522 : i32 to index
        %get3A_524 = arith.index_cast %add3A_509 : i32 to index
        %get3A_525 = arith.constant 32 : index
        %get3A_526 = tpu.vector_load %arg5[%get3A_523, %get3A_524, %get3A_525] {strides = array<i32>} : memref<2x256x128xf32, #tpu.memory_space<vmem>>, vector<16xf32>,
        %mul3A_527 = arith.mulf %get3A_526, %get3A_7 : vector<16xf32>
        %get3A_528 = arith.constant 0 : i32
        %get3A_529 = arith.index_cast %get3A_528 : i32 to index
        %get3A_530 = arith.index_cast %add3A_509 : i32 to index
        %get3A_531 = arith.constant 48 : index
        %get3A_532 = tpu.vector_load %arg5[%get3A_529, %get3A_530, %get3A_531] {strides = array<i32>} : memref<2x256x128xf32, #tpu.memory_space<vmem>>, vector<16xf32>,
        %mul3A_533 = arith.mulf %get3A_532, %get3A_9 : vector<16xf32>
        %get3A_534 = arith.constant 0 : i32
        %get3A_535 = arith.index_cast %get3A_534 : i32 to index
        %get3A_536 = arith.index_cast %add3A_509 : i32 to index
        %get3A_537 = arith.constant 64 : index
        %get3A_538 = tpu.vector_load %arg5[%get3A_535, %get3A_536, %get3A_537] {strides = array<i32>} : memref<2x256x128xf32, #tpu.memory_space<vmem>>, vector<16xf32>,
        %mul3A_539 = arith.mulf %get3A_538, %get3A_11 : vector<16xf32>
        %get3A_540 = arith.constant 0 : i32
        %get3A_541 = arith.index_cast %get3A_540 : i32 to index
        %get3A_542 = arith.index_cast %add3A_509 : i32 to index
        %get3A_543 = arith.constant 80 : index
        %get3A_544 = tpu.vector_load %arg5[%get3A_541, %get3A_542, %get3A_543] {strides = array<i32>} : memref<2x256x128xf32, #tpu.memory_space<vmem>>, vector<16xf32>,
        %mul3A_545 = arith.mulf %get3A_544, %get3A_13 : vector<16xf32>
        %get3A_546 = arith.constant 0 : i32
        %get3A_547 = arith.index_cast %get3A_546 : i32 to index
        %get3A_548 = arith.index_cast %add3A_509 : i32 to index
        %get3A_549 = arith.constant 96 : index
        %get3A_550 = tpu.vector_load %arg5[%get3A_547, %get3A_548, %get3A_549] {strides = array<i32>} : memref<2x256x128xf32, #tpu.memory_space<vmem>>, vector<16xf32>,
        %mul3A_551 = arith.mulf %get3A_550, %get3A_15 : vector<16xf32>
        %get3A_552 = arith.constant 0 : i32
        %get3A_553 = arith.index_cast %get3A_552 : i32 to index
        %get3A_554 = arith.index_cast %add3A_509 : i32 to index
        %get3A_555 = arith.constant 112 : index
        %get3A_556 = tpu.vector_load %arg5[%get3A_553, %get3A_554, %get3A_555] {strides = array<i32>} : memref<2x256x128xf32, #tpu.memory_space<vmem>>, vector<16xf32>,
        %mul3A_557 = arith.mulf %get3A_556, %get3A_17 : vector<16xf32>
        %add3A_558 = arith.addf %mul3A_515, %mul3A_521 : vector<16xf32>
        %add3A_559 = arith.addf %mul3A_527, %mul3A_533 : vector<16xf32>
        %add3A_560 = arith.addf %add3A_558, %add3A_559 : vector<16xf32>
        %add3A_561 = arith.addf %mul3A_539, %mul3A_545 : vector<16xf32>
        %add3A_562 = arith.addf %mul3A_551, %mul3A_557 : vector<16xf32>
        %add3A_563 = arith.addf %add3A_561, %add3A_562 : vector<16xf32>
        %add3A_564 = arith.addf %add3A_560, %add3A_563 : vector<16xf32>
        %swap3A_565 = arith.constant 96 : index
        %swap3A_566 = tpu.vector_load %arg8[%swap3A_565] {strides = array<i32>} : memref<256xf32, #tpu.memory_space<vmem>>, vector<16xf32>,
        tpu.vector_store %arg8[%swap3A_565], %add3A_564 {strides = array<i32>} : memref<256xf32, #tpu.memory_space<vmem>>, vector<16xf32>,
        %mul3A_567 = arith.constant 16 : i32
        %mul3A_568 = arith.muli %scan3A_139, %mul3A_567 : i32
        %add3A_569 = arith.constant 7 : i32
        %add3A_570 = arith.addi %mul3A_568, %add3A_569 : i32
        %get3A_571 = arith.constant 0 : i32
        %get3A_572 = arith.index_cast %get3A_571 : i32 to index
        %get3A_573 = arith.index_cast %add3A_570 : i32 to index
        %get3A_574 = arith.constant 0 : index
        %get3A_575 = tpu.vector_load %arg5[%get3A_572, %get3A_573, %get3A_574] {strides = array<i32>} : memref<2x256x128xf32, #tpu.memory_space<vmem>>, vector<16xf32>,
        %mul3A_576 = arith.mulf %get3A_575, %get3A_3 : vector<16xf32>
        %get3A_577 = arith.constant 0 : i32
        %get3A_578 = arith.index_cast %get3A_577 : i32 to index
        %get3A_579 = arith.index_cast %add3A_570 : i32 to index
        %get3A_580 = arith.constant 16 : index
        %get3A_581 = tpu.vector_load %arg5[%get3A_578, %get3A_579, %get3A_580] {strides = array<i32>} : memref<2x256x128xf32, #tpu.memory_space<vmem>>, vector<16xf32>,
        %mul3A_582 = arith.mulf %get3A_581, %get3A_5 : vector<16xf32>
        %get3A_583 = arith.constant 0 : i32
        %get3A_584 = arith.index_cast %get3A_583 : i32 to index
        %get3A_585 = arith.index_cast %add3A_570 : i32 to index
        %get3A_586 = arith.constant 32 : index
        %get3A_587 = tpu.vector_load %arg5[%get3A_584, %get3A_585, %get3A_586] {strides = array<i32>} : memref<2x256x128xf32, #tpu.memory_space<vmem>>, vector<16xf32>,
        %mul3A_588 = arith.mulf %get3A_587, %get3A_7 : vector<16xf32>
        %get3A_589 = arith.constant 0 : i32
        %get3A_590 = arith.index_cast %get3A_589 : i32 to index
        %get3A_591 = arith.index_cast %add3A_570 : i32 to index
        %get3A_592 = arith.constant 48 : index
        %get3A_593 = tpu.vector_load %arg5[%get3A_590, %get3A_591, %get3A_592] {strides = array<i32>} : memref<2x256x128xf32, #tpu.memory_space<vmem>>, vector<16xf32>,
        %mul3A_594 = arith.mulf %get3A_593, %get3A_9 : vector<16xf32>
        %get3A_595 = arith.constant 0 : i32
        %get3A_596 = arith.index_cast %get3A_595 : i32 to index
        %get3A_597 = arith.index_cast %add3A_570 : i32 to index
        %get3A_598 = arith.constant 64 : index
        %get3A_599 = tpu.vector_load %arg5[%get3A_596, %get3A_597, %get3A_598] {strides = array<i32>} : memref<2x256x128xf32, #tpu.memory_space<vmem>>, vector<16xf32>,
        %mul3A_600 = arith.mulf %get3A_599, %get3A_11 : vector<16xf32>
        %get3A_601 = arith.constant 0 : i32
        %get3A_602 = arith.index_cast %get3A_601 : i32 to index
        %get3A_603 = arith.index_cast %add3A_570 : i32 to index
        %get3A_604 = arith.constant 80 : index
        %get3A_605 = tpu.vector_load %arg5[%get3A_602, %get3A_603, %get3A_604] {strides = array<i32>} : memref<2x256x128xf32, #tpu.memory_space<vmem>>, vector<16xf32>,
        %mul3A_606 = arith.mulf %get3A_605, %get3A_13 : vector<16xf32>
        %get3A_607 = arith.constant 0 : i32
        %get3A_608 = arith.index_cast %get3A_607 : i32 to index
        %get3A_609 = arith.index_cast %add3A_570 : i32 to index
        %get3A_610 = arith.constant 96 : index
        %get3A_611 = tpu.vector_load %arg5[%get3A_608, %get3A_609, %get3A_610] {strides = array<i32>} : memref<2x256x128xf32, #tpu.memory_space<vmem>>, vector<16xf32>,
        %mul3A_612 = arith.mulf %get3A_611, %get3A_15 : vector<16xf32>
        %get3A_613 = arith.constant 0 : i32
        %get3A_614 = arith.index_cast %get3A_613 : i32 to index
        %get3A_615 = arith.index_cast %add3A_570 : i32 to index
        %get3A_616 = arith.constant 112 : index
        %get3A_617 = tpu.vector_load %arg5[%get3A_614, %get3A_615, %get3A_616] {strides = array<i32>} : memref<2x256x128xf32, #tpu.memory_space<vmem>>, vector<16xf32>,
        %mul3A_618 = arith.mulf %get3A_617, %get3A_17 : vector<16xf32>
        %add3A_619 = arith.addf %mul3A_576, %mul3A_582 : vector<16xf32>
        %add3A_620 = arith.addf %mul3A_588, %mul3A_594 : vector<16xf32>
        %add3A_621 = arith.addf %add3A_619, %add3A_620 : vector<16xf32>
        %add3A_622 = arith.addf %mul3A_600, %mul3A_606 : vector<16xf32>
        %add3A_623 = arith.addf %mul3A_612, %mul3A_618 : vector<16xf32>
        %add3A_624 = arith.addf %add3A_622, %add3A_623 : vector<16xf32>
        %add3A_625 = arith.addf %add3A_621, %add3A_624 : vector<16xf32>
        %swap3A_626 = arith.constant 112 : index
        %swap3A_627 = tpu.vector_load %arg8[%swap3A_626] {strides = array<i32>} : memref<256xf32, #tpu.memory_space<vmem>>, vector<16xf32>,
        tpu.vector_store %arg8[%swap3A_626], %add3A_625 {strides = array<i32>} : memref<256xf32, #tpu.memory_space<vmem>>, vector<16xf32>,
        %mul3A_628 = arith.constant 16 : i32
        %mul3A_629 = arith.muli %scan3A_139, %mul3A_628 : i32
        %add3A_630 = arith.constant 8 : i32
        %add3A_631 = arith.addi %mul3A_629, %add3A_630 : i32
        %get3A_632 = arith.constant 0 : i32
        %get3A_633 = arith.index_cast %get3A_632 : i32 to index
        %get3A_634 = arith.index_cast %add3A_631 : i32 to index
        %get3A_635 = arith.constant 0 : index
        %get3A_636 = tpu.vector_load %arg5[%get3A_633, %get3A_634, %get3A_635] {strides = array<i32>} : memref<2x256x128xf32, #tpu.memory_space<vmem>>, vector<16xf32>,
        %mul3A_637 = arith.mulf %get3A_636, %get3A_3 : vector<16xf32>
        %get3A_638 = arith.constant 0 : i32
        %get3A_639 = arith.index_cast %get3A_638 : i32 to index
        %get3A_640 = arith.index_cast %add3A_631 : i32 to index
        %get3A_641 = arith.constant 16 : index
        %get3A_642 = tpu.vector_load %arg5[%get3A_639, %get3A_640, %get3A_641] {strides = array<i32>} : memref<2x256x128xf32, #tpu.memory_space<vmem>>, vector<16xf32>,
        %mul3A_643 = arith.mulf %get3A_642, %get3A_5 : vector<16xf32>
        %get3A_644 = arith.constant 0 : i32
        %get3A_645 = arith.index_cast %get3A_644 : i32 to index
        %get3A_646 = arith.index_cast %add3A_631 : i32 to index
        %get3A_647 = arith.constant 32 : index
        %get3A_648 = tpu.vector_load %arg5[%get3A_645, %get3A_646, %get3A_647] {strides = array<i32>} : memref<2x256x128xf32, #tpu.memory_space<vmem>>, vector<16xf32>,
        %mul3A_649 = arith.mulf %get3A_648, %get3A_7 : vector<16xf32>
        %get3A_650 = arith.constant 0 : i32
        %get3A_651 = arith.index_cast %get3A_650 : i32 to index
        %get3A_652 = arith.index_cast %add3A_631 : i32 to index
        %get3A_653 = arith.constant 48 : index
        %get3A_654 = tpu.vector_load %arg5[%get3A_651, %get3A_652, %get3A_653] {strides = array<i32>} : memref<2x256x128xf32, #tpu.memory_space<vmem>>, vector<16xf32>,
        %mul3A_655 = arith.mulf %get3A_654, %get3A_9 : vector<16xf32>
        %get3A_656 = arith.constant 0 : i32
        %get3A_657 = arith.index_cast %get3A_656 : i32 to index
        %get3A_658 = arith.index_cast %add3A_631 : i32 to index
        %get3A_659 = arith.constant 64 : index
        %get3A_660 = tpu.vector_load %arg5[%get3A_657, %get3A_658, %get3A_659] {strides = array<i32>} : memref<2x256x128xf32, #tpu.memory_space<vmem>>, vector<16xf32>,
        %mul3A_661 = arith.mulf %get3A_660, %get3A_11 : vector<16xf32>
        %get3A_662 = arith.constant 0 : i32
        %get3A_663 = arith.index_cast %get3A_662 : i32 to index
        %get3A_664 = arith.index_cast %add3A_631 : i32 to index
        %get3A_665 = arith.constant 80 : index
        %get3A_666 = tpu.vector_load %arg5[%get3A_663, %get3A_664, %get3A_665] {strides = array<i32>} : memref<2x256x128xf32, #tpu.memory_space<vmem>>, vector<16xf32>,
        %mul3A_667 = arith.mulf %get3A_666, %get3A_13 : vector<16xf32>
        %get3A_668 = arith.constant 0 : i32
        %get3A_669 = arith.index_cast %get3A_668 : i32 to index
        %get3A_670 = arith.index_cast %add3A_631 : i32 to index
        %get3A_671 = arith.constant 96 : index
        %get3A_672 = tpu.vector_load %arg5[%get3A_669, %get3A_670, %get3A_671] {strides = array<i32>} : memref<2x256x128xf32, #tpu.memory_space<vmem>>, vector<16xf32>,
        %mul3A_673 = arith.mulf %get3A_672, %get3A_15 : vector<16xf32>
        %get3A_674 = arith.constant 0 : i32
        %get3A_675 = arith.index_cast %get3A_674 : i32 to index
        %get3A_676 = arith.index_cast %add3A_631 : i32 to index
        %get3A_677 = arith.constant 112 : index
        %get3A_678 = tpu.vector_load %arg5[%get3A_675, %get3A_676, %get3A_677] {strides = array<i32>} : memref<2x256x128xf32, #tpu.memory_space<vmem>>, vector<16xf32>,
        %mul3A_679 = arith.mulf %get3A_678, %get3A_17 : vector<16xf32>
        %add3A_680 = arith.addf %mul3A_637, %mul3A_643 : vector<16xf32>
        %add3A_681 = arith.addf %mul3A_649, %mul3A_655 : vector<16xf32>
        %add3A_682 = arith.addf %add3A_680, %add3A_681 : vector<16xf32>
        %add3A_683 = arith.addf %mul3A_661, %mul3A_667 : vector<16xf32>
        %add3A_684 = arith.addf %mul3A_673, %mul3A_679 : vector<16xf32>
        %add3A_685 = arith.addf %add3A_683, %add3A_684 : vector<16xf32>
        %add3A_686 = arith.addf %add3A_682, %add3A_685 : vector<16xf32>
        %swap3A_687 = arith.constant 128 : index
        %swap3A_688 = tpu.vector_load %arg8[%swap3A_687] {strides = array<i32>} : memref<256xf32, #tpu.memory_space<vmem>>, vector<16xf32>,
        tpu.vector_store %arg8[%swap3A_687], %add3A_686 {strides = array<i32>} : memref<256xf32, #tpu.memory_space<vmem>>, vector<16xf32>,
        %mul3A_689 = arith.constant 16 : i32
        %mul3A_690 = arith.muli %scan3A_139, %mul3A_689 : i32
        %add3A_691 = arith.constant 9 : i32
        %add3A_692 = arith.addi %mul3A_690, %add3A_691 : i32
        %get3A_693 = arith.constant 0 : i32
        %get3A_694 = arith.index_cast %get3A_693 : i32 to index
        %get3A_695 = arith.index_cast %add3A_692 : i32 to index
        %get3A_696 = arith.constant 0 : index
        %get3A_697 = tpu.vector_load %arg5[%get3A_694, %get3A_695, %get3A_696] {strides = array<i32>} : memref<2x256x128xf32, #tpu.memory_space<vmem>>, vector<16xf32>,
        %mul3A_698 = arith.mulf %get3A_697, %get3A_3 : vector<16xf32>
        %get3A_699 = arith.constant 0 : i32
        %get3A_700 = arith.index_cast %get3A_699 : i32 to index
        %get3A_701 = arith.index_cast %add3A_692 : i32 to index
        %get3A_702 = arith.constant 16 : index
        %get3A_703 = tpu.vector_load %arg5[%get3A_700, %get3A_701, %get3A_702] {strides = array<i32>} : memref<2x256x128xf32, #tpu.memory_space<vmem>>, vector<16xf32>,
        %mul3A_704 = arith.mulf %get3A_703, %get3A_5 : vector<16xf32>
        %get3A_705 = arith.constant 0 : i32
        %get3A_706 = arith.index_cast %get3A_705 : i32 to index
        %get3A_707 = arith.index_cast %add3A_692 : i32 to index
        %get3A_708 = arith.constant 32 : index
        %get3A_709 = tpu.vector_load %arg5[%get3A_706, %get3A_707, %get3A_708] {strides = array<i32>} : memref<2x256x128xf32, #tpu.memory_space<vmem>>, vector<16xf32>,
        %mul3A_710 = arith.mulf %get3A_709, %get3A_7 : vector<16xf32>
        %get3A_711 = arith.constant 0 : i32
        %get3A_712 = arith.index_cast %get3A_711 : i32 to index
        %get3A_713 = arith.index_cast %add3A_692 : i32 to index
        %get3A_714 = arith.constant 48 : index
        %get3A_715 = tpu.vector_load %arg5[%get3A_712, %get3A_713, %get3A_714] {strides = array<i32>} : memref<2x256x128xf32, #tpu.memory_space<vmem>>, vector<16xf32>,
        %mul3A_716 = arith.mulf %get3A_715, %get3A_9 : vector<16xf32>
        %get3A_717 = arith.constant 0 : i32
        %get3A_718 = arith.index_cast %get3A_717 : i32 to index
        %get3A_719 = arith.index_cast %add3A_692 : i32 to index
        %get3A_720 = arith.constant 64 : index
        %get3A_721 = tpu.vector_load %arg5[%get3A_718, %get3A_719, %get3A_720] {strides = array<i32>} : memref<2x256x128xf32, #tpu.memory_space<vmem>>, vector<16xf32>,
        %mul3A_722 = arith.mulf %get3A_721, %get3A_11 : vector<16xf32>
        %get3A_723 = arith.constant 0 : i32
        %get3A_724 = arith.index_cast %get3A_723 : i32 to index
        %get3A_725 = arith.index_cast %add3A_692 : i32 to index
        %get3A_726 = arith.constant 80 : index
        %get3A_727 = tpu.vector_load %arg5[%get3A_724, %get3A_725, %get3A_726] {strides = array<i32>} : memref<2x256x128xf32, #tpu.memory_space<vmem>>, vector<16xf32>,
        %mul3A_728 = arith.mulf %get3A_727, %get3A_13 : vector<16xf32>
        %get3A_729 = arith.constant 0 : i32
        %get3A_730 = arith.index_cast %get3A_729 : i32 to index
        %get3A_731 = arith.index_cast %add3A_692 : i32 to index
        %get3A_732 = arith.constant 96 : index
        %get3A_733 = tpu.vector_load %arg5[%get3A_730, %get3A_731, %get3A_732] {strides = array<i32>} : memref<2x256x128xf32, #tpu.memory_space<vmem>>, vector<16xf32>,
        %mul3A_734 = arith.mulf %get3A_733, %get3A_15 : vector<16xf32>
        %get3A_735 = arith.constant 0 : i32
        %get3A_736 = arith.index_cast %get3A_735 : i32 to index
        %get3A_737 = arith.index_cast %add3A_692 : i32 to index
        %get3A_738 = arith.constant 112 : index
        %get3A_739 = tpu.vector_load %arg5[%get3A_736, %get3A_737, %get3A_738] {strides = array<i32>} : memref<2x256x128xf32, #tpu.memory_space<vmem>>, vector<16xf32>,
        %mul3A_740 = arith.mulf %get3A_739, %get3A_17 : vector<16xf32>
        %add3A_741 = arith.addf %mul3A_698, %mul3A_704 : vector<16xf32>
        %add3A_742 = arith.addf %mul3A_710, %mul3A_716 : vector<16xf32>
        %add3A_743 = arith.addf %add3A_741, %add3A_742 : vector<16xf32>
        %add3A_744 = arith.addf %mul3A_722, %mul3A_728 : vector<16xf32>
        %add3A_745 = arith.addf %mul3A_734, %mul3A_740 : vector<16xf32>
        %add3A_746 = arith.addf %add3A_744, %add3A_745 : vector<16xf32>
        %add3A_747 = arith.addf %add3A_743, %add3A_746 : vector<16xf32>
        %swap3A_748 = arith.constant 144 : index
        %swap3A_749 = tpu.vector_load %arg8[%swap3A_748] {strides = array<i32>} : memref<256xf32, #tpu.memory_space<vmem>>, vector<16xf32>,
        tpu.vector_store %arg8[%swap3A_748], %add3A_747 {strides = array<i32>} : memref<256xf32, #tpu.memory_space<vmem>>, vector<16xf32>,
        %mul3A_750 = arith.constant 16 : i32
        %mul3A_751 = arith.muli %scan3A_139, %mul3A_750 : i32
        %add3A_752 = arith.constant 10 : i32
        %add3A_753 = arith.addi %mul3A_751, %add3A_752 : i32
        %get3A_754 = arith.constant 0 : i32
        %get3A_755 = arith.index_cast %get3A_754 : i32 to index
        %get3A_756 = arith.index_cast %add3A_753 : i32 to index
        %get3A_757 = arith.constant 0 : index
        %get3A_758 = tpu.vector_load %arg5[%get3A_755, %get3A_756, %get3A_757] {strides = array<i32>} : memref<2x256x128xf32, #tpu.memory_space<vmem>>, vector<16xf32>,
        %mul3A_759 = arith.mulf %get3A_758, %get3A_3 : vector<16xf32>
        %get3A_760 = arith.constant 0 : i32
        %get3A_761 = arith.index_cast %get3A_760 : i32 to index
        %get3A_762 = arith.index_cast %add3A_753 : i32 to index
        %get3A_763 = arith.constant 16 : index
        %get3A_764 = tpu.vector_load %arg5[%get3A_761, %get3A_762, %get3A_763] {strides = array<i32>} : memref<2x256x128xf32, #tpu.memory_space<vmem>>, vector<16xf32>,
        %mul3A_765 = arith.mulf %get3A_764, %get3A_5 : vector<16xf32>
        %get3A_766 = arith.constant 0 : i32
        %get3A_767 = arith.index_cast %get3A_766 : i32 to index
        %get3A_768 = arith.index_cast %add3A_753 : i32 to index
        %get3A_769 = arith.constant 32 : index
        %get3A_770 = tpu.vector_load %arg5[%get3A_767, %get3A_768, %get3A_769] {strides = array<i32>} : memref<2x256x128xf32, #tpu.memory_space<vmem>>, vector<16xf32>,
        %mul3A_771 = arith.mulf %get3A_770, %get3A_7 : vector<16xf32>
        %get3A_772 = arith.constant 0 : i32
        %get3A_773 = arith.index_cast %get3A_772 : i32 to index
        %get3A_774 = arith.index_cast %add3A_753 : i32 to index
        %get3A_775 = arith.constant 48 : index
        %get3A_776 = tpu.vector_load %arg5[%get3A_773, %get3A_774, %get3A_775] {strides = array<i32>} : memref<2x256x128xf32, #tpu.memory_space<vmem>>, vector<16xf32>,
        %mul3A_777 = arith.mulf %get3A_776, %get3A_9 : vector<16xf32>
        %get3A_778 = arith.constant 0 : i32
        %get3A_779 = arith.index_cast %get3A_778 : i32 to index
        %get3A_780 = arith.index_cast %add3A_753 : i32 to index
        %get3A_781 = arith.constant 64 : index
        %get3A_782 = tpu.vector_load %arg5[%get3A_779, %get3A_780, %get3A_781] {strides = array<i32>} : memref<2x256x128xf32, #tpu.memory_space<vmem>>, vector<16xf32>,
        %mul3A_783 = arith.mulf %get3A_782, %get3A_11 : vector<16xf32>
        %get3A_784 = arith.constant 0 : i32
        %get3A_785 = arith.index_cast %get3A_784 : i32 to index
        %get3A_786 = arith.index_cast %add3A_753 : i32 to index
        %get3A_787 = arith.constant 80 : index
        %get3A_788 = tpu.vector_load %arg5[%get3A_785, %get3A_786, %get3A_787] {strides = array<i32>} : memref<2x256x128xf32, #tpu.memory_space<vmem>>, vector<16xf32>,
        %mul3A_789 = arith.mulf %get3A_788, %get3A_13 : vector<16xf32>
        %get3A_790 = arith.constant 0 : i32
        %get3A_791 = arith.index_cast %get3A_790 : i32 to index
        %get3A_792 = arith.index_cast %add3A_753 : i32 to index
        %get3A_793 = arith.constant 96 : index
        %get3A_794 = tpu.vector_load %arg5[%get3A_791, %get3A_792, %get3A_793] {strides = array<i32>} : memref<2x256x128xf32, #tpu.memory_space<vmem>>, vector<16xf32>,
        %mul3A_795 = arith.mulf %get3A_794, %get3A_15 : vector<16xf32>
        %get3A_796 = arith.constant 0 : i32
        %get3A_797 = arith.index_cast %get3A_796 : i32 to index
        %get3A_798 = arith.index_cast %add3A_753 : i32 to index
        %get3A_799 = arith.constant 112 : index
        %get3A_800 = tpu.vector_load %arg5[%get3A_797, %get3A_798, %get3A_799] {strides = array<i32>} : memref<2x256x128xf32, #tpu.memory_space<vmem>>, vector<16xf32>,
        %mul3A_801 = arith.mulf %get3A_800, %get3A_17 : vector<16xf32>
        %add3A_802 = arith.addf %mul3A_759, %mul3A_765 : vector<16xf32>
        %add3A_803 = arith.addf %mul3A_771, %mul3A_777 : vector<16xf32>
        %add3A_804 = arith.addf %add3A_802, %add3A_803 : vector<16xf32>
        %add3A_805 = arith.addf %mul3A_783, %mul3A_789 : vector<16xf32>
        %add3A_806 = arith.addf %mul3A_795, %mul3A_801 : vector<16xf32>
        %add3A_807 = arith.addf %add3A_805, %add3A_806 : vector<16xf32>
        %add3A_808 = arith.addf %add3A_804, %add3A_807 : vector<16xf32>
        %swap3A_809 = arith.constant 160 : index
        %swap3A_810 = tpu.vector_load %arg8[%swap3A_809] {strides = array<i32>} : memref<256xf32, #tpu.memory_space<vmem>>, vector<16xf32>,
        tpu.vector_store %arg8[%swap3A_809], %add3A_808 {strides = array<i32>} : memref<256xf32, #tpu.memory_space<vmem>>, vector<16xf32>,
        %mul3A_811 = arith.constant 16 : i32
        %mul3A_812 = arith.muli %scan3A_139, %mul3A_811 : i32
        %add3A_813 = arith.constant 11 : i32
        %add3A_814 = arith.addi %mul3A_812, %add3A_813 : i32
        %get3A_815 = arith.constant 0 : i32
        %get3A_816 = arith.index_cast %get3A_815 : i32 to index
        %get3A_817 = arith.index_cast %add3A_814 : i32 to index
        %get3A_818 = arith.constant 0 : index
        %get3A_819 = tpu.vector_load %arg5[%get3A_816, %get3A_817, %get3A_818] {strides = array<i32>} : memref<2x256x128xf32, #tpu.memory_space<vmem>>, vector<16xf32>,
        %mul3A_820 = arith.mulf %get3A_819, %get3A_3 : vector<16xf32>
        %get3A_821 = arith.constant 0 : i32
        %get3A_822 = arith.index_cast %get3A_821 : i32 to index
        %get3A_823 = arith.index_cast %add3A_814 : i32 to index
        %get3A_824 = arith.constant 16 : index
        %get3A_825 = tpu.vector_load %arg5[%get3A_822, %get3A_823, %get3A_824] {strides = array<i32>} : memref<2x256x128xf32, #tpu.memory_space<vmem>>, vector<16xf32>,
        %mul3A_826 = arith.mulf %get3A_825, %get3A_5 : vector<16xf32>
        %get3A_827 = arith.constant 0 : i32
        %get3A_828 = arith.index_cast %get3A_827 : i32 to index
        %get3A_829 = arith.index_cast %add3A_814 : i32 to index
        %get3A_830 = arith.constant 32 : index
        %get3A_831 = tpu.vector_load %arg5[%get3A_828, %get3A_829, %get3A_830] {strides = array<i32>} : memref<2x256x128xf32, #tpu.memory_space<vmem>>, vector<16xf32>,
        %mul3A_832 = arith.mulf %get3A_831, %get3A_7 : vector<16xf32>
        %get3A_833 = arith.constant 0 : i32
        %get3A_834 = arith.index_cast %get3A_833 : i32 to index
        %get3A_835 = arith.index_cast %add3A_814 : i32 to index
        %get3A_836 = arith.constant 48 : index
        %get3A_837 = tpu.vector_load %arg5[%get3A_834, %get3A_835, %get3A_836] {strides = array<i32>} : memref<2x256x128xf32, #tpu.memory_space<vmem>>, vector<16xf32>,
        %mul3A_838 = arith.mulf %get3A_837, %get3A_9 : vector<16xf32>
        %get3A_839 = arith.constant 0 : i32
        %get3A_840 = arith.index_cast %get3A_839 : i32 to index
        %get3A_841 = arith.index_cast %add3A_814 : i32 to index
        %get3A_842 = arith.constant 64 : index
        %get3A_843 = tpu.vector_load %arg5[%get3A_840, %get3A_841, %get3A_842] {strides = array<i32>} : memref<2x256x128xf32, #tpu.memory_space<vmem>>, vector<16xf32>,
        %mul3A_844 = arith.mulf %get3A_843, %get3A_11 : vector<16xf32>
        %get3A_845 = arith.constant 0 : i32
        %get3A_846 = arith.index_cast %get3A_845 : i32 to index
        %get3A_847 = arith.index_cast %add3A_814 : i32 to index
        %get3A_848 = arith.constant 80 : index
        %get3A_849 = tpu.vector_load %arg5[%get3A_846, %get3A_847, %get3A_848] {strides = array<i32>} : memref<2x256x128xf32, #tpu.memory_space<vmem>>, vector<16xf32>,
        %mul3A_850 = arith.mulf %get3A_849, %get3A_13 : vector<16xf32>
        %get3A_851 = arith.constant 0 : i32
        %get3A_852 = arith.index_cast %get3A_851 : i32 to index
        %get3A_853 = arith.index_cast %add3A_814 : i32 to index
        %get3A_854 = arith.constant 96 : index
        %get3A_855 = tpu.vector_load %arg5[%get3A_852, %get3A_853, %get3A_854] {strides = array<i32>} : memref<2x256x128xf32, #tpu.memory_space<vmem>>, vector<16xf32>,
        %mul3A_856 = arith.mulf %get3A_855, %get3A_15 : vector<16xf32>
        %get3A_857 = arith.constant 0 : i32
        %get3A_858 = arith.index_cast %get3A_857 : i32 to index
        %get3A_859 = arith.index_cast %add3A_814 : i32 to index
        %get3A_860 = arith.constant 112 : index
        %get3A_861 = tpu.vector_load %arg5[%get3A_858, %get3A_859, %get3A_860] {strides = array<i32>} : memref<2x256x128xf32, #tpu.memory_space<vmem>>, vector<16xf32>,
        %mul3A_862 = arith.mulf %get3A_861, %get3A_17 : vector<16xf32>
        %add3A_863 = arith.addf %mul3A_820, %mul3A_826 : vector<16xf32>
        %add3A_864 = arith.addf %mul3A_832, %mul3A_838 : vector<16xf32>
        %add3A_865 = arith.addf %add3A_863, %add3A_864 : vector<16xf32>
        %add3A_866 = arith.addf %mul3A_844, %mul3A_850 : vector<16xf32>
        %add3A_867 = arith.addf %mul3A_856, %mul3A_862 : vector<16xf32>
        %add3A_868 = arith.addf %add3A_866, %add3A_867 : vector<16xf32>
        %add3A_869 = arith.addf %add3A_865, %add3A_868 : vector<16xf32>
        %swap3A_870 = arith.constant 176 : index
        %swap3A_871 = tpu.vector_load %arg8[%swap3A_870] {strides = array<i32>} : memref<256xf32, #tpu.memory_space<vmem>>, vector<16xf32>,
        tpu.vector_store %arg8[%swap3A_870], %add3A_869 {strides = array<i32>} : memref<256xf32, #tpu.memory_space<vmem>>, vector<16xf32>,
        %mul3A_872 = arith.constant 16 : i32
        %mul3A_873 = arith.muli %scan3A_139, %mul3A_872 : i32
        %add3A_874 = arith.constant 12 : i32
        %add3A_875 = arith.addi %mul3A_873, %add3A_874 : i32
        %get3A_876 = arith.constant 0 : i32
        %get3A_877 = arith.index_cast %get3A_876 : i32 to index
        %get3A_878 = arith.index_cast %add3A_875 : i32 to index
        %get3A_879 = arith.constant 0 : index
        %get3A_880 = tpu.vector_load %arg5[%get3A_877, %get3A_878, %get3A_879] {strides = array<i32>} : memref<2x256x128xf32, #tpu.memory_space<vmem>>, vector<16xf32>,
        %mul3A_881 = arith.mulf %get3A_880, %get3A_3 : vector<16xf32>
        %get3A_882 = arith.constant 0 : i32
        %get3A_883 = arith.index_cast %get3A_882 : i32 to index
        %get3A_884 = arith.index_cast %add3A_875 : i32 to index
        %get3A_885 = arith.constant 16 : index
        %get3A_886 = tpu.vector_load %arg5[%get3A_883, %get3A_884, %get3A_885] {strides = array<i32>} : memref<2x256x128xf32, #tpu.memory_space<vmem>>, vector<16xf32>,
        %mul3A_887 = arith.mulf %get3A_886, %get3A_5 : vector<16xf32>
        %get3A_888 = arith.constant 0 : i32
        %get3A_889 = arith.index_cast %get3A_888 : i32 to index
        %get3A_890 = arith.index_cast %add3A_875 : i32 to index
        %get3A_891 = arith.constant 32 : index
        %get3A_892 = tpu.vector_load %arg5[%get3A_889, %get3A_890, %get3A_891] {strides = array<i32>} : memref<2x256x128xf32, #tpu.memory_space<vmem>>, vector<16xf32>,
        %mul3A_893 = arith.mulf %get3A_892, %get3A_7 : vector<16xf32>
        %get3A_894 = arith.constant 0 : i32
        %get3A_895 = arith.index_cast %get3A_894 : i32 to index
        %get3A_896 = arith.index_cast %add3A_875 : i32 to index
        %get3A_897 = arith.constant 48 : index
        %get3A_898 = tpu.vector_load %arg5[%get3A_895, %get3A_896, %get3A_897] {strides = array<i32>} : memref<2x256x128xf32, #tpu.memory_space<vmem>>, vector<16xf32>,
        %mul3A_899 = arith.mulf %get3A_898, %get3A_9 : vector<16xf32>
        %get3A_900 = arith.constant 0 : i32
        %get3A_901 = arith.index_cast %get3A_900 : i32 to index
        %get3A_902 = arith.index_cast %add3A_875 : i32 to index
        %get3A_903 = arith.constant 64 : index
        %get3A_904 = tpu.vector_load %arg5[%get3A_901, %get3A_902, %get3A_903] {strides = array<i32>} : memref<2x256x128xf32, #tpu.memory_space<vmem>>, vector<16xf32>,
        %mul3A_905 = arith.mulf %get3A_904, %get3A_11 : vector<16xf32>
        %get3A_906 = arith.constant 0 : i32
        %get3A_907 = arith.index_cast %get3A_906 : i32 to index
        %get3A_908 = arith.index_cast %add3A_875 : i32 to index
        %get3A_909 = arith.constant 80 : index
        %get3A_910 = tpu.vector_load %arg5[%get3A_907, %get3A_908, %get3A_909] {strides = array<i32>} : memref<2x256x128xf32, #tpu.memory_space<vmem>>, vector<16xf32>,
        %mul3A_911 = arith.mulf %get3A_910, %get3A_13 : vector<16xf32>
        %get3A_912 = arith.constant 0 : i32
        %get3A_913 = arith.index_cast %get3A_912 : i32 to index
        %get3A_914 = arith.index_cast %add3A_875 : i32 to index
        %get3A_915 = arith.constant 96 : index
        %get3A_916 = tpu.vector_load %arg5[%get3A_913, %get3A_914, %get3A_915] {strides = array<i32>} : memref<2x256x128xf32, #tpu.memory_space<vmem>>, vector<16xf32>,
        %mul3A_917 = arith.mulf %get3A_916, %get3A_15 : vector<16xf32>
        %get3A_918 = arith.constant 0 : i32
        %get3A_919 = arith.index_cast %get3A_918 : i32 to index
        %get3A_920 = arith.index_cast %add3A_875 : i32 to index
        %get3A_921 = arith.constant 112 : index
        %get3A_922 = tpu.vector_load %arg5[%get3A_919, %get3A_920, %get3A_921] {strides = array<i32>} : memref<2x256x128xf32, #tpu.memory_space<vmem>>, vector<16xf32>,
        %mul3A_923 = arith.mulf %get3A_922, %get3A_17 : vector<16xf32>
        %add3A_924 = arith.addf %mul3A_881, %mul3A_887 : vector<16xf32>
        %add3A_925 = arith.addf %mul3A_893, %mul3A_899 : vector<16xf32>
        %add3A_926 = arith.addf %add3A_924, %add3A_925 : vector<16xf32>
        %add3A_927 = arith.addf %mul3A_905, %mul3A_911 : vector<16xf32>
        %add3A_928 = arith.addf %mul3A_917, %mul3A_923 : vector<16xf32>
        %add3A_929 = arith.addf %add3A_927, %add3A_928 : vector<16xf32>
        %add3A_930 = arith.addf %add3A_926, %add3A_929 : vector<16xf32>
        %swap3A_931 = arith.constant 192 : index
        %swap3A_932 = tpu.vector_load %arg8[%swap3A_931] {strides = array<i32>} : memref<256xf32, #tpu.memory_space<vmem>>, vector<16xf32>,
        tpu.vector_store %arg8[%swap3A_931], %add3A_930 {strides = array<i32>} : memref<256xf32, #tpu.memory_space<vmem>>, vector<16xf32>,
        %mul3A_933 = arith.constant 16 : i32
        %mul3A_934 = arith.muli %scan3A_139, %mul3A_933 : i32
        %add3A_935 = arith.constant 13 : i32
        %add3A_936 = arith.addi %mul3A_934, %add3A_935 : i32
        %get3A_937 = arith.constant 0 : i32
        %get3A_938 = arith.index_cast %get3A_937 : i32 to index
        %get3A_939 = arith.index_cast %add3A_936 : i32 to index
        %get3A_940 = arith.constant 0 : index
        %get3A_941 = tpu.vector_load %arg5[%get3A_938, %get3A_939, %get3A_940] {strides = array<i32>} : memref<2x256x128xf32, #tpu.memory_space<vmem>>, vector<16xf32>,
        %mul3A_942 = arith.mulf %get3A_941, %get3A_3 : vector<16xf32>
        %get3A_943 = arith.constant 0 : i32
        %get3A_944 = arith.index_cast %get3A_943 : i32 to index
        %get3A_945 = arith.index_cast %add3A_936 : i32 to index
        %get3A_946 = arith.constant 16 : index
        %get3A_947 = tpu.vector_load %arg5[%get3A_944, %get3A_945, %get3A_946] {strides = array<i32>} : memref<2x256x128xf32, #tpu.memory_space<vmem>>, vector<16xf32>,
        %mul3A_948 = arith.mulf %get3A_947, %get3A_5 : vector<16xf32>
        %get3A_949 = arith.constant 0 : i32
        %get3A_950 = arith.index_cast %get3A_949 : i32 to index
        %get3A_951 = arith.index_cast %add3A_936 : i32 to index
        %get3A_952 = arith.constant 32 : index
        %get3A_953 = tpu.vector_load %arg5[%get3A_950, %get3A_951, %get3A_952] {strides = array<i32>} : memref<2x256x128xf32, #tpu.memory_space<vmem>>, vector<16xf32>,
        %mul3A_954 = arith.mulf %get3A_953, %get3A_7 : vector<16xf32>
        %get3A_955 = arith.constant 0 : i32
        %get3A_956 = arith.index_cast %get3A_955 : i32 to index
        %get3A_957 = arith.index_cast %add3A_936 : i32 to index
        %get3A_958 = arith.constant 48 : index
        %get3A_959 = tpu.vector_load %arg5[%get3A_956, %get3A_957, %get3A_958] {strides = array<i32>} : memref<2x256x128xf32, #tpu.memory_space<vmem>>, vector<16xf32>,
        %mul3A_960 = arith.mulf %get3A_959, %get3A_9 : vector<16xf32>
        %get3A_961 = arith.constant 0 : i32
        %get3A_962 = arith.index_cast %get3A_961 : i32 to index
        %get3A_963 = arith.index_cast %add3A_936 : i32 to index
        %get3A_964 = arith.constant 64 : index
        %get3A_965 = tpu.vector_load %arg5[%get3A_962, %get3A_963, %get3A_964] {strides = array<i32>} : memref<2x256x128xf32, #tpu.memory_space<vmem>>, vector<16xf32>,
        %mul3A_966 = arith.mulf %get3A_965, %get3A_11 : vector<16xf32>
        %get3A_967 = arith.constant 0 : i32
        %get3A_968 = arith.index_cast %get3A_967 : i32 to index
        %get3A_969 = arith.index_cast %add3A_936 : i32 to index
        %get3A_970 = arith.constant 80 : index
        %get3A_971 = tpu.vector_load %arg5[%get3A_968, %get3A_969, %get3A_970] {strides = array<i32>} : memref<2x256x128xf32, #tpu.memory_space<vmem>>, vector<16xf32>,
        %mul3A_972 = arith.mulf %get3A_971, %get3A_13 : vector<16xf32>
        %get3A_973 = arith.constant 0 : i32
        %get3A_974 = arith.index_cast %get3A_973 : i32 to index
        %get3A_975 = arith.index_cast %add3A_936 : i32 to index
        %get3A_976 = arith.constant 96 : index
        %get3A_977 = tpu.vector_load %arg5[%get3A_974, %get3A_975, %get3A_976] {strides = array<i32>} : memref<2x256x128xf32, #tpu.memory_space<vmem>>, vector<16xf32>,
        %mul3A_978 = arith.mulf %get3A_977, %get3A_15 : vector<16xf32>
        %get3A_979 = arith.constant 0 : i32
        %get3A_980 = arith.index_cast %get3A_979 : i32 to index
        %get3A_981 = arith.index_cast %add3A_936 : i32 to index
        %get3A_982 = arith.constant 112 : index
        %get3A_983 = tpu.vector_load %arg5[%get3A_980, %get3A_981, %get3A_982] {strides = array<i32>} : memref<2x256x128xf32, #tpu.memory_space<vmem>>, vector<16xf32>,
        %mul3A_984 = arith.mulf %get3A_983, %get3A_17 : vector<16xf32>
        %add3A_985 = arith.addf %mul3A_942, %mul3A_948 : vector<16xf32>
        %add3A_986 = arith.addf %mul3A_954, %mul3A_960 : vector<16xf32>
        %add3A_987 = arith.addf %add3A_985, %add3A_986 : vector<16xf32>
        %add3A_988 = arith.addf %mul3A_966, %mul3A_972 : vector<16xf32>
        %add3A_989 = arith.addf %mul3A_978, %mul3A_984 : vector<16xf32>
        %add3A_990 = arith.addf %add3A_988, %add3A_989 : vector<16xf32>
        %add3A_991 = arith.addf %add3A_987, %add3A_990 : vector<16xf32>
        %swap3A_992 = arith.constant 208 : index
        %swap3A_993 = tpu.vector_load %arg8[%swap3A_992] {strides = array<i32>} : memref<256xf32, #tpu.memory_space<vmem>>, vector<16xf32>,
        tpu.vector_store %arg8[%swap3A_992], %add3A_991 {strides = array<i32>} : memref<256xf32, #tpu.memory_space<vmem>>, vector<16xf32>,
        %mul3A_994 = arith.constant 16 : i32
        %mul3A_995 = arith.muli %scan3A_139, %mul3A_994 : i32
        %add3A_996 = arith.constant 14 : i32
        %add3A_997 = arith.addi %mul3A_995, %add3A_996 : i32
        %get3A_998 = arith.constant 0 : i32
        %get3A_999 = arith.index_cast %get3A_998 : i32 to index
        %get3A_1000 = arith.index_cast %add3A_997 : i32 to index
        %get3A_1001 = arith.constant 0 : index
        %get3A_1002 = tpu.vector_load %arg5[%get3A_999, %get3A_1000, %get3A_1001] {strides = array<i32>} : memref<2x256x128xf32, #tpu.memory_space<vmem>>, vector<16xf32>,
        %mul3A_1003 = arith.mulf %get3A_1002, %get3A_3 : vector<16xf32>
        %get3A_1004 = arith.constant 0 : i32
        %get3A_1005 = arith.index_cast %get3A_1004 : i32 to index
        %get3A_1006 = arith.index_cast %add3A_997 : i32 to index
        %get3A_1007 = arith.constant 16 : index
        %get3A_1008 = tpu.vector_load %arg5[%get3A_1005, %get3A_1006, %get3A_1007] {strides = array<i32>} : memref<2x256x128xf32, #tpu.memory_space<vmem>>, vector<16xf32>,
        %mul3A_1009 = arith.mulf %get3A_1008, %get3A_5 : vector<16xf32>
        %get3A_1010 = arith.constant 0 : i32
        %get3A_1011 = arith.index_cast %get3A_1010 : i32 to index
        %get3A_1012 = arith.index_cast %add3A_997 : i32 to index
        %get3A_1013 = arith.constant 32 : index
        %get3A_1014 = tpu.vector_load %arg5[%get3A_1011, %get3A_1012, %get3A_1013] {strides = array<i32>} : memref<2x256x128xf32, #tpu.memory_space<vmem>>, vector<16xf32>,
        %mul3A_1015 = arith.mulf %get3A_1014, %get3A_7 : vector<16xf32>
        %get3A_1016 = arith.constant 0 : i32
        %get3A_1017 = arith.index_cast %get3A_1016 : i32 to index
        %get3A_1018 = arith.index_cast %add3A_997 : i32 to index
        %get3A_1019 = arith.constant 48 : index
        %get3A_1020 = tpu.vector_load %arg5[%get3A_1017, %get3A_1018, %get3A_1019] {strides = array<i32>} : memref<2x256x128xf32, #tpu.memory_space<vmem>>, vector<16xf32>,
        %mul3A_1021 = arith.mulf %get3A_1020, %get3A_9 : vector<16xf32>
        %get3A_1022 = arith.constant 0 : i32
        %get3A_1023 = arith.index_cast %get3A_1022 : i32 to index
        %get3A_1024 = arith.index_cast %add3A_997 : i32 to index
        %get3A_1025 = arith.constant 64 : index
        %get3A_1026 = tpu.vector_load %arg5[%get3A_1023, %get3A_1024, %get3A_1025] {strides = array<i32>} : memref<2x256x128xf32, #tpu.memory_space<vmem>>, vector<16xf32>,
        %mul3A_1027 = arith.mulf %get3A_1026, %get3A_11 : vector<16xf32>
        %get3A_1028 = arith.constant 0 : i32
        %get3A_1029 = arith.index_cast %get3A_1028 : i32 to index
        %get3A_1030 = arith.index_cast %add3A_997 : i32 to index
        %get3A_1031 = arith.constant 80 : index
        %get3A_1032 = tpu.vector_load %arg5[%get3A_1029, %get3A_1030, %get3A_1031] {strides = array<i32>} : memref<2x256x128xf32, #tpu.memory_space<vmem>>, vector<16xf32>,
        %mul3A_1033 = arith.mulf %get3A_1032, %get3A_13 : vector<16xf32>
        %get3A_1034 = arith.constant 0 : i32
        %get3A_1035 = arith.index_cast %get3A_1034 : i32 to index
        %get3A_1036 = arith.index_cast %add3A_997 : i32 to index
        %get3A_1037 = arith.constant 96 : index
        %get3A_1038 = tpu.vector_load %arg5[%get3A_1035, %get3A_1036, %get3A_1037] {strides = array<i32>} : memref<2x256x128xf32, #tpu.memory_space<vmem>>, vector<16xf32>,
        %mul3A_1039 = arith.mulf %get3A_1038, %get3A_15 : vector<16xf32>
        %get3A_1040 = arith.constant 0 : i32
        %get3A_1041 = arith.index_cast %get3A_1040 : i32 to index
        %get3A_1042 = arith.index_cast %add3A_997 : i32 to index
        %get3A_1043 = arith.constant 112 : index
        %get3A_1044 = tpu.vector_load %arg5[%get3A_1041, %get3A_1042, %get3A_1043] {strides = array<i32>} : memref<2x256x128xf32, #tpu.memory_space<vmem>>, vector<16xf32>,
        %mul3A_1045 = arith.mulf %get3A_1044, %get3A_17 : vector<16xf32>
        %add3A_1046 = arith.addf %mul3A_1003, %mul3A_1009 : vector<16xf32>
        %add3A_1047 = arith.addf %mul3A_1015, %mul3A_1021 : vector<16xf32>
        %add3A_1048 = arith.addf %add3A_1046, %add3A_1047 : vector<16xf32>
        %add3A_1049 = arith.addf %mul3A_1027, %mul3A_1033 : vector<16xf32>
        %add3A_1050 = arith.addf %mul3A_1039, %mul3A_1045 : vector<16xf32>
        %add3A_1051 = arith.addf %add3A_1049, %add3A_1050 : vector<16xf32>
        %add3A_1052 = arith.addf %add3A_1048, %add3A_1051 : vector<16xf32>
        %swap3A_1053 = arith.constant 224 : index
        %swap3A_1054 = tpu.vector_load %arg8[%swap3A_1053] {strides = array<i32>} : memref<256xf32, #tpu.memory_space<vmem>>, vector<16xf32>,
        tpu.vector_store %arg8[%swap3A_1053], %add3A_1052 {strides = array<i32>} : memref<256xf32, #tpu.memory_space<vmem>>, vector<16xf32>,
        %mul3A_1055 = arith.constant 16 : i32
        %mul3A_1056 = arith.muli %scan3A_139, %mul3A_1055 : i32
        %add3A_1057 = arith.constant 15 : i32
        %add3A_1058 = arith.addi %mul3A_1056, %add3A_1057 : i32
        %get3A_1059 = arith.constant 0 : i32
        %get3A_1060 = arith.index_cast %get3A_1059 : i32 to index
        %get3A_1061 = arith.index_cast %add3A_1058 : i32 to index
        %get3A_1062 = arith.constant 0 : index
        %get3A_1063 = tpu.vector_load %arg5[%get3A_1060, %get3A_1061, %get3A_1062] {strides = array<i32>} : memref<2x256x128xf32, #tpu.memory_space<vmem>>, vector<16xf32>,
        %mul3A_1064 = arith.mulf %get3A_1063, %get3A_3 : vector<16xf32>
        %get3A_1065 = arith.constant 0 : i32
        %get3A_1066 = arith.index_cast %get3A_1065 : i32 to index
        %get3A_1067 = arith.index_cast %add3A_1058 : i32 to index
        %get3A_1068 = arith.constant 16 : index
        %get3A_1069 = tpu.vector_load %arg5[%get3A_1066, %get3A_1067, %get3A_1068] {strides = array<i32>} : memref<2x256x128xf32, #tpu.memory_space<vmem>>, vector<16xf32>,
        %mul3A_1070 = arith.mulf %get3A_1069, %get3A_5 : vector<16xf32>
        %get3A_1071 = arith.constant 0 : i32
        %get3A_1072 = arith.index_cast %get3A_1071 : i32 to index
        %get3A_1073 = arith.index_cast %add3A_1058 : i32 to index
        %get3A_1074 = arith.constant 32 : index
        %get3A_1075 = tpu.vector_load %arg5[%get3A_1072, %get3A_1073, %get3A_1074] {strides = array<i32>} : memref<2x256x128xf32, #tpu.memory_space<vmem>>, vector<16xf32>,
        %mul3A_1076 = arith.mulf %get3A_1075, %get3A_7 : vector<16xf32>
        %get3A_1077 = arith.constant 0 : i32
        %get3A_1078 = arith.index_cast %get3A_1077 : i32 to index
        %get3A_1079 = arith.index_cast %add3A_1058 : i32 to index
        %get3A_1080 = arith.constant 48 : index
        %get3A_1081 = tpu.vector_load %arg5[%get3A_1078, %get3A_1079, %get3A_1080] {strides = array<i32>} : memref<2x256x128xf32, #tpu.memory_space<vmem>>, vector<16xf32>,
        %mul3A_1082 = arith.mulf %get3A_1081, %get3A_9 : vector<16xf32>
        %get3A_1083 = arith.constant 0 : i32
        %get3A_1084 = arith.index_cast %get3A_1083 : i32 to index
        %get3A_1085 = arith.index_cast %add3A_1058 : i32 to index
        %get3A_1086 = arith.constant 64 : index
        %get3A_1087 = tpu.vector_load %arg5[%get3A_1084, %get3A_1085, %get3A_1086] {strides = array<i32>} : memref<2x256x128xf32, #tpu.memory_space<vmem>>, vector<16xf32>,
        %mul3A_1088 = arith.mulf %get3A_1087, %get3A_11 : vector<16xf32>
        %get3A_1089 = arith.constant 0 : i32
        %get3A_1090 = arith.index_cast %get3A_1089 : i32 to index
        %get3A_1091 = arith.index_cast %add3A_1058 : i32 to index
        %get3A_1092 = arith.constant 80 : index
        %get3A_1093 = tpu.vector_load %arg5[%get3A_1090, %get3A_1091, %get3A_1092] {strides = array<i32>} : memref<2x256x128xf32, #tpu.memory_space<vmem>>, vector<16xf32>,
        %mul3A_1094 = arith.mulf %get3A_1093, %get3A_13 : vector<16xf32>
        %get3A_1095 = arith.constant 0 : i32
        %get3A_1096 = arith.index_cast %get3A_1095 : i32 to index
        %get3A_1097 = arith.index_cast %add3A_1058 : i32 to index
        %get3A_1098 = arith.constant 96 : index
        %get3A_1099 = tpu.vector_load %arg5[%get3A_1096, %get3A_1097, %get3A_1098] {strides = array<i32>} : memref<2x256x128xf32, #tpu.memory_space<vmem>>, vector<16xf32>,
        %mul3A_1100 = arith.mulf %get3A_1099, %get3A_15 : vector<16xf32>
        %get3A_1101 = arith.constant 0 : i32
        %get3A_1102 = arith.index_cast %get3A_1101 : i32 to index
        %get3A_1103 = arith.index_cast %add3A_1058 : i32 to index
        %get3A_1104 = arith.constant 112 : index
        %get3A_1105 = tpu.vector_load %arg5[%get3A_1102, %get3A_1103, %get3A_1104] {strides = array<i32>} : memref<2x256x128xf32, #tpu.memory_space<vmem>>, vector<16xf32>,
        %mul3A_1106 = arith.mulf %get3A_1105, %get3A_17 : vector<16xf32>
        %add3A_1107 = arith.addf %mul3A_1064, %mul3A_1070 : vector<16xf32>
        %add3A_1108 = arith.addf %mul3A_1076, %mul3A_1082 : vector<16xf32>
        %add3A_1109 = arith.addf %add3A_1107, %add3A_1108 : vector<16xf32>
        %add3A_1110 = arith.addf %mul3A_1088, %mul3A_1094 : vector<16xf32>
        %add3A_1111 = arith.addf %mul3A_1100, %mul3A_1106 : vector<16xf32>
        %add3A_1112 = arith.addf %add3A_1110, %add3A_1111 : vector<16xf32>
        %add3A_1113 = arith.addf %add3A_1109, %add3A_1112 : vector<16xf32>
        %swap3A_1114 = arith.constant 240 : index
        %swap3A_1115 = tpu.vector_load %arg8[%swap3A_1114] {strides = array<i32>} : memref<256xf32, #tpu.memory_space<vmem>>, vector<16xf32>,
        tpu.vector_store %arg8[%swap3A_1114], %add3A_1113 {strides = array<i32>} : memref<256xf32, #tpu.memory_space<vmem>>, vector<16xf32>,
        %gather3A = tpu.vector_load_idx %arg8[%mul3A_20] : memref<256xf32, #tpu.memory_space<vmem>>[vector<16xi32>], vector<16xf32>,
        %add3A_1116 = arith.constant 1 : i32
        %add3A_1117 = vector.broadcast %add3A_1116 : i32 to vector<16xi32>
        %add3A_1118 = arith.addi %mul3A_20, %add3A_1117 : vector<16xi32>
        %gather3A_1119 = tpu.vector_load_idx %arg8[%add3A_1118] : memref<256xf32, #tpu.memory_space<vmem>>[vector<16xi32>], vector<16xf32>,
        %add3A_1120 = arith.addf %gather3A, %gather3A_1119 : vector<16xf32>
        %add3A_1121 = arith.constant 2 : i32
        %add3A_1122 = vector.broadcast %add3A_1121 : i32 to vector<16xi32>
        %add3A_1123 = arith.addi %mul3A_20, %add3A_1122 : vector<16xi32>
        %gather3A_1124 = tpu.vector_load_idx %arg8[%add3A_1123] : memref<256xf32, #tpu.memory_space<vmem>>[vector<16xi32>], vector<16xf32>,
        %add3A_1125 = arith.addf %add3A_1120, %gather3A_1124 : vector<16xf32>
        %add3A_1126 = arith.constant 3 : i32
        %add3A_1127 = vector.broadcast %add3A_1126 : i32 to vector<16xi32>
        %add3A_1128 = arith.addi %mul3A_20, %add3A_1127 : vector<16xi32>
        %gather3A_1129 = tpu.vector_load_idx %arg8[%add3A_1128] : memref<256xf32, #tpu.memory_space<vmem>>[vector<16xi32>], vector<16xf32>,
        %add3A_1130 = arith.addf %add3A_1125, %gather3A_1129 : vector<16xf32>
        %add3A_1131 = arith.constant 4 : i32
        %add3A_1132 = vector.broadcast %add3A_1131 : i32 to vector<16xi32>
        %add3A_1133 = arith.addi %mul3A_20, %add3A_1132 : vector<16xi32>
        %gather3A_1134 = tpu.vector_load_idx %arg8[%add3A_1133] : memref<256xf32, #tpu.memory_space<vmem>>[vector<16xi32>], vector<16xf32>,
        %add3A_1135 = arith.addf %add3A_1130, %gather3A_1134 : vector<16xf32>
        %add3A_1136 = arith.constant 5 : i32
        %add3A_1137 = vector.broadcast %add3A_1136 : i32 to vector<16xi32>
        %add3A_1138 = arith.addi %mul3A_20, %add3A_1137 : vector<16xi32>
        %gather3A_1139 = tpu.vector_load_idx %arg8[%add3A_1138] : memref<256xf32, #tpu.memory_space<vmem>>[vector<16xi32>], vector<16xf32>,
        %add3A_1140 = arith.addf %add3A_1135, %gather3A_1139 : vector<16xf32>
        %add3A_1141 = arith.constant 6 : i32
        %add3A_1142 = vector.broadcast %add3A_1141 : i32 to vector<16xi32>
        %add3A_1143 = arith.addi %mul3A_20, %add3A_1142 : vector<16xi32>
        %gather3A_1144 = tpu.vector_load_idx %arg8[%add3A_1143] : memref<256xf32, #tpu.memory_space<vmem>>[vector<16xi32>], vector<16xf32>,
        %add3A_1145 = arith.addf %add3A_1140, %gather3A_1144 : vector<16xf32>
        %add3A_1146 = arith.constant 7 : i32
        %add3A_1147 = vector.broadcast %add3A_1146 : i32 to vector<16xi32>
        %add3A_1148 = arith.addi %mul3A_20, %add3A_1147 : vector<16xi32>
        %gather3A_1149 = tpu.vector_load_idx %arg8[%add3A_1148] : memref<256xf32, #tpu.memory_space<vmem>>[vector<16xi32>], vector<16xf32>,
        %add3A_1150 = arith.addf %add3A_1145, %gather3A_1149 : vector<16xf32>
        %add3A_1151 = arith.constant 8 : i32
        %add3A_1152 = vector.broadcast %add3A_1151 : i32 to vector<16xi32>
        %add3A_1153 = arith.addi %mul3A_20, %add3A_1152 : vector<16xi32>
        %gather3A_1154 = tpu.vector_load_idx %arg8[%add3A_1153] : memref<256xf32, #tpu.memory_space<vmem>>[vector<16xi32>], vector<16xf32>,
        %add3A_1155 = arith.addf %add3A_1150, %gather3A_1154 : vector<16xf32>
        %add3A_1156 = arith.constant 9 : i32
        %add3A_1157 = vector.broadcast %add3A_1156 : i32 to vector<16xi32>
        %add3A_1158 = arith.addi %mul3A_20, %add3A_1157 : vector<16xi32>
        %gather3A_1159 = tpu.vector_load_idx %arg8[%add3A_1158] : memref<256xf32, #tpu.memory_space<vmem>>[vector<16xi32>], vector<16xf32>,
        %add3A_1160 = arith.addf %add3A_1155, %gather3A_1159 : vector<16xf32>
        %add3A_1161 = arith.constant 10 : i32
        %add3A_1162 = vector.broadcast %add3A_1161 : i32 to vector<16xi32>
        %add3A_1163 = arith.addi %mul3A_20, %add3A_1162 : vector<16xi32>
        %gather3A_1164 = tpu.vector_load_idx %arg8[%add3A_1163] : memref<256xf32, #tpu.memory_space<vmem>>[vector<16xi32>], vector<16xf32>,
        %add3A_1165 = arith.addf %add3A_1160, %gather3A_1164 : vector<16xf32>
        %add3A_1166 = arith.constant 11 : i32
        %add3A_1167 = vector.broadcast %add3A_1166 : i32 to vector<16xi32>
        %add3A_1168 = arith.addi %mul3A_20, %add3A_1167 : vector<16xi32>
        %gather3A_1169 = tpu.vector_load_idx %arg8[%add3A_1168] : memref<256xf32, #tpu.memory_space<vmem>>[vector<16xi32>], vector<16xf32>,
        %add3A_1170 = arith.addf %add3A_1165, %gather3A_1169 : vector<16xf32>
        %add3A_1171 = arith.constant 12 : i32
        %add3A_1172 = vector.broadcast %add3A_1171 : i32 to vector<16xi32>
        %add3A_1173 = arith.addi %mul3A_20, %add3A_1172 : vector<16xi32>
        %gather3A_1174 = tpu.vector_load_idx %arg8[%add3A_1173] : memref<256xf32, #tpu.memory_space<vmem>>[vector<16xi32>], vector<16xf32>,
        %add3A_1175 = arith.addf %add3A_1170, %gather3A_1174 : vector<16xf32>
        %add3A_1176 = arith.constant 13 : i32
        %add3A_1177 = vector.broadcast %add3A_1176 : i32 to vector<16xi32>
        %add3A_1178 = arith.addi %mul3A_20, %add3A_1177 : vector<16xi32>
        %gather3A_1179 = tpu.vector_load_idx %arg8[%add3A_1178] : memref<256xf32, #tpu.memory_space<vmem>>[vector<16xi32>], vector<16xf32>,
        %add3A_1180 = arith.addf %add3A_1175, %gather3A_1179 : vector<16xf32>
        %add3A_1181 = arith.constant 14 : i32
        %add3A_1182 = vector.broadcast %add3A_1181 : i32 to vector<16xi32>
        %add3A_1183 = arith.addi %mul3A_20, %add3A_1182 : vector<16xi32>
        %gather3A_1184 = tpu.vector_load_idx %arg8[%add3A_1183] : memref<256xf32, #tpu.memory_space<vmem>>[vector<16xi32>], vector<16xf32>,
        %add3A_1185 = arith.addf %add3A_1180, %gather3A_1184 : vector<16xf32>
        %add3A_1186 = arith.constant 15 : i32
        %add3A_1187 = vector.broadcast %add3A_1186 : i32 to vector<16xi32>
        %add3A_1188 = arith.addi %mul3A_20, %add3A_1187 : vector<16xi32>
        %gather3A_1189 = tpu.vector_load_idx %arg8[%add3A_1188] : memref<256xf32, #tpu.memory_space<vmem>>[vector<16xi32>], vector<16xf32>,
        %add3A_1190 = arith.addf %add3A_1185, %gather3A_1189 : vector<16xf32>
        %mul3A_1191 = arith.constant 256 : i32
        %mul3A_1192 = arith.muli %add3A_70, %mul3A_1191 : i32
        %mul3A_1193 = arith.constant 16 : i32
        %mul3A_1194 = arith.muli %scan3A_139, %mul3A_1193 : i32
        %add3A_1195 = arith.addi %mul3A_1192, %mul3A_1194 : i32
        %swap3A_1196 = arith.index_cast %add3A_1195 : i32 to index
        %swap3A_1197 = tpu.vector_load %arg6[%swap3A_1196] {strides = array<i32>} : memref<1024xf32, #tpu.memory_space<vmem>>, vector<16xf32>,
        tpu.vector_store %arg6[%swap3A_1196], %add3A_1190 {strides = array<i32>} : memref<1024xf32, #tpu.memory_space<vmem>>, vector<16xf32>,
        %scan3A_1198 = arith.constant 0 : i32
        scf.yield %scan3A_1198 : i32
      }
      %scan3A_96 = arith.constant 16 : i32
      %add3A_97 = arith.constant 2 : i32
      %add3A_98 = arith.addi %add3A_70, %add3A_97 : i32
      %lt3A = arith.constant 4 : i32
      %lt3A_99 = arith.cmpi slt, %add3A_98, %lt3A : i32
      %convert_element_type3A = arith.extui %lt3A_99 : i1 to i32
      %cond3A = arith.constant 0 : i32
      %cond3A_100 = arith.cmpi ne, %convert_element_type3A, %cond3A : i32
      scf.if %cond3A_100 {
        %add3A_139 = arith.constant 2 : i32
        %add3A_140 = arith.addi %add3A_70, %add3A_139 : i32
        %mul3A_141 = arith.constant 256 : i32
        %mul3A_142 = arith.muli %add3A_140, %mul3A_141 : i32
        %add3A_143 = arith.addi %mul3A_2, %mul3A_142 : i32
        %dma_start3A_144 = arith.constant 0 : i32
        %dma_start3A_145 = arith.constant 0 : i32
        %dma_start3A_146 = arith.constant 0 : i32
        %dma_start3A_147 = arith.constant 0 : i32
        %dma_start3A_148 = tpu.memref_slice %arg5[%dma_start3A_144, %dma_start3A_146, %dma_start3A_147] : memref<2x256x128xf32, #tpu.memory_space<vmem>> -> memref<1x256x128xf32, #tpu.memory_space<vmem>>
        %dma_start3A_149 = tpu.memref_squeeze %dma_start3A_148 : memref<1x256x128xf32, #tpu.memory_space<vmem>> -> memref<256x128xf32, #tpu.memory_space<vmem>>
        %dma_start3A_150 = arith.constant 0 : i32
        %dma_start3A_151 = tpu.memref_slice %arg2[%add3A_143, %dma_start3A_150] : memref<524288x128xf32, #tpu.memory_space<hbm>> -> memref<256x128xf32, #tpu.memory_space<hbm>>
        %dma_start3A_152 = tpu.memref_slice %arg9[%dma_start3A_145] : memref<2x!tpu.dma_semaphore, #tpu.memory_space<semaphore_mem>> -> memref<1x!tpu.dma_semaphore, #tpu.memory_space<semaphore_mem>>
        %dma_start3A_153 = tpu.memref_squeeze %dma_start3A_152 : memref<1x!tpu.dma_semaphore, #tpu.memory_space<semaphore_mem>> -> memref<!tpu.dma_semaphore, #tpu.memory_space<semaphore_mem>>
        %dma_start3A_154 = arith.constant 0 : i32
        %dma_start3A_155 = arith.constant 0 : i32
        %dma_start3A_156 = tpu.memref_slice %arg5[%dma_start3A_144, %dma_start3A_154, %dma_start3A_155] : memref<2x256x128xf32, #tpu.memory_space<vmem>> -> memref<1x256x128xf32, #tpu.memory_space<vmem>>
        %dma_start3A_157 = tpu.memref_squeeze %dma_start3A_156 : memref<1x256x128xf32, #tpu.memory_space<vmem>> -> memref<256x128xf32, #tpu.memory_space<vmem>>
        %dma_start3A_158 = arith.constant 0 : i32
        %dma_start3A_159 = tpu.memref_slice %arg2[%add3A_143, %dma_start3A_158] : memref<524288x128xf32, #tpu.memory_space<hbm>> -> memref<256x128xf32, #tpu.memory_space<hbm>>
        tpu.enqueue_dma source(%dma_start3A_159 : memref<256x128xf32, #tpu.memory_space<hbm>>) target(%dma_start3A_157 : memref<256x128xf32, #tpu.memory_space<vmem>>) target_semaphore(%dma_start3A_153 : memref<!tpu.dma_semaphore, #tpu.memory_space<semaphore_mem>>)
      } else {
      }
      %mul3A_101 = arith.constant 2 : i32
      %mul3A_102 = arith.muli %scan3A_65, %mul3A_101 : i32
      %add3A_103 = arith.constant 1 : i32
      %add3A_104 = arith.addi %mul3A_102, %add3A_103 : i32
      %mul3A_105 = arith.constant 256 : i32
      %mul3A_106 = arith.muli %add3A_104, %mul3A_105 : i32
      %add3A_107 = arith.addi %mul3A_2, %mul3A_106 : i32
      %dma_wait3A_108 = arith.constant 1 : i32
      %dma_wait3A_109 = arith.constant 1 : i32
      %dma_wait3A_110 = arith.constant 0 : i32
      %dma_wait3A_111 = arith.constant 0 : i32
      %dma_wait3A_112 = tpu.memref_slice %arg5[%dma_wait3A_108, %dma_wait3A_110, %dma_wait3A_111] : memref<2x256x128xf32, #tpu.memory_space<vmem>> -> memref<1x256x128xf32, #tpu.memory_space<vmem>>
      %dma_wait3A_113 = tpu.memref_squeeze %dma_wait3A_112 : memref<1x256x128xf32, #tpu.memory_space<vmem>> -> memref<256x128xf32, #tpu.memory_space<vmem>>
      %dma_wait3A_114 = arith.constant 0 : i32
      %dma_wait3A_115 = tpu.memref_slice %arg2[%add3A_107, %dma_wait3A_114] : memref<524288x128xf32, #tpu.memory_space<hbm>> -> memref<256x128xf32, #tpu.memory_space<hbm>>
      %dma_wait3A_116 = tpu.memref_slice %arg9[%dma_wait3A_109] : memref<2x!tpu.dma_semaphore, #tpu.memory_space<semaphore_mem>> -> memref<1x!tpu.dma_semaphore, #tpu.memory_space<semaphore_mem>>
      %dma_wait3A_117 = tpu.memref_squeeze %dma_wait3A_116 : memref<1x!tpu.dma_semaphore, #tpu.memory_space<semaphore_mem>> -> memref<!tpu.dma_semaphore, #tpu.memory_space<semaphore_mem>>
      %dma_wait3A_118 = arith.constant 0 : i32
      %dma_wait3A_119 = arith.constant 0 : i32
      %dma_wait3A_120 = tpu.memref_slice %arg5[%dma_wait3A_108, %dma_wait3A_118, %dma_wait3A_119] : memref<2x256x128xf32, #tpu.memory_space<vmem>> -> memref<1x256x128xf32, #tpu.memory_space<vmem>>
      %dma_wait3A_121 = tpu.memref_squeeze %dma_wait3A_120 : memref<1x256x128xf32, #tpu.memory_space<vmem>> -> memref<256x128xf32, #tpu.memory_space<vmem>>
      %dma_wait3A_122 = arith.constant 0 : i32
      %dma_wait3A_123 = tpu.memref_slice %arg2[%add3A_107, %dma_wait3A_122] : memref<524288x128xf32, #tpu.memory_space<hbm>> -> memref<256x128xf32, #tpu.memory_space<hbm>>
      tpu.wait_dma2 semaphore(%dma_wait3A_117 : memref<!tpu.dma_semaphore, #tpu.memory_space<semaphore_mem>>) src(%dma_wait3A_123 : memref<256x128xf32, #tpu.memory_space<hbm>>) dst(%dma_wait3A_121 : memref<256x128xf32, #tpu.memory_space<vmem>>)
      %scan3A_124 = arith.constant 0 : i32
      %scan3A_125 = arith.constant 0 : i32
      %scan3A_126 = arith.constant 16 : i32
      %scan3A_127 = arith.addi %scan3A_125, %scan3A_126 : i32
      %scan3A_128 = arith.constant 1 : i32
      %scan3A_129 = scf.for %scan3A_139 = %scan3A_125 to %scan3A_127 step %scan3A_128 iter_args(%scan3A_140 = %scan3A_124) -> (i32)  : i32 {
        %mul3A_141 = arith.constant 16 : i32
        %mul3A_142 = arith.muli %scan3A_139, %mul3A_141 : i32
        %add3A_143 = arith.constant 0 : i32
        %add3A_144 = arith.addi %mul3A_142, %add3A_143 : i32
        %get3A_145 = arith.constant 1 : i32
        %get3A_146 = arith.index_cast %get3A_145 : i32 to index
        %get3A_147 = arith.index_cast %add3A_144 : i32 to index
        %get3A_148 = arith.constant 0 : index
        %get3A_149 = tpu.vector_load %arg5[%get3A_146, %get3A_147, %get3A_148] {strides = array<i32>} : memref<2x256x128xf32, #tpu.memory_space<vmem>>, vector<16xf32>,
        %mul3A_150 = arith.mulf %get3A_149, %get3A_3 : vector<16xf32>
        %get3A_151 = arith.constant 1 : i32
        %get3A_152 = arith.index_cast %get3A_151 : i32 to index
        %get3A_153 = arith.index_cast %add3A_144 : i32 to index
        %get3A_154 = arith.constant 16 : index
        %get3A_155 = tpu.vector_load %arg5[%get3A_152, %get3A_153, %get3A_154] {strides = array<i32>} : memref<2x256x128xf32, #tpu.memory_space<vmem>>, vector<16xf32>,
        %mul3A_156 = arith.mulf %get3A_155, %get3A_5 : vector<16xf32>
        %get3A_157 = arith.constant 1 : i32
        %get3A_158 = arith.index_cast %get3A_157 : i32 to index
        %get3A_159 = arith.index_cast %add3A_144 : i32 to index
        %get3A_160 = arith.constant 32 : index
        %get3A_161 = tpu.vector_load %arg5[%get3A_158, %get3A_159, %get3A_160] {strides = array<i32>} : memref<2x256x128xf32, #tpu.memory_space<vmem>>, vector<16xf32>,
        %mul3A_162 = arith.mulf %get3A_161, %get3A_7 : vector<16xf32>
        %get3A_163 = arith.constant 1 : i32
        %get3A_164 = arith.index_cast %get3A_163 : i32 to index
        %get3A_165 = arith.index_cast %add3A_144 : i32 to index
        %get3A_166 = arith.constant 48 : index
        %get3A_167 = tpu.vector_load %arg5[%get3A_164, %get3A_165, %get3A_166] {strides = array<i32>} : memref<2x256x128xf32, #tpu.memory_space<vmem>>, vector<16xf32>,
        %mul3A_168 = arith.mulf %get3A_167, %get3A_9 : vector<16xf32>
        %get3A_169 = arith.constant 1 : i32
        %get3A_170 = arith.index_cast %get3A_169 : i32 to index
        %get3A_171 = arith.index_cast %add3A_144 : i32 to index
        %get3A_172 = arith.constant 64 : index
        %get3A_173 = tpu.vector_load %arg5[%get3A_170, %get3A_171, %get3A_172] {strides = array<i32>} : memref<2x256x128xf32, #tpu.memory_space<vmem>>, vector<16xf32>,
        %mul3A_174 = arith.mulf %get3A_173, %get3A_11 : vector<16xf32>
        %get3A_175 = arith.constant 1 : i32
        %get3A_176 = arith.index_cast %get3A_175 : i32 to index
        %get3A_177 = arith.index_cast %add3A_144 : i32 to index
        %get3A_178 = arith.constant 80 : index
        %get3A_179 = tpu.vector_load %arg5[%get3A_176, %get3A_177, %get3A_178] {strides = array<i32>} : memref<2x256x128xf32, #tpu.memory_space<vmem>>, vector<16xf32>,
        %mul3A_180 = arith.mulf %get3A_179, %get3A_13 : vector<16xf32>
        %get3A_181 = arith.constant 1 : i32
        %get3A_182 = arith.index_cast %get3A_181 : i32 to index
        %get3A_183 = arith.index_cast %add3A_144 : i32 to index
        %get3A_184 = arith.constant 96 : index
        %get3A_185 = tpu.vector_load %arg5[%get3A_182, %get3A_183, %get3A_184] {strides = array<i32>} : memref<2x256x128xf32, #tpu.memory_space<vmem>>, vector<16xf32>,
        %mul3A_186 = arith.mulf %get3A_185, %get3A_15 : vector<16xf32>
        %get3A_187 = arith.constant 1 : i32
        %get3A_188 = arith.index_cast %get3A_187 : i32 to index
        %get3A_189 = arith.index_cast %add3A_144 : i32 to index
        %get3A_190 = arith.constant 112 : index
        %get3A_191 = tpu.vector_load %arg5[%get3A_188, %get3A_189, %get3A_190] {strides = array<i32>} : memref<2x256x128xf32, #tpu.memory_space<vmem>>, vector<16xf32>,
        %mul3A_192 = arith.mulf %get3A_191, %get3A_17 : vector<16xf32>
        %add3A_193 = arith.addf %mul3A_150, %mul3A_156 : vector<16xf32>
        %add3A_194 = arith.addf %mul3A_162, %mul3A_168 : vector<16xf32>
        %add3A_195 = arith.addf %add3A_193, %add3A_194 : vector<16xf32>
        %add3A_196 = arith.addf %mul3A_174, %mul3A_180 : vector<16xf32>
        %add3A_197 = arith.addf %mul3A_186, %mul3A_192 : vector<16xf32>
        %add3A_198 = arith.addf %add3A_196, %add3A_197 : vector<16xf32>
        %add3A_199 = arith.addf %add3A_195, %add3A_198 : vector<16xf32>
        %swap3A = arith.constant 0 : index
        %swap3A_200 = tpu.vector_load %arg8[%swap3A] {strides = array<i32>} : memref<256xf32, #tpu.memory_space<vmem>>, vector<16xf32>,
        tpu.vector_store %arg8[%swap3A], %add3A_199 {strides = array<i32>} : memref<256xf32, #tpu.memory_space<vmem>>, vector<16xf32>,
        %mul3A_201 = arith.constant 16 : i32
        %mul3A_202 = arith.muli %scan3A_139, %mul3A_201 : i32
        %add3A_203 = arith.constant 1 : i32
        %add3A_204 = arith.addi %mul3A_202, %add3A_203 : i32
        %get3A_205 = arith.constant 1 : i32
        %get3A_206 = arith.index_cast %get3A_205 : i32 to index
        %get3A_207 = arith.index_cast %add3A_204 : i32 to index
        %get3A_208 = arith.constant 0 : index
        %get3A_209 = tpu.vector_load %arg5[%get3A_206, %get3A_207, %get3A_208] {strides = array<i32>} : memref<2x256x128xf32, #tpu.memory_space<vmem>>, vector<16xf32>,
        %mul3A_210 = arith.mulf %get3A_209, %get3A_3 : vector<16xf32>
        %get3A_211 = arith.constant 1 : i32
        %get3A_212 = arith.index_cast %get3A_211 : i32 to index
        %get3A_213 = arith.index_cast %add3A_204 : i32 to index
        %get3A_214 = arith.constant 16 : index
        %get3A_215 = tpu.vector_load %arg5[%get3A_212, %get3A_213, %get3A_214] {strides = array<i32>} : memref<2x256x128xf32, #tpu.memory_space<vmem>>, vector<16xf32>,
        %mul3A_216 = arith.mulf %get3A_215, %get3A_5 : vector<16xf32>
        %get3A_217 = arith.constant 1 : i32
        %get3A_218 = arith.index_cast %get3A_217 : i32 to index
        %get3A_219 = arith.index_cast %add3A_204 : i32 to index
        %get3A_220 = arith.constant 32 : index
        %get3A_221 = tpu.vector_load %arg5[%get3A_218, %get3A_219, %get3A_220] {strides = array<i32>} : memref<2x256x128xf32, #tpu.memory_space<vmem>>, vector<16xf32>,
        %mul3A_222 = arith.mulf %get3A_221, %get3A_7 : vector<16xf32>
        %get3A_223 = arith.constant 1 : i32
        %get3A_224 = arith.index_cast %get3A_223 : i32 to index
        %get3A_225 = arith.index_cast %add3A_204 : i32 to index
        %get3A_226 = arith.constant 48 : index
        %get3A_227 = tpu.vector_load %arg5[%get3A_224, %get3A_225, %get3A_226] {strides = array<i32>} : memref<2x256x128xf32, #tpu.memory_space<vmem>>, vector<16xf32>,
        %mul3A_228 = arith.mulf %get3A_227, %get3A_9 : vector<16xf32>
        %get3A_229 = arith.constant 1 : i32
        %get3A_230 = arith.index_cast %get3A_229 : i32 to index
        %get3A_231 = arith.index_cast %add3A_204 : i32 to index
        %get3A_232 = arith.constant 64 : index
        %get3A_233 = tpu.vector_load %arg5[%get3A_230, %get3A_231, %get3A_232] {strides = array<i32>} : memref<2x256x128xf32, #tpu.memory_space<vmem>>, vector<16xf32>,
        %mul3A_234 = arith.mulf %get3A_233, %get3A_11 : vector<16xf32>
        %get3A_235 = arith.constant 1 : i32
        %get3A_236 = arith.index_cast %get3A_235 : i32 to index
        %get3A_237 = arith.index_cast %add3A_204 : i32 to index
        %get3A_238 = arith.constant 80 : index
        %get3A_239 = tpu.vector_load %arg5[%get3A_236, %get3A_237, %get3A_238] {strides = array<i32>} : memref<2x256x128xf32, #tpu.memory_space<vmem>>, vector<16xf32>,
        %mul3A_240 = arith.mulf %get3A_239, %get3A_13 : vector<16xf32>
        %get3A_241 = arith.constant 1 : i32
        %get3A_242 = arith.index_cast %get3A_241 : i32 to index
        %get3A_243 = arith.index_cast %add3A_204 : i32 to index
        %get3A_244 = arith.constant 96 : index
        %get3A_245 = tpu.vector_load %arg5[%get3A_242, %get3A_243, %get3A_244] {strides = array<i32>} : memref<2x256x128xf32, #tpu.memory_space<vmem>>, vector<16xf32>,
        %mul3A_246 = arith.mulf %get3A_245, %get3A_15 : vector<16xf32>
        %get3A_247 = arith.constant 1 : i32
        %get3A_248 = arith.index_cast %get3A_247 : i32 to index
        %get3A_249 = arith.index_cast %add3A_204 : i32 to index
        %get3A_250 = arith.constant 112 : index
        %get3A_251 = tpu.vector_load %arg5[%get3A_248, %get3A_249, %get3A_250] {strides = array<i32>} : memref<2x256x128xf32, #tpu.memory_space<vmem>>, vector<16xf32>,
        %mul3A_252 = arith.mulf %get3A_251, %get3A_17 : vector<16xf32>
        %add3A_253 = arith.addf %mul3A_210, %mul3A_216 : vector<16xf32>
        %add3A_254 = arith.addf %mul3A_222, %mul3A_228 : vector<16xf32>
        %add3A_255 = arith.addf %add3A_253, %add3A_254 : vector<16xf32>
        %add3A_256 = arith.addf %mul3A_234, %mul3A_240 : vector<16xf32>
        %add3A_257 = arith.addf %mul3A_246, %mul3A_252 : vector<16xf32>
        %add3A_258 = arith.addf %add3A_256, %add3A_257 : vector<16xf32>
        %add3A_259 = arith.addf %add3A_255, %add3A_258 : vector<16xf32>
        %swap3A_260 = arith.constant 16 : index
        %swap3A_261 = tpu.vector_load %arg8[%swap3A_260] {strides = array<i32>} : memref<256xf32, #tpu.memory_space<vmem>>, vector<16xf32>,
        tpu.vector_store %arg8[%swap3A_260], %add3A_259 {strides = array<i32>} : memref<256xf32, #tpu.memory_space<vmem>>, vector<16xf32>,
        %mul3A_262 = arith.constant 16 : i32
        %mul3A_263 = arith.muli %scan3A_139, %mul3A_262 : i32
        %add3A_264 = arith.constant 2 : i32
        %add3A_265 = arith.addi %mul3A_263, %add3A_264 : i32
        %get3A_266 = arith.constant 1 : i32
        %get3A_267 = arith.index_cast %get3A_266 : i32 to index
        %get3A_268 = arith.index_cast %add3A_265 : i32 to index
        %get3A_269 = arith.constant 0 : index
        %get3A_270 = tpu.vector_load %arg5[%get3A_267, %get3A_268, %get3A_269] {strides = array<i32>} : memref<2x256x128xf32, #tpu.memory_space<vmem>>, vector<16xf32>,
        %mul3A_271 = arith.mulf %get3A_270, %get3A_3 : vector<16xf32>
        %get3A_272 = arith.constant 1 : i32
        %get3A_273 = arith.index_cast %get3A_272 : i32 to index
        %get3A_274 = arith.index_cast %add3A_265 : i32 to index
        %get3A_275 = arith.constant 16 : index
        %get3A_276 = tpu.vector_load %arg5[%get3A_273, %get3A_274, %get3A_275] {strides = array<i32>} : memref<2x256x128xf32, #tpu.memory_space<vmem>>, vector<16xf32>,
        %mul3A_277 = arith.mulf %get3A_276, %get3A_5 : vector<16xf32>
        %get3A_278 = arith.constant 1 : i32
        %get3A_279 = arith.index_cast %get3A_278 : i32 to index
        %get3A_280 = arith.index_cast %add3A_265 : i32 to index
        %get3A_281 = arith.constant 32 : index
        %get3A_282 = tpu.vector_load %arg5[%get3A_279, %get3A_280, %get3A_281] {strides = array<i32>} : memref<2x256x128xf32, #tpu.memory_space<vmem>>, vector<16xf32>,
        %mul3A_283 = arith.mulf %get3A_282, %get3A_7 : vector<16xf32>
        %get3A_284 = arith.constant 1 : i32
        %get3A_285 = arith.index_cast %get3A_284 : i32 to index
        %get3A_286 = arith.index_cast %add3A_265 : i32 to index
        %get3A_287 = arith.constant 48 : index
        %get3A_288 = tpu.vector_load %arg5[%get3A_285, %get3A_286, %get3A_287] {strides = array<i32>} : memref<2x256x128xf32, #tpu.memory_space<vmem>>, vector<16xf32>,
        %mul3A_289 = arith.mulf %get3A_288, %get3A_9 : vector<16xf32>
        %get3A_290 = arith.constant 1 : i32
        %get3A_291 = arith.index_cast %get3A_290 : i32 to index
        %get3A_292 = arith.index_cast %add3A_265 : i32 to index
        %get3A_293 = arith.constant 64 : index
        %get3A_294 = tpu.vector_load %arg5[%get3A_291, %get3A_292, %get3A_293] {strides = array<i32>} : memref<2x256x128xf32, #tpu.memory_space<vmem>>, vector<16xf32>,
        %mul3A_295 = arith.mulf %get3A_294, %get3A_11 : vector<16xf32>
        %get3A_296 = arith.constant 1 : i32
        %get3A_297 = arith.index_cast %get3A_296 : i32 to index
        %get3A_298 = arith.index_cast %add3A_265 : i32 to index
        %get3A_299 = arith.constant 80 : index
        %get3A_300 = tpu.vector_load %arg5[%get3A_297, %get3A_298, %get3A_299] {strides = array<i32>} : memref<2x256x128xf32, #tpu.memory_space<vmem>>, vector<16xf32>,
        %mul3A_301 = arith.mulf %get3A_300, %get3A_13 : vector<16xf32>
        %get3A_302 = arith.constant 1 : i32
        %get3A_303 = arith.index_cast %get3A_302 : i32 to index
        %get3A_304 = arith.index_cast %add3A_265 : i32 to index
        %get3A_305 = arith.constant 96 : index
        %get3A_306 = tpu.vector_load %arg5[%get3A_303, %get3A_304, %get3A_305] {strides = array<i32>} : memref<2x256x128xf32, #tpu.memory_space<vmem>>, vector<16xf32>,
        %mul3A_307 = arith.mulf %get3A_306, %get3A_15 : vector<16xf32>
        %get3A_308 = arith.constant 1 : i32
        %get3A_309 = arith.index_cast %get3A_308 : i32 to index
        %get3A_310 = arith.index_cast %add3A_265 : i32 to index
        %get3A_311 = arith.constant 112 : index
        %get3A_312 = tpu.vector_load %arg5[%get3A_309, %get3A_310, %get3A_311] {strides = array<i32>} : memref<2x256x128xf32, #tpu.memory_space<vmem>>, vector<16xf32>,
        %mul3A_313 = arith.mulf %get3A_312, %get3A_17 : vector<16xf32>
        %add3A_314 = arith.addf %mul3A_271, %mul3A_277 : vector<16xf32>
        %add3A_315 = arith.addf %mul3A_283, %mul3A_289 : vector<16xf32>
        %add3A_316 = arith.addf %add3A_314, %add3A_315 : vector<16xf32>
        %add3A_317 = arith.addf %mul3A_295, %mul3A_301 : vector<16xf32>
        %add3A_318 = arith.addf %mul3A_307, %mul3A_313 : vector<16xf32>
        %add3A_319 = arith.addf %add3A_317, %add3A_318 : vector<16xf32>
        %add3A_320 = arith.addf %add3A_316, %add3A_319 : vector<16xf32>
        %swap3A_321 = arith.constant 32 : index
        %swap3A_322 = tpu.vector_load %arg8[%swap3A_321] {strides = array<i32>} : memref<256xf32, #tpu.memory_space<vmem>>, vector<16xf32>,
        tpu.vector_store %arg8[%swap3A_321], %add3A_320 {strides = array<i32>} : memref<256xf32, #tpu.memory_space<vmem>>, vector<16xf32>,
        %mul3A_323 = arith.constant 16 : i32
        %mul3A_324 = arith.muli %scan3A_139, %mul3A_323 : i32
        %add3A_325 = arith.constant 3 : i32
        %add3A_326 = arith.addi %mul3A_324, %add3A_325 : i32
        %get3A_327 = arith.constant 1 : i32
        %get3A_328 = arith.index_cast %get3A_327 : i32 to index
        %get3A_329 = arith.index_cast %add3A_326 : i32 to index
        %get3A_330 = arith.constant 0 : index
        %get3A_331 = tpu.vector_load %arg5[%get3A_328, %get3A_329, %get3A_330] {strides = array<i32>} : memref<2x256x128xf32, #tpu.memory_space<vmem>>, vector<16xf32>,
        %mul3A_332 = arith.mulf %get3A_331, %get3A_3 : vector<16xf32>
        %get3A_333 = arith.constant 1 : i32
        %get3A_334 = arith.index_cast %get3A_333 : i32 to index
        %get3A_335 = arith.index_cast %add3A_326 : i32 to index
        %get3A_336 = arith.constant 16 : index
        %get3A_337 = tpu.vector_load %arg5[%get3A_334, %get3A_335, %get3A_336] {strides = array<i32>} : memref<2x256x128xf32, #tpu.memory_space<vmem>>, vector<16xf32>,
        %mul3A_338 = arith.mulf %get3A_337, %get3A_5 : vector<16xf32>
        %get3A_339 = arith.constant 1 : i32
        %get3A_340 = arith.index_cast %get3A_339 : i32 to index
        %get3A_341 = arith.index_cast %add3A_326 : i32 to index
        %get3A_342 = arith.constant 32 : index
        %get3A_343 = tpu.vector_load %arg5[%get3A_340, %get3A_341, %get3A_342] {strides = array<i32>} : memref<2x256x128xf32, #tpu.memory_space<vmem>>, vector<16xf32>,
        %mul3A_344 = arith.mulf %get3A_343, %get3A_7 : vector<16xf32>
        %get3A_345 = arith.constant 1 : i32
        %get3A_346 = arith.index_cast %get3A_345 : i32 to index
        %get3A_347 = arith.index_cast %add3A_326 : i32 to index
        %get3A_348 = arith.constant 48 : index
        %get3A_349 = tpu.vector_load %arg5[%get3A_346, %get3A_347, %get3A_348] {strides = array<i32>} : memref<2x256x128xf32, #tpu.memory_space<vmem>>, vector<16xf32>,
        %mul3A_350 = arith.mulf %get3A_349, %get3A_9 : vector<16xf32>
        %get3A_351 = arith.constant 1 : i32
        %get3A_352 = arith.index_cast %get3A_351 : i32 to index
        %get3A_353 = arith.index_cast %add3A_326 : i32 to index
        %get3A_354 = arith.constant 64 : index
        %get3A_355 = tpu.vector_load %arg5[%get3A_352, %get3A_353, %get3A_354] {strides = array<i32>} : memref<2x256x128xf32, #tpu.memory_space<vmem>>, vector<16xf32>,
        %mul3A_356 = arith.mulf %get3A_355, %get3A_11 : vector<16xf32>
        %get3A_357 = arith.constant 1 : i32
        %get3A_358 = arith.index_cast %get3A_357 : i32 to index
        %get3A_359 = arith.index_cast %add3A_326 : i32 to index
        %get3A_360 = arith.constant 80 : index
        %get3A_361 = tpu.vector_load %arg5[%get3A_358, %get3A_359, %get3A_360] {strides = array<i32>} : memref<2x256x128xf32, #tpu.memory_space<vmem>>, vector<16xf32>,
        %mul3A_362 = arith.mulf %get3A_361, %get3A_13 : vector<16xf32>
        %get3A_363 = arith.constant 1 : i32
        %get3A_364 = arith.index_cast %get3A_363 : i32 to index
        %get3A_365 = arith.index_cast %add3A_326 : i32 to index
        %get3A_366 = arith.constant 96 : index
        %get3A_367 = tpu.vector_load %arg5[%get3A_364, %get3A_365, %get3A_366] {strides = array<i32>} : memref<2x256x128xf32, #tpu.memory_space<vmem>>, vector<16xf32>,
        %mul3A_368 = arith.mulf %get3A_367, %get3A_15 : vector<16xf32>
        %get3A_369 = arith.constant 1 : i32
        %get3A_370 = arith.index_cast %get3A_369 : i32 to index
        %get3A_371 = arith.index_cast %add3A_326 : i32 to index
        %get3A_372 = arith.constant 112 : index
        %get3A_373 = tpu.vector_load %arg5[%get3A_370, %get3A_371, %get3A_372] {strides = array<i32>} : memref<2x256x128xf32, #tpu.memory_space<vmem>>, vector<16xf32>,
        %mul3A_374 = arith.mulf %get3A_373, %get3A_17 : vector<16xf32>
        %add3A_375 = arith.addf %mul3A_332, %mul3A_338 : vector<16xf32>
        %add3A_376 = arith.addf %mul3A_344, %mul3A_350 : vector<16xf32>
        %add3A_377 = arith.addf %add3A_375, %add3A_376 : vector<16xf32>
        %add3A_378 = arith.addf %mul3A_356, %mul3A_362 : vector<16xf32>
        %add3A_379 = arith.addf %mul3A_368, %mul3A_374 : vector<16xf32>
        %add3A_380 = arith.addf %add3A_378, %add3A_379 : vector<16xf32>
        %add3A_381 = arith.addf %add3A_377, %add3A_380 : vector<16xf32>
        %swap3A_382 = arith.constant 48 : index
        %swap3A_383 = tpu.vector_load %arg8[%swap3A_382] {strides = array<i32>} : memref<256xf32, #tpu.memory_space<vmem>>, vector<16xf32>,
        tpu.vector_store %arg8[%swap3A_382], %add3A_381 {strides = array<i32>} : memref<256xf32, #tpu.memory_space<vmem>>, vector<16xf32>,
        %mul3A_384 = arith.constant 16 : i32
        %mul3A_385 = arith.muli %scan3A_139, %mul3A_384 : i32
        %add3A_386 = arith.constant 4 : i32
        %add3A_387 = arith.addi %mul3A_385, %add3A_386 : i32
        %get3A_388 = arith.constant 1 : i32
        %get3A_389 = arith.index_cast %get3A_388 : i32 to index
        %get3A_390 = arith.index_cast %add3A_387 : i32 to index
        %get3A_391 = arith.constant 0 : index
        %get3A_392 = tpu.vector_load %arg5[%get3A_389, %get3A_390, %get3A_391] {strides = array<i32>} : memref<2x256x128xf32, #tpu.memory_space<vmem>>, vector<16xf32>,
        %mul3A_393 = arith.mulf %get3A_392, %get3A_3 : vector<16xf32>
        %get3A_394 = arith.constant 1 : i32
        %get3A_395 = arith.index_cast %get3A_394 : i32 to index
        %get3A_396 = arith.index_cast %add3A_387 : i32 to index
        %get3A_397 = arith.constant 16 : index
        %get3A_398 = tpu.vector_load %arg5[%get3A_395, %get3A_396, %get3A_397] {strides = array<i32>} : memref<2x256x128xf32, #tpu.memory_space<vmem>>, vector<16xf32>,
        %mul3A_399 = arith.mulf %get3A_398, %get3A_5 : vector<16xf32>
        %get3A_400 = arith.constant 1 : i32
        %get3A_401 = arith.index_cast %get3A_400 : i32 to index
        %get3A_402 = arith.index_cast %add3A_387 : i32 to index
        %get3A_403 = arith.constant 32 : index
        %get3A_404 = tpu.vector_load %arg5[%get3A_401, %get3A_402, %get3A_403] {strides = array<i32>} : memref<2x256x128xf32, #tpu.memory_space<vmem>>, vector<16xf32>,
        %mul3A_405 = arith.mulf %get3A_404, %get3A_7 : vector<16xf32>
        %get3A_406 = arith.constant 1 : i32
        %get3A_407 = arith.index_cast %get3A_406 : i32 to index
        %get3A_408 = arith.index_cast %add3A_387 : i32 to index
        %get3A_409 = arith.constant 48 : index
        %get3A_410 = tpu.vector_load %arg5[%get3A_407, %get3A_408, %get3A_409] {strides = array<i32>} : memref<2x256x128xf32, #tpu.memory_space<vmem>>, vector<16xf32>,
        %mul3A_411 = arith.mulf %get3A_410, %get3A_9 : vector<16xf32>
        %get3A_412 = arith.constant 1 : i32
        %get3A_413 = arith.index_cast %get3A_412 : i32 to index
        %get3A_414 = arith.index_cast %add3A_387 : i32 to index
        %get3A_415 = arith.constant 64 : index
        %get3A_416 = tpu.vector_load %arg5[%get3A_413, %get3A_414, %get3A_415] {strides = array<i32>} : memref<2x256x128xf32, #tpu.memory_space<vmem>>, vector<16xf32>,
        %mul3A_417 = arith.mulf %get3A_416, %get3A_11 : vector<16xf32>
        %get3A_418 = arith.constant 1 : i32
        %get3A_419 = arith.index_cast %get3A_418 : i32 to index
        %get3A_420 = arith.index_cast %add3A_387 : i32 to index
        %get3A_421 = arith.constant 80 : index
        %get3A_422 = tpu.vector_load %arg5[%get3A_419, %get3A_420, %get3A_421] {strides = array<i32>} : memref<2x256x128xf32, #tpu.memory_space<vmem>>, vector<16xf32>,
        %mul3A_423 = arith.mulf %get3A_422, %get3A_13 : vector<16xf32>
        %get3A_424 = arith.constant 1 : i32
        %get3A_425 = arith.index_cast %get3A_424 : i32 to index
        %get3A_426 = arith.index_cast %add3A_387 : i32 to index
        %get3A_427 = arith.constant 96 : index
        %get3A_428 = tpu.vector_load %arg5[%get3A_425, %get3A_426, %get3A_427] {strides = array<i32>} : memref<2x256x128xf32, #tpu.memory_space<vmem>>, vector<16xf32>,
        %mul3A_429 = arith.mulf %get3A_428, %get3A_15 : vector<16xf32>
        %get3A_430 = arith.constant 1 : i32
        %get3A_431 = arith.index_cast %get3A_430 : i32 to index
        %get3A_432 = arith.index_cast %add3A_387 : i32 to index
        %get3A_433 = arith.constant 112 : index
        %get3A_434 = tpu.vector_load %arg5[%get3A_431, %get3A_432, %get3A_433] {strides = array<i32>} : memref<2x256x128xf32, #tpu.memory_space<vmem>>, vector<16xf32>,
        %mul3A_435 = arith.mulf %get3A_434, %get3A_17 : vector<16xf32>
        %add3A_436 = arith.addf %mul3A_393, %mul3A_399 : vector<16xf32>
        %add3A_437 = arith.addf %mul3A_405, %mul3A_411 : vector<16xf32>
        %add3A_438 = arith.addf %add3A_436, %add3A_437 : vector<16xf32>
        %add3A_439 = arith.addf %mul3A_417, %mul3A_423 : vector<16xf32>
        %add3A_440 = arith.addf %mul3A_429, %mul3A_435 : vector<16xf32>
        %add3A_441 = arith.addf %add3A_439, %add3A_440 : vector<16xf32>
        %add3A_442 = arith.addf %add3A_438, %add3A_441 : vector<16xf32>
        %swap3A_443 = arith.constant 64 : index
        %swap3A_444 = tpu.vector_load %arg8[%swap3A_443] {strides = array<i32>} : memref<256xf32, #tpu.memory_space<vmem>>, vector<16xf32>,
        tpu.vector_store %arg8[%swap3A_443], %add3A_442 {strides = array<i32>} : memref<256xf32, #tpu.memory_space<vmem>>, vector<16xf32>,
        %mul3A_445 = arith.constant 16 : i32
        %mul3A_446 = arith.muli %scan3A_139, %mul3A_445 : i32
        %add3A_447 = arith.constant 5 : i32
        %add3A_448 = arith.addi %mul3A_446, %add3A_447 : i32
        %get3A_449 = arith.constant 1 : i32
        %get3A_450 = arith.index_cast %get3A_449 : i32 to index
        %get3A_451 = arith.index_cast %add3A_448 : i32 to index
        %get3A_452 = arith.constant 0 : index
        %get3A_453 = tpu.vector_load %arg5[%get3A_450, %get3A_451, %get3A_452] {strides = array<i32>} : memref<2x256x128xf32, #tpu.memory_space<vmem>>, vector<16xf32>,
        %mul3A_454 = arith.mulf %get3A_453, %get3A_3 : vector<16xf32>
        %get3A_455 = arith.constant 1 : i32
        %get3A_456 = arith.index_cast %get3A_455 : i32 to index
        %get3A_457 = arith.index_cast %add3A_448 : i32 to index
        %get3A_458 = arith.constant 16 : index
        %get3A_459 = tpu.vector_load %arg5[%get3A_456, %get3A_457, %get3A_458] {strides = array<i32>} : memref<2x256x128xf32, #tpu.memory_space<vmem>>, vector<16xf32>,
        %mul3A_460 = arith.mulf %get3A_459, %get3A_5 : vector<16xf32>
        %get3A_461 = arith.constant 1 : i32
        %get3A_462 = arith.index_cast %get3A_461 : i32 to index
        %get3A_463 = arith.index_cast %add3A_448 : i32 to index
        %get3A_464 = arith.constant 32 : index
        %get3A_465 = tpu.vector_load %arg5[%get3A_462, %get3A_463, %get3A_464] {strides = array<i32>} : memref<2x256x128xf32, #tpu.memory_space<vmem>>, vector<16xf32>,
        %mul3A_466 = arith.mulf %get3A_465, %get3A_7 : vector<16xf32>
        %get3A_467 = arith.constant 1 : i32
        %get3A_468 = arith.index_cast %get3A_467 : i32 to index
        %get3A_469 = arith.index_cast %add3A_448 : i32 to index
        %get3A_470 = arith.constant 48 : index
        %get3A_471 = tpu.vector_load %arg5[%get3A_468, %get3A_469, %get3A_470] {strides = array<i32>} : memref<2x256x128xf32, #tpu.memory_space<vmem>>, vector<16xf32>,
        %mul3A_472 = arith.mulf %get3A_471, %get3A_9 : vector<16xf32>
        %get3A_473 = arith.constant 1 : i32
        %get3A_474 = arith.index_cast %get3A_473 : i32 to index
        %get3A_475 = arith.index_cast %add3A_448 : i32 to index
        %get3A_476 = arith.constant 64 : index
        %get3A_477 = tpu.vector_load %arg5[%get3A_474, %get3A_475, %get3A_476] {strides = array<i32>} : memref<2x256x128xf32, #tpu.memory_space<vmem>>, vector<16xf32>,
        %mul3A_478 = arith.mulf %get3A_477, %get3A_11 : vector<16xf32>
        %get3A_479 = arith.constant 1 : i32
        %get3A_480 = arith.index_cast %get3A_479 : i32 to index
        %get3A_481 = arith.index_cast %add3A_448 : i32 to index
        %get3A_482 = arith.constant 80 : index
        %get3A_483 = tpu.vector_load %arg5[%get3A_480, %get3A_481, %get3A_482] {strides = array<i32>} : memref<2x256x128xf32, #tpu.memory_space<vmem>>, vector<16xf32>,
        %mul3A_484 = arith.mulf %get3A_483, %get3A_13 : vector<16xf32>
        %get3A_485 = arith.constant 1 : i32
        %get3A_486 = arith.index_cast %get3A_485 : i32 to index
        %get3A_487 = arith.index_cast %add3A_448 : i32 to index
        %get3A_488 = arith.constant 96 : index
        %get3A_489 = tpu.vector_load %arg5[%get3A_486, %get3A_487, %get3A_488] {strides = array<i32>} : memref<2x256x128xf32, #tpu.memory_space<vmem>>, vector<16xf32>,
        %mul3A_490 = arith.mulf %get3A_489, %get3A_15 : vector<16xf32>
        %get3A_491 = arith.constant 1 : i32
        %get3A_492 = arith.index_cast %get3A_491 : i32 to index
        %get3A_493 = arith.index_cast %add3A_448 : i32 to index
        %get3A_494 = arith.constant 112 : index
        %get3A_495 = tpu.vector_load %arg5[%get3A_492, %get3A_493, %get3A_494] {strides = array<i32>} : memref<2x256x128xf32, #tpu.memory_space<vmem>>, vector<16xf32>,
        %mul3A_496 = arith.mulf %get3A_495, %get3A_17 : vector<16xf32>
        %add3A_497 = arith.addf %mul3A_454, %mul3A_460 : vector<16xf32>
        %add3A_498 = arith.addf %mul3A_466, %mul3A_472 : vector<16xf32>
        %add3A_499 = arith.addf %add3A_497, %add3A_498 : vector<16xf32>
        %add3A_500 = arith.addf %mul3A_478, %mul3A_484 : vector<16xf32>
        %add3A_501 = arith.addf %mul3A_490, %mul3A_496 : vector<16xf32>
        %add3A_502 = arith.addf %add3A_500, %add3A_501 : vector<16xf32>
        %add3A_503 = arith.addf %add3A_499, %add3A_502 : vector<16xf32>
        %swap3A_504 = arith.constant 80 : index
        %swap3A_505 = tpu.vector_load %arg8[%swap3A_504] {strides = array<i32>} : memref<256xf32, #tpu.memory_space<vmem>>, vector<16xf32>,
        tpu.vector_store %arg8[%swap3A_504], %add3A_503 {strides = array<i32>} : memref<256xf32, #tpu.memory_space<vmem>>, vector<16xf32>,
        %mul3A_506 = arith.constant 16 : i32
        %mul3A_507 = arith.muli %scan3A_139, %mul3A_506 : i32
        %add3A_508 = arith.constant 6 : i32
        %add3A_509 = arith.addi %mul3A_507, %add3A_508 : i32
        %get3A_510 = arith.constant 1 : i32
        %get3A_511 = arith.index_cast %get3A_510 : i32 to index
        %get3A_512 = arith.index_cast %add3A_509 : i32 to index
        %get3A_513 = arith.constant 0 : index
        %get3A_514 = tpu.vector_load %arg5[%get3A_511, %get3A_512, %get3A_513] {strides = array<i32>} : memref<2x256x128xf32, #tpu.memory_space<vmem>>, vector<16xf32>,
        %mul3A_515 = arith.mulf %get3A_514, %get3A_3 : vector<16xf32>
        %get3A_516 = arith.constant 1 : i32
        %get3A_517 = arith.index_cast %get3A_516 : i32 to index
        %get3A_518 = arith.index_cast %add3A_509 : i32 to index
        %get3A_519 = arith.constant 16 : index
        %get3A_520 = tpu.vector_load %arg5[%get3A_517, %get3A_518, %get3A_519] {strides = array<i32>} : memref<2x256x128xf32, #tpu.memory_space<vmem>>, vector<16xf32>,
        %mul3A_521 = arith.mulf %get3A_520, %get3A_5 : vector<16xf32>
        %get3A_522 = arith.constant 1 : i32
        %get3A_523 = arith.index_cast %get3A_522 : i32 to index
        %get3A_524 = arith.index_cast %add3A_509 : i32 to index
        %get3A_525 = arith.constant 32 : index
        %get3A_526 = tpu.vector_load %arg5[%get3A_523, %get3A_524, %get3A_525] {strides = array<i32>} : memref<2x256x128xf32, #tpu.memory_space<vmem>>, vector<16xf32>,
        %mul3A_527 = arith.mulf %get3A_526, %get3A_7 : vector<16xf32>
        %get3A_528 = arith.constant 1 : i32
        %get3A_529 = arith.index_cast %get3A_528 : i32 to index
        %get3A_530 = arith.index_cast %add3A_509 : i32 to index
        %get3A_531 = arith.constant 48 : index
        %get3A_532 = tpu.vector_load %arg5[%get3A_529, %get3A_530, %get3A_531] {strides = array<i32>} : memref<2x256x128xf32, #tpu.memory_space<vmem>>, vector<16xf32>,
        %mul3A_533 = arith.mulf %get3A_532, %get3A_9 : vector<16xf32>
        %get3A_534 = arith.constant 1 : i32
        %get3A_535 = arith.index_cast %get3A_534 : i32 to index
        %get3A_536 = arith.index_cast %add3A_509 : i32 to index
        %get3A_537 = arith.constant 64 : index
        %get3A_538 = tpu.vector_load %arg5[%get3A_535, %get3A_536, %get3A_537] {strides = array<i32>} : memref<2x256x128xf32, #tpu.memory_space<vmem>>, vector<16xf32>,
        %mul3A_539 = arith.mulf %get3A_538, %get3A_11 : vector<16xf32>
        %get3A_540 = arith.constant 1 : i32
        %get3A_541 = arith.index_cast %get3A_540 : i32 to index
        %get3A_542 = arith.index_cast %add3A_509 : i32 to index
        %get3A_543 = arith.constant 80 : index
        %get3A_544 = tpu.vector_load %arg5[%get3A_541, %get3A_542, %get3A_543] {strides = array<i32>} : memref<2x256x128xf32, #tpu.memory_space<vmem>>, vector<16xf32>,
        %mul3A_545 = arith.mulf %get3A_544, %get3A_13 : vector<16xf32>
        %get3A_546 = arith.constant 1 : i32
        %get3A_547 = arith.index_cast %get3A_546 : i32 to index
        %get3A_548 = arith.index_cast %add3A_509 : i32 to index
        %get3A_549 = arith.constant 96 : index
        %get3A_550 = tpu.vector_load %arg5[%get3A_547, %get3A_548, %get3A_549] {strides = array<i32>} : memref<2x256x128xf32, #tpu.memory_space<vmem>>, vector<16xf32>,
        %mul3A_551 = arith.mulf %get3A_550, %get3A_15 : vector<16xf32>
        %get3A_552 = arith.constant 1 : i32
        %get3A_553 = arith.index_cast %get3A_552 : i32 to index
        %get3A_554 = arith.index_cast %add3A_509 : i32 to index
        %get3A_555 = arith.constant 112 : index
        %get3A_556 = tpu.vector_load %arg5[%get3A_553, %get3A_554, %get3A_555] {strides = array<i32>} : memref<2x256x128xf32, #tpu.memory_space<vmem>>, vector<16xf32>,
        %mul3A_557 = arith.mulf %get3A_556, %get3A_17 : vector<16xf32>
        %add3A_558 = arith.addf %mul3A_515, %mul3A_521 : vector<16xf32>
        %add3A_559 = arith.addf %mul3A_527, %mul3A_533 : vector<16xf32>
        %add3A_560 = arith.addf %add3A_558, %add3A_559 : vector<16xf32>
        %add3A_561 = arith.addf %mul3A_539, %mul3A_545 : vector<16xf32>
        %add3A_562 = arith.addf %mul3A_551, %mul3A_557 : vector<16xf32>
        %add3A_563 = arith.addf %add3A_561, %add3A_562 : vector<16xf32>
        %add3A_564 = arith.addf %add3A_560, %add3A_563 : vector<16xf32>
        %swap3A_565 = arith.constant 96 : index
        %swap3A_566 = tpu.vector_load %arg8[%swap3A_565] {strides = array<i32>} : memref<256xf32, #tpu.memory_space<vmem>>, vector<16xf32>,
        tpu.vector_store %arg8[%swap3A_565], %add3A_564 {strides = array<i32>} : memref<256xf32, #tpu.memory_space<vmem>>, vector<16xf32>,
        %mul3A_567 = arith.constant 16 : i32
        %mul3A_568 = arith.muli %scan3A_139, %mul3A_567 : i32
        %add3A_569 = arith.constant 7 : i32
        %add3A_570 = arith.addi %mul3A_568, %add3A_569 : i32
        %get3A_571 = arith.constant 1 : i32
        %get3A_572 = arith.index_cast %get3A_571 : i32 to index
        %get3A_573 = arith.index_cast %add3A_570 : i32 to index
        %get3A_574 = arith.constant 0 : index
        %get3A_575 = tpu.vector_load %arg5[%get3A_572, %get3A_573, %get3A_574] {strides = array<i32>} : memref<2x256x128xf32, #tpu.memory_space<vmem>>, vector<16xf32>,
        %mul3A_576 = arith.mulf %get3A_575, %get3A_3 : vector<16xf32>
        %get3A_577 = arith.constant 1 : i32
        %get3A_578 = arith.index_cast %get3A_577 : i32 to index
        %get3A_579 = arith.index_cast %add3A_570 : i32 to index
        %get3A_580 = arith.constant 16 : index
        %get3A_581 = tpu.vector_load %arg5[%get3A_578, %get3A_579, %get3A_580] {strides = array<i32>} : memref<2x256x128xf32, #tpu.memory_space<vmem>>, vector<16xf32>,
        %mul3A_582 = arith.mulf %get3A_581, %get3A_5 : vector<16xf32>
        %get3A_583 = arith.constant 1 : i32
        %get3A_584 = arith.index_cast %get3A_583 : i32 to index
        %get3A_585 = arith.index_cast %add3A_570 : i32 to index
        %get3A_586 = arith.constant 32 : index
        %get3A_587 = tpu.vector_load %arg5[%get3A_584, %get3A_585, %get3A_586] {strides = array<i32>} : memref<2x256x128xf32, #tpu.memory_space<vmem>>, vector<16xf32>,
        %mul3A_588 = arith.mulf %get3A_587, %get3A_7 : vector<16xf32>
        %get3A_589 = arith.constant 1 : i32
        %get3A_590 = arith.index_cast %get3A_589 : i32 to index
        %get3A_591 = arith.index_cast %add3A_570 : i32 to index
        %get3A_592 = arith.constant 48 : index
        %get3A_593 = tpu.vector_load %arg5[%get3A_590, %get3A_591, %get3A_592] {strides = array<i32>} : memref<2x256x128xf32, #tpu.memory_space<vmem>>, vector<16xf32>,
        %mul3A_594 = arith.mulf %get3A_593, %get3A_9 : vector<16xf32>
        %get3A_595 = arith.constant 1 : i32
        %get3A_596 = arith.index_cast %get3A_595 : i32 to index
        %get3A_597 = arith.index_cast %add3A_570 : i32 to index
        %get3A_598 = arith.constant 64 : index
        %get3A_599 = tpu.vector_load %arg5[%get3A_596, %get3A_597, %get3A_598] {strides = array<i32>} : memref<2x256x128xf32, #tpu.memory_space<vmem>>, vector<16xf32>,
        %mul3A_600 = arith.mulf %get3A_599, %get3A_11 : vector<16xf32>
        %get3A_601 = arith.constant 1 : i32
        %get3A_602 = arith.index_cast %get3A_601 : i32 to index
        %get3A_603 = arith.index_cast %add3A_570 : i32 to index
        %get3A_604 = arith.constant 80 : index
        %get3A_605 = tpu.vector_load %arg5[%get3A_602, %get3A_603, %get3A_604] {strides = array<i32>} : memref<2x256x128xf32, #tpu.memory_space<vmem>>, vector<16xf32>,
        %mul3A_606 = arith.mulf %get3A_605, %get3A_13 : vector<16xf32>
        %get3A_607 = arith.constant 1 : i32
        %get3A_608 = arith.index_cast %get3A_607 : i32 to index
        %get3A_609 = arith.index_cast %add3A_570 : i32 to index
        %get3A_610 = arith.constant 96 : index
        %get3A_611 = tpu.vector_load %arg5[%get3A_608, %get3A_609, %get3A_610] {strides = array<i32>} : memref<2x256x128xf32, #tpu.memory_space<vmem>>, vector<16xf32>,
        %mul3A_612 = arith.mulf %get3A_611, %get3A_15 : vector<16xf32>
        %get3A_613 = arith.constant 1 : i32
        %get3A_614 = arith.index_cast %get3A_613 : i32 to index
        %get3A_615 = arith.index_cast %add3A_570 : i32 to index
        %get3A_616 = arith.constant 112 : index
        %get3A_617 = tpu.vector_load %arg5[%get3A_614, %get3A_615, %get3A_616] {strides = array<i32>} : memref<2x256x128xf32, #tpu.memory_space<vmem>>, vector<16xf32>,
        %mul3A_618 = arith.mulf %get3A_617, %get3A_17 : vector<16xf32>
        %add3A_619 = arith.addf %mul3A_576, %mul3A_582 : vector<16xf32>
        %add3A_620 = arith.addf %mul3A_588, %mul3A_594 : vector<16xf32>
        %add3A_621 = arith.addf %add3A_619, %add3A_620 : vector<16xf32>
        %add3A_622 = arith.addf %mul3A_600, %mul3A_606 : vector<16xf32>
        %add3A_623 = arith.addf %mul3A_612, %mul3A_618 : vector<16xf32>
        %add3A_624 = arith.addf %add3A_622, %add3A_623 : vector<16xf32>
        %add3A_625 = arith.addf %add3A_621, %add3A_624 : vector<16xf32>
        %swap3A_626 = arith.constant 112 : index
        %swap3A_627 = tpu.vector_load %arg8[%swap3A_626] {strides = array<i32>} : memref<256xf32, #tpu.memory_space<vmem>>, vector<16xf32>,
        tpu.vector_store %arg8[%swap3A_626], %add3A_625 {strides = array<i32>} : memref<256xf32, #tpu.memory_space<vmem>>, vector<16xf32>,
        %mul3A_628 = arith.constant 16 : i32
        %mul3A_629 = arith.muli %scan3A_139, %mul3A_628 : i32
        %add3A_630 = arith.constant 8 : i32
        %add3A_631 = arith.addi %mul3A_629, %add3A_630 : i32
        %get3A_632 = arith.constant 1 : i32
        %get3A_633 = arith.index_cast %get3A_632 : i32 to index
        %get3A_634 = arith.index_cast %add3A_631 : i32 to index
        %get3A_635 = arith.constant 0 : index
        %get3A_636 = tpu.vector_load %arg5[%get3A_633, %get3A_634, %get3A_635] {strides = array<i32>} : memref<2x256x128xf32, #tpu.memory_space<vmem>>, vector<16xf32>,
        %mul3A_637 = arith.mulf %get3A_636, %get3A_3 : vector<16xf32>
        %get3A_638 = arith.constant 1 : i32
        %get3A_639 = arith.index_cast %get3A_638 : i32 to index
        %get3A_640 = arith.index_cast %add3A_631 : i32 to index
        %get3A_641 = arith.constant 16 : index
        %get3A_642 = tpu.vector_load %arg5[%get3A_639, %get3A_640, %get3A_641] {strides = array<i32>} : memref<2x256x128xf32, #tpu.memory_space<vmem>>, vector<16xf32>,
        %mul3A_643 = arith.mulf %get3A_642, %get3A_5 : vector<16xf32>
        %get3A_644 = arith.constant 1 : i32
        %get3A_645 = arith.index_cast %get3A_644 : i32 to index
        %get3A_646 = arith.index_cast %add3A_631 : i32 to index
        %get3A_647 = arith.constant 32 : index
        %get3A_648 = tpu.vector_load %arg5[%get3A_645, %get3A_646, %get3A_647] {strides = array<i32>} : memref<2x256x128xf32, #tpu.memory_space<vmem>>, vector<16xf32>,
        %mul3A_649 = arith.mulf %get3A_648, %get3A_7 : vector<16xf32>
        %get3A_650 = arith.constant 1 : i32
        %get3A_651 = arith.index_cast %get3A_650 : i32 to index
        %get3A_652 = arith.index_cast %add3A_631 : i32 to index
        %get3A_653 = arith.constant 48 : index
        %get3A_654 = tpu.vector_load %arg5[%get3A_651, %get3A_652, %get3A_653] {strides = array<i32>} : memref<2x256x128xf32, #tpu.memory_space<vmem>>, vector<16xf32>,
        %mul3A_655 = arith.mulf %get3A_654, %get3A_9 : vector<16xf32>
        %get3A_656 = arith.constant 1 : i32
        %get3A_657 = arith.index_cast %get3A_656 : i32 to index
        %get3A_658 = arith.index_cast %add3A_631 : i32 to index
        %get3A_659 = arith.constant 64 : index
        %get3A_660 = tpu.vector_load %arg5[%get3A_657, %get3A_658, %get3A_659] {strides = array<i32>} : memref<2x256x128xf32, #tpu.memory_space<vmem>>, vector<16xf32>,
        %mul3A_661 = arith.mulf %get3A_660, %get3A_11 : vector<16xf32>
        %get3A_662 = arith.constant 1 : i32
        %get3A_663 = arith.index_cast %get3A_662 : i32 to index
        %get3A_664 = arith.index_cast %add3A_631 : i32 to index
        %get3A_665 = arith.constant 80 : index
        %get3A_666 = tpu.vector_load %arg5[%get3A_663, %get3A_664, %get3A_665] {strides = array<i32>} : memref<2x256x128xf32, #tpu.memory_space<vmem>>, vector<16xf32>,
        %mul3A_667 = arith.mulf %get3A_666, %get3A_13 : vector<16xf32>
        %get3A_668 = arith.constant 1 : i32
        %get3A_669 = arith.index_cast %get3A_668 : i32 to index
        %get3A_670 = arith.index_cast %add3A_631 : i32 to index
        %get3A_671 = arith.constant 96 : index
        %get3A_672 = tpu.vector_load %arg5[%get3A_669, %get3A_670, %get3A_671] {strides = array<i32>} : memref<2x256x128xf32, #tpu.memory_space<vmem>>, vector<16xf32>,
        %mul3A_673 = arith.mulf %get3A_672, %get3A_15 : vector<16xf32>
        %get3A_674 = arith.constant 1 : i32
        %get3A_675 = arith.index_cast %get3A_674 : i32 to index
        %get3A_676 = arith.index_cast %add3A_631 : i32 to index
        %get3A_677 = arith.constant 112 : index
        %get3A_678 = tpu.vector_load %arg5[%get3A_675, %get3A_676, %get3A_677] {strides = array<i32>} : memref<2x256x128xf32, #tpu.memory_space<vmem>>, vector<16xf32>,
        %mul3A_679 = arith.mulf %get3A_678, %get3A_17 : vector<16xf32>
        %add3A_680 = arith.addf %mul3A_637, %mul3A_643 : vector<16xf32>
        %add3A_681 = arith.addf %mul3A_649, %mul3A_655 : vector<16xf32>
        %add3A_682 = arith.addf %add3A_680, %add3A_681 : vector<16xf32>
        %add3A_683 = arith.addf %mul3A_661, %mul3A_667 : vector<16xf32>
        %add3A_684 = arith.addf %mul3A_673, %mul3A_679 : vector<16xf32>
        %add3A_685 = arith.addf %add3A_683, %add3A_684 : vector<16xf32>
        %add3A_686 = arith.addf %add3A_682, %add3A_685 : vector<16xf32>
        %swap3A_687 = arith.constant 128 : index
        %swap3A_688 = tpu.vector_load %arg8[%swap3A_687] {strides = array<i32>} : memref<256xf32, #tpu.memory_space<vmem>>, vector<16xf32>,
        tpu.vector_store %arg8[%swap3A_687], %add3A_686 {strides = array<i32>} : memref<256xf32, #tpu.memory_space<vmem>>, vector<16xf32>,
        %mul3A_689 = arith.constant 16 : i32
        %mul3A_690 = arith.muli %scan3A_139, %mul3A_689 : i32
        %add3A_691 = arith.constant 9 : i32
        %add3A_692 = arith.addi %mul3A_690, %add3A_691 : i32
        %get3A_693 = arith.constant 1 : i32
        %get3A_694 = arith.index_cast %get3A_693 : i32 to index
        %get3A_695 = arith.index_cast %add3A_692 : i32 to index
        %get3A_696 = arith.constant 0 : index
        %get3A_697 = tpu.vector_load %arg5[%get3A_694, %get3A_695, %get3A_696] {strides = array<i32>} : memref<2x256x128xf32, #tpu.memory_space<vmem>>, vector<16xf32>,
        %mul3A_698 = arith.mulf %get3A_697, %get3A_3 : vector<16xf32>
        %get3A_699 = arith.constant 1 : i32
        %get3A_700 = arith.index_cast %get3A_699 : i32 to index
        %get3A_701 = arith.index_cast %add3A_692 : i32 to index
        %get3A_702 = arith.constant 16 : index
        %get3A_703 = tpu.vector_load %arg5[%get3A_700, %get3A_701, %get3A_702] {strides = array<i32>} : memref<2x256x128xf32, #tpu.memory_space<vmem>>, vector<16xf32>,
        %mul3A_704 = arith.mulf %get3A_703, %get3A_5 : vector<16xf32>
        %get3A_705 = arith.constant 1 : i32
        %get3A_706 = arith.index_cast %get3A_705 : i32 to index
        %get3A_707 = arith.index_cast %add3A_692 : i32 to index
        %get3A_708 = arith.constant 32 : index
        %get3A_709 = tpu.vector_load %arg5[%get3A_706, %get3A_707, %get3A_708] {strides = array<i32>} : memref<2x256x128xf32, #tpu.memory_space<vmem>>, vector<16xf32>,
        %mul3A_710 = arith.mulf %get3A_709, %get3A_7 : vector<16xf32>
        %get3A_711 = arith.constant 1 : i32
        %get3A_712 = arith.index_cast %get3A_711 : i32 to index
        %get3A_713 = arith.index_cast %add3A_692 : i32 to index
        %get3A_714 = arith.constant 48 : index
        %get3A_715 = tpu.vector_load %arg5[%get3A_712, %get3A_713, %get3A_714] {strides = array<i32>} : memref<2x256x128xf32, #tpu.memory_space<vmem>>, vector<16xf32>,
        %mul3A_716 = arith.mulf %get3A_715, %get3A_9 : vector<16xf32>
        %get3A_717 = arith.constant 1 : i32
        %get3A_718 = arith.index_cast %get3A_717 : i32 to index
        %get3A_719 = arith.index_cast %add3A_692 : i32 to index
        %get3A_720 = arith.constant 64 : index
        %get3A_721 = tpu.vector_load %arg5[%get3A_718, %get3A_719, %get3A_720] {strides = array<i32>} : memref<2x256x128xf32, #tpu.memory_space<vmem>>, vector<16xf32>,
        %mul3A_722 = arith.mulf %get3A_721, %get3A_11 : vector<16xf32>
        %get3A_723 = arith.constant 1 : i32
        %get3A_724 = arith.index_cast %get3A_723 : i32 to index
        %get3A_725 = arith.index_cast %add3A_692 : i32 to index
        %get3A_726 = arith.constant 80 : index
        %get3A_727 = tpu.vector_load %arg5[%get3A_724, %get3A_725, %get3A_726] {strides = array<i32>} : memref<2x256x128xf32, #tpu.memory_space<vmem>>, vector<16xf32>,
        %mul3A_728 = arith.mulf %get3A_727, %get3A_13 : vector<16xf32>
        %get3A_729 = arith.constant 1 : i32
        %get3A_730 = arith.index_cast %get3A_729 : i32 to index
        %get3A_731 = arith.index_cast %add3A_692 : i32 to index
        %get3A_732 = arith.constant 96 : index
        %get3A_733 = tpu.vector_load %arg5[%get3A_730, %get3A_731, %get3A_732] {strides = array<i32>} : memref<2x256x128xf32, #tpu.memory_space<vmem>>, vector<16xf32>,
        %mul3A_734 = arith.mulf %get3A_733, %get3A_15 : vector<16xf32>
        %get3A_735 = arith.constant 1 : i32
        %get3A_736 = arith.index_cast %get3A_735 : i32 to index
        %get3A_737 = arith.index_cast %add3A_692 : i32 to index
        %get3A_738 = arith.constant 112 : index
        %get3A_739 = tpu.vector_load %arg5[%get3A_736, %get3A_737, %get3A_738] {strides = array<i32>} : memref<2x256x128xf32, #tpu.memory_space<vmem>>, vector<16xf32>,
        %mul3A_740 = arith.mulf %get3A_739, %get3A_17 : vector<16xf32>
        %add3A_741 = arith.addf %mul3A_698, %mul3A_704 : vector<16xf32>
        %add3A_742 = arith.addf %mul3A_710, %mul3A_716 : vector<16xf32>
        %add3A_743 = arith.addf %add3A_741, %add3A_742 : vector<16xf32>
        %add3A_744 = arith.addf %mul3A_722, %mul3A_728 : vector<16xf32>
        %add3A_745 = arith.addf %mul3A_734, %mul3A_740 : vector<16xf32>
        %add3A_746 = arith.addf %add3A_744, %add3A_745 : vector<16xf32>
        %add3A_747 = arith.addf %add3A_743, %add3A_746 : vector<16xf32>
        %swap3A_748 = arith.constant 144 : index
        %swap3A_749 = tpu.vector_load %arg8[%swap3A_748] {strides = array<i32>} : memref<256xf32, #tpu.memory_space<vmem>>, vector<16xf32>,
        tpu.vector_store %arg8[%swap3A_748], %add3A_747 {strides = array<i32>} : memref<256xf32, #tpu.memory_space<vmem>>, vector<16xf32>,
        %mul3A_750 = arith.constant 16 : i32
        %mul3A_751 = arith.muli %scan3A_139, %mul3A_750 : i32
        %add3A_752 = arith.constant 10 : i32
        %add3A_753 = arith.addi %mul3A_751, %add3A_752 : i32
        %get3A_754 = arith.constant 1 : i32
        %get3A_755 = arith.index_cast %get3A_754 : i32 to index
        %get3A_756 = arith.index_cast %add3A_753 : i32 to index
        %get3A_757 = arith.constant 0 : index
        %get3A_758 = tpu.vector_load %arg5[%get3A_755, %get3A_756, %get3A_757] {strides = array<i32>} : memref<2x256x128xf32, #tpu.memory_space<vmem>>, vector<16xf32>,
        %mul3A_759 = arith.mulf %get3A_758, %get3A_3 : vector<16xf32>
        %get3A_760 = arith.constant 1 : i32
        %get3A_761 = arith.index_cast %get3A_760 : i32 to index
        %get3A_762 = arith.index_cast %add3A_753 : i32 to index
        %get3A_763 = arith.constant 16 : index
        %get3A_764 = tpu.vector_load %arg5[%get3A_761, %get3A_762, %get3A_763] {strides = array<i32>} : memref<2x256x128xf32, #tpu.memory_space<vmem>>, vector<16xf32>,
        %mul3A_765 = arith.mulf %get3A_764, %get3A_5 : vector<16xf32>
        %get3A_766 = arith.constant 1 : i32
        %get3A_767 = arith.index_cast %get3A_766 : i32 to index
        %get3A_768 = arith.index_cast %add3A_753 : i32 to index
        %get3A_769 = arith.constant 32 : index
        %get3A_770 = tpu.vector_load %arg5[%get3A_767, %get3A_768, %get3A_769] {strides = array<i32>} : memref<2x256x128xf32, #tpu.memory_space<vmem>>, vector<16xf32>,
        %mul3A_771 = arith.mulf %get3A_770, %get3A_7 : vector<16xf32>
        %get3A_772 = arith.constant 1 : i32
        %get3A_773 = arith.index_cast %get3A_772 : i32 to index
        %get3A_774 = arith.index_cast %add3A_753 : i32 to index
        %get3A_775 = arith.constant 48 : index
        %get3A_776 = tpu.vector_load %arg5[%get3A_773, %get3A_774, %get3A_775] {strides = array<i32>} : memref<2x256x128xf32, #tpu.memory_space<vmem>>, vector<16xf32>,
        %mul3A_777 = arith.mulf %get3A_776, %get3A_9 : vector<16xf32>
        %get3A_778 = arith.constant 1 : i32
        %get3A_779 = arith.index_cast %get3A_778 : i32 to index
        %get3A_780 = arith.index_cast %add3A_753 : i32 to index
        %get3A_781 = arith.constant 64 : index
        %get3A_782 = tpu.vector_load %arg5[%get3A_779, %get3A_780, %get3A_781] {strides = array<i32>} : memref<2x256x128xf32, #tpu.memory_space<vmem>>, vector<16xf32>,
        %mul3A_783 = arith.mulf %get3A_782, %get3A_11 : vector<16xf32>
        %get3A_784 = arith.constant 1 : i32
        %get3A_785 = arith.index_cast %get3A_784 : i32 to index
        %get3A_786 = arith.index_cast %add3A_753 : i32 to index
        %get3A_787 = arith.constant 80 : index
        %get3A_788 = tpu.vector_load %arg5[%get3A_785, %get3A_786, %get3A_787] {strides = array<i32>} : memref<2x256x128xf32, #tpu.memory_space<vmem>>, vector<16xf32>,
        %mul3A_789 = arith.mulf %get3A_788, %get3A_13 : vector<16xf32>
        %get3A_790 = arith.constant 1 : i32
        %get3A_791 = arith.index_cast %get3A_790 : i32 to index
        %get3A_792 = arith.index_cast %add3A_753 : i32 to index
        %get3A_793 = arith.constant 96 : index
        %get3A_794 = tpu.vector_load %arg5[%get3A_791, %get3A_792, %get3A_793] {strides = array<i32>} : memref<2x256x128xf32, #tpu.memory_space<vmem>>, vector<16xf32>,
        %mul3A_795 = arith.mulf %get3A_794, %get3A_15 : vector<16xf32>
        %get3A_796 = arith.constant 1 : i32
        %get3A_797 = arith.index_cast %get3A_796 : i32 to index
        %get3A_798 = arith.index_cast %add3A_753 : i32 to index
        %get3A_799 = arith.constant 112 : index
        %get3A_800 = tpu.vector_load %arg5[%get3A_797, %get3A_798, %get3A_799] {strides = array<i32>} : memref<2x256x128xf32, #tpu.memory_space<vmem>>, vector<16xf32>,
        %mul3A_801 = arith.mulf %get3A_800, %get3A_17 : vector<16xf32>
        %add3A_802 = arith.addf %mul3A_759, %mul3A_765 : vector<16xf32>
        %add3A_803 = arith.addf %mul3A_771, %mul3A_777 : vector<16xf32>
        %add3A_804 = arith.addf %add3A_802, %add3A_803 : vector<16xf32>
        %add3A_805 = arith.addf %mul3A_783, %mul3A_789 : vector<16xf32>
        %add3A_806 = arith.addf %mul3A_795, %mul3A_801 : vector<16xf32>
        %add3A_807 = arith.addf %add3A_805, %add3A_806 : vector<16xf32>
        %add3A_808 = arith.addf %add3A_804, %add3A_807 : vector<16xf32>
        %swap3A_809 = arith.constant 160 : index
        %swap3A_810 = tpu.vector_load %arg8[%swap3A_809] {strides = array<i32>} : memref<256xf32, #tpu.memory_space<vmem>>, vector<16xf32>,
        tpu.vector_store %arg8[%swap3A_809], %add3A_808 {strides = array<i32>} : memref<256xf32, #tpu.memory_space<vmem>>, vector<16xf32>,
        %mul3A_811 = arith.constant 16 : i32
        %mul3A_812 = arith.muli %scan3A_139, %mul3A_811 : i32
        %add3A_813 = arith.constant 11 : i32
        %add3A_814 = arith.addi %mul3A_812, %add3A_813 : i32
        %get3A_815 = arith.constant 1 : i32
        %get3A_816 = arith.index_cast %get3A_815 : i32 to index
        %get3A_817 = arith.index_cast %add3A_814 : i32 to index
        %get3A_818 = arith.constant 0 : index
        %get3A_819 = tpu.vector_load %arg5[%get3A_816, %get3A_817, %get3A_818] {strides = array<i32>} : memref<2x256x128xf32, #tpu.memory_space<vmem>>, vector<16xf32>,
        %mul3A_820 = arith.mulf %get3A_819, %get3A_3 : vector<16xf32>
        %get3A_821 = arith.constant 1 : i32
        %get3A_822 = arith.index_cast %get3A_821 : i32 to index
        %get3A_823 = arith.index_cast %add3A_814 : i32 to index
        %get3A_824 = arith.constant 16 : index
        %get3A_825 = tpu.vector_load %arg5[%get3A_822, %get3A_823, %get3A_824] {strides = array<i32>} : memref<2x256x128xf32, #tpu.memory_space<vmem>>, vector<16xf32>,
        %mul3A_826 = arith.mulf %get3A_825, %get3A_5 : vector<16xf32>
        %get3A_827 = arith.constant 1 : i32
        %get3A_828 = arith.index_cast %get3A_827 : i32 to index
        %get3A_829 = arith.index_cast %add3A_814 : i32 to index
        %get3A_830 = arith.constant 32 : index
        %get3A_831 = tpu.vector_load %arg5[%get3A_828, %get3A_829, %get3A_830] {strides = array<i32>} : memref<2x256x128xf32, #tpu.memory_space<vmem>>, vector<16xf32>,
        %mul3A_832 = arith.mulf %get3A_831, %get3A_7 : vector<16xf32>
        %get3A_833 = arith.constant 1 : i32
        %get3A_834 = arith.index_cast %get3A_833 : i32 to index
        %get3A_835 = arith.index_cast %add3A_814 : i32 to index
        %get3A_836 = arith.constant 48 : index
        %get3A_837 = tpu.vector_load %arg5[%get3A_834, %get3A_835, %get3A_836] {strides = array<i32>} : memref<2x256x128xf32, #tpu.memory_space<vmem>>, vector<16xf32>,
        %mul3A_838 = arith.mulf %get3A_837, %get3A_9 : vector<16xf32>
        %get3A_839 = arith.constant 1 : i32
        %get3A_840 = arith.index_cast %get3A_839 : i32 to index
        %get3A_841 = arith.index_cast %add3A_814 : i32 to index
        %get3A_842 = arith.constant 64 : index
        %get3A_843 = tpu.vector_load %arg5[%get3A_840, %get3A_841, %get3A_842] {strides = array<i32>} : memref<2x256x128xf32, #tpu.memory_space<vmem>>, vector<16xf32>,
        %mul3A_844 = arith.mulf %get3A_843, %get3A_11 : vector<16xf32>
        %get3A_845 = arith.constant 1 : i32
        %get3A_846 = arith.index_cast %get3A_845 : i32 to index
        %get3A_847 = arith.index_cast %add3A_814 : i32 to index
        %get3A_848 = arith.constant 80 : index
        %get3A_849 = tpu.vector_load %arg5[%get3A_846, %get3A_847, %get3A_848] {strides = array<i32>} : memref<2x256x128xf32, #tpu.memory_space<vmem>>, vector<16xf32>,
        %mul3A_850 = arith.mulf %get3A_849, %get3A_13 : vector<16xf32>
        %get3A_851 = arith.constant 1 : i32
        %get3A_852 = arith.index_cast %get3A_851 : i32 to index
        %get3A_853 = arith.index_cast %add3A_814 : i32 to index
        %get3A_854 = arith.constant 96 : index
        %get3A_855 = tpu.vector_load %arg5[%get3A_852, %get3A_853, %get3A_854] {strides = array<i32>} : memref<2x256x128xf32, #tpu.memory_space<vmem>>, vector<16xf32>,
        %mul3A_856 = arith.mulf %get3A_855, %get3A_15 : vector<16xf32>
        %get3A_857 = arith.constant 1 : i32
        %get3A_858 = arith.index_cast %get3A_857 : i32 to index
        %get3A_859 = arith.index_cast %add3A_814 : i32 to index
        %get3A_860 = arith.constant 112 : index
        %get3A_861 = tpu.vector_load %arg5[%get3A_858, %get3A_859, %get3A_860] {strides = array<i32>} : memref<2x256x128xf32, #tpu.memory_space<vmem>>, vector<16xf32>,
        %mul3A_862 = arith.mulf %get3A_861, %get3A_17 : vector<16xf32>
        %add3A_863 = arith.addf %mul3A_820, %mul3A_826 : vector<16xf32>
        %add3A_864 = arith.addf %mul3A_832, %mul3A_838 : vector<16xf32>
        %add3A_865 = arith.addf %add3A_863, %add3A_864 : vector<16xf32>
        %add3A_866 = arith.addf %mul3A_844, %mul3A_850 : vector<16xf32>
        %add3A_867 = arith.addf %mul3A_856, %mul3A_862 : vector<16xf32>
        %add3A_868 = arith.addf %add3A_866, %add3A_867 : vector<16xf32>
        %add3A_869 = arith.addf %add3A_865, %add3A_868 : vector<16xf32>
        %swap3A_870 = arith.constant 176 : index
        %swap3A_871 = tpu.vector_load %arg8[%swap3A_870] {strides = array<i32>} : memref<256xf32, #tpu.memory_space<vmem>>, vector<16xf32>,
        tpu.vector_store %arg8[%swap3A_870], %add3A_869 {strides = array<i32>} : memref<256xf32, #tpu.memory_space<vmem>>, vector<16xf32>,
        %mul3A_872 = arith.constant 16 : i32
        %mul3A_873 = arith.muli %scan3A_139, %mul3A_872 : i32
        %add3A_874 = arith.constant 12 : i32
        %add3A_875 = arith.addi %mul3A_873, %add3A_874 : i32
        %get3A_876 = arith.constant 1 : i32
        %get3A_877 = arith.index_cast %get3A_876 : i32 to index
        %get3A_878 = arith.index_cast %add3A_875 : i32 to index
        %get3A_879 = arith.constant 0 : index
        %get3A_880 = tpu.vector_load %arg5[%get3A_877, %get3A_878, %get3A_879] {strides = array<i32>} : memref<2x256x128xf32, #tpu.memory_space<vmem>>, vector<16xf32>,
        %mul3A_881 = arith.mulf %get3A_880, %get3A_3 : vector<16xf32>
        %get3A_882 = arith.constant 1 : i32
        %get3A_883 = arith.index_cast %get3A_882 : i32 to index
        %get3A_884 = arith.index_cast %add3A_875 : i32 to index
        %get3A_885 = arith.constant 16 : index
        %get3A_886 = tpu.vector_load %arg5[%get3A_883, %get3A_884, %get3A_885] {strides = array<i32>} : memref<2x256x128xf32, #tpu.memory_space<vmem>>, vector<16xf32>,
        %mul3A_887 = arith.mulf %get3A_886, %get3A_5 : vector<16xf32>
        %get3A_888 = arith.constant 1 : i32
        %get3A_889 = arith.index_cast %get3A_888 : i32 to index
        %get3A_890 = arith.index_cast %add3A_875 : i32 to index
        %get3A_891 = arith.constant 32 : index
        %get3A_892 = tpu.vector_load %arg5[%get3A_889, %get3A_890, %get3A_891] {strides = array<i32>} : memref<2x256x128xf32, #tpu.memory_space<vmem>>, vector<16xf32>,
        %mul3A_893 = arith.mulf %get3A_892, %get3A_7 : vector<16xf32>
        %get3A_894 = arith.constant 1 : i32
        %get3A_895 = arith.index_cast %get3A_894 : i32 to index
        %get3A_896 = arith.index_cast %add3A_875 : i32 to index
        %get3A_897 = arith.constant 48 : index
        %get3A_898 = tpu.vector_load %arg5[%get3A_895, %get3A_896, %get3A_897] {strides = array<i32>} : memref<2x256x128xf32, #tpu.memory_space<vmem>>, vector<16xf32>,
        %mul3A_899 = arith.mulf %get3A_898, %get3A_9 : vector<16xf32>
        %get3A_900 = arith.constant 1 : i32
        %get3A_901 = arith.index_cast %get3A_900 : i32 to index
        %get3A_902 = arith.index_cast %add3A_875 : i32 to index
        %get3A_903 = arith.constant 64 : index
        %get3A_904 = tpu.vector_load %arg5[%get3A_901, %get3A_902, %get3A_903] {strides = array<i32>} : memref<2x256x128xf32, #tpu.memory_space<vmem>>, vector<16xf32>,
        %mul3A_905 = arith.mulf %get3A_904, %get3A_11 : vector<16xf32>
        %get3A_906 = arith.constant 1 : i32
        %get3A_907 = arith.index_cast %get3A_906 : i32 to index
        %get3A_908 = arith.index_cast %add3A_875 : i32 to index
        %get3A_909 = arith.constant 80 : index
        %get3A_910 = tpu.vector_load %arg5[%get3A_907, %get3A_908, %get3A_909] {strides = array<i32>} : memref<2x256x128xf32, #tpu.memory_space<vmem>>, vector<16xf32>,
        %mul3A_911 = arith.mulf %get3A_910, %get3A_13 : vector<16xf32>
        %get3A_912 = arith.constant 1 : i32
        %get3A_913 = arith.index_cast %get3A_912 : i32 to index
        %get3A_914 = arith.index_cast %add3A_875 : i32 to index
        %get3A_915 = arith.constant 96 : index
        %get3A_916 = tpu.vector_load %arg5[%get3A_913, %get3A_914, %get3A_915] {strides = array<i32>} : memref<2x256x128xf32, #tpu.memory_space<vmem>>, vector<16xf32>,
        %mul3A_917 = arith.mulf %get3A_916, %get3A_15 : vector<16xf32>
        %get3A_918 = arith.constant 1 : i32
        %get3A_919 = arith.index_cast %get3A_918 : i32 to index
        %get3A_920 = arith.index_cast %add3A_875 : i32 to index
        %get3A_921 = arith.constant 112 : index
        %get3A_922 = tpu.vector_load %arg5[%get3A_919, %get3A_920, %get3A_921] {strides = array<i32>} : memref<2x256x128xf32, #tpu.memory_space<vmem>>, vector<16xf32>,
        %mul3A_923 = arith.mulf %get3A_922, %get3A_17 : vector<16xf32>
        %add3A_924 = arith.addf %mul3A_881, %mul3A_887 : vector<16xf32>
        %add3A_925 = arith.addf %mul3A_893, %mul3A_899 : vector<16xf32>
        %add3A_926 = arith.addf %add3A_924, %add3A_925 : vector<16xf32>
        %add3A_927 = arith.addf %mul3A_905, %mul3A_911 : vector<16xf32>
        %add3A_928 = arith.addf %mul3A_917, %mul3A_923 : vector<16xf32>
        %add3A_929 = arith.addf %add3A_927, %add3A_928 : vector<16xf32>
        %add3A_930 = arith.addf %add3A_926, %add3A_929 : vector<16xf32>
        %swap3A_931 = arith.constant 192 : index
        %swap3A_932 = tpu.vector_load %arg8[%swap3A_931] {strides = array<i32>} : memref<256xf32, #tpu.memory_space<vmem>>, vector<16xf32>,
        tpu.vector_store %arg8[%swap3A_931], %add3A_930 {strides = array<i32>} : memref<256xf32, #tpu.memory_space<vmem>>, vector<16xf32>,
        %mul3A_933 = arith.constant 16 : i32
        %mul3A_934 = arith.muli %scan3A_139, %mul3A_933 : i32
        %add3A_935 = arith.constant 13 : i32
        %add3A_936 = arith.addi %mul3A_934, %add3A_935 : i32
        %get3A_937 = arith.constant 1 : i32
        %get3A_938 = arith.index_cast %get3A_937 : i32 to index
        %get3A_939 = arith.index_cast %add3A_936 : i32 to index
        %get3A_940 = arith.constant 0 : index
        %get3A_941 = tpu.vector_load %arg5[%get3A_938, %get3A_939, %get3A_940] {strides = array<i32>} : memref<2x256x128xf32, #tpu.memory_space<vmem>>, vector<16xf32>,
        %mul3A_942 = arith.mulf %get3A_941, %get3A_3 : vector<16xf32>
        %get3A_943 = arith.constant 1 : i32
        %get3A_944 = arith.index_cast %get3A_943 : i32 to index
        %get3A_945 = arith.index_cast %add3A_936 : i32 to index
        %get3A_946 = arith.constant 16 : index
        %get3A_947 = tpu.vector_load %arg5[%get3A_944, %get3A_945, %get3A_946] {strides = array<i32>} : memref<2x256x128xf32, #tpu.memory_space<vmem>>, vector<16xf32>,
        %mul3A_948 = arith.mulf %get3A_947, %get3A_5 : vector<16xf32>
        %get3A_949 = arith.constant 1 : i32
        %get3A_950 = arith.index_cast %get3A_949 : i32 to index
        %get3A_951 = arith.index_cast %add3A_936 : i32 to index
        %get3A_952 = arith.constant 32 : index
        %get3A_953 = tpu.vector_load %arg5[%get3A_950, %get3A_951, %get3A_952] {strides = array<i32>} : memref<2x256x128xf32, #tpu.memory_space<vmem>>, vector<16xf32>,
        %mul3A_954 = arith.mulf %get3A_953, %get3A_7 : vector<16xf32>
        %get3A_955 = arith.constant 1 : i32
        %get3A_956 = arith.index_cast %get3A_955 : i32 to index
        %get3A_957 = arith.index_cast %add3A_936 : i32 to index
        %get3A_958 = arith.constant 48 : index
        %get3A_959 = tpu.vector_load %arg5[%get3A_956, %get3A_957, %get3A_958] {strides = array<i32>} : memref<2x256x128xf32, #tpu.memory_space<vmem>>, vector<16xf32>,
        %mul3A_960 = arith.mulf %get3A_959, %get3A_9 : vector<16xf32>
        %get3A_961 = arith.constant 1 : i32
        %get3A_962 = arith.index_cast %get3A_961 : i32 to index
        %get3A_963 = arith.index_cast %add3A_936 : i32 to index
        %get3A_964 = arith.constant 64 : index
        %get3A_965 = tpu.vector_load %arg5[%get3A_962, %get3A_963, %get3A_964] {strides = array<i32>} : memref<2x256x128xf32, #tpu.memory_space<vmem>>, vector<16xf32>,
        %mul3A_966 = arith.mulf %get3A_965, %get3A_11 : vector<16xf32>
        %get3A_967 = arith.constant 1 : i32
        %get3A_968 = arith.index_cast %get3A_967 : i32 to index
        %get3A_969 = arith.index_cast %add3A_936 : i32 to index
        %get3A_970 = arith.constant 80 : index
        %get3A_971 = tpu.vector_load %arg5[%get3A_968, %get3A_969, %get3A_970] {strides = array<i32>} : memref<2x256x128xf32, #tpu.memory_space<vmem>>, vector<16xf32>,
        %mul3A_972 = arith.mulf %get3A_971, %get3A_13 : vector<16xf32>
        %get3A_973 = arith.constant 1 : i32
        %get3A_974 = arith.index_cast %get3A_973 : i32 to index
        %get3A_975 = arith.index_cast %add3A_936 : i32 to index
        %get3A_976 = arith.constant 96 : index
        %get3A_977 = tpu.vector_load %arg5[%get3A_974, %get3A_975, %get3A_976] {strides = array<i32>} : memref<2x256x128xf32, #tpu.memory_space<vmem>>, vector<16xf32>,
        %mul3A_978 = arith.mulf %get3A_977, %get3A_15 : vector<16xf32>
        %get3A_979 = arith.constant 1 : i32
        %get3A_980 = arith.index_cast %get3A_979 : i32 to index
        %get3A_981 = arith.index_cast %add3A_936 : i32 to index
        %get3A_982 = arith.constant 112 : index
        %get3A_983 = tpu.vector_load %arg5[%get3A_980, %get3A_981, %get3A_982] {strides = array<i32>} : memref<2x256x128xf32, #tpu.memory_space<vmem>>, vector<16xf32>,
        %mul3A_984 = arith.mulf %get3A_983, %get3A_17 : vector<16xf32>
        %add3A_985 = arith.addf %mul3A_942, %mul3A_948 : vector<16xf32>
        %add3A_986 = arith.addf %mul3A_954, %mul3A_960 : vector<16xf32>
        %add3A_987 = arith.addf %add3A_985, %add3A_986 : vector<16xf32>
        %add3A_988 = arith.addf %mul3A_966, %mul3A_972 : vector<16xf32>
        %add3A_989 = arith.addf %mul3A_978, %mul3A_984 : vector<16xf32>
        %add3A_990 = arith.addf %add3A_988, %add3A_989 : vector<16xf32>
        %add3A_991 = arith.addf %add3A_987, %add3A_990 : vector<16xf32>
        %swap3A_992 = arith.constant 208 : index
        %swap3A_993 = tpu.vector_load %arg8[%swap3A_992] {strides = array<i32>} : memref<256xf32, #tpu.memory_space<vmem>>, vector<16xf32>,
        tpu.vector_store %arg8[%swap3A_992], %add3A_991 {strides = array<i32>} : memref<256xf32, #tpu.memory_space<vmem>>, vector<16xf32>,
        %mul3A_994 = arith.constant 16 : i32
        %mul3A_995 = arith.muli %scan3A_139, %mul3A_994 : i32
        %add3A_996 = arith.constant 14 : i32
        %add3A_997 = arith.addi %mul3A_995, %add3A_996 : i32
        %get3A_998 = arith.constant 1 : i32
        %get3A_999 = arith.index_cast %get3A_998 : i32 to index
        %get3A_1000 = arith.index_cast %add3A_997 : i32 to index
        %get3A_1001 = arith.constant 0 : index
        %get3A_1002 = tpu.vector_load %arg5[%get3A_999, %get3A_1000, %get3A_1001] {strides = array<i32>} : memref<2x256x128xf32, #tpu.memory_space<vmem>>, vector<16xf32>,
        %mul3A_1003 = arith.mulf %get3A_1002, %get3A_3 : vector<16xf32>
        %get3A_1004 = arith.constant 1 : i32
        %get3A_1005 = arith.index_cast %get3A_1004 : i32 to index
        %get3A_1006 = arith.index_cast %add3A_997 : i32 to index
        %get3A_1007 = arith.constant 16 : index
        %get3A_1008 = tpu.vector_load %arg5[%get3A_1005, %get3A_1006, %get3A_1007] {strides = array<i32>} : memref<2x256x128xf32, #tpu.memory_space<vmem>>, vector<16xf32>,
        %mul3A_1009 = arith.mulf %get3A_1008, %get3A_5 : vector<16xf32>
        %get3A_1010 = arith.constant 1 : i32
        %get3A_1011 = arith.index_cast %get3A_1010 : i32 to index
        %get3A_1012 = arith.index_cast %add3A_997 : i32 to index
        %get3A_1013 = arith.constant 32 : index
        %get3A_1014 = tpu.vector_load %arg5[%get3A_1011, %get3A_1012, %get3A_1013] {strides = array<i32>} : memref<2x256x128xf32, #tpu.memory_space<vmem>>, vector<16xf32>,
        %mul3A_1015 = arith.mulf %get3A_1014, %get3A_7 : vector<16xf32>
        %get3A_1016 = arith.constant 1 : i32
        %get3A_1017 = arith.index_cast %get3A_1016 : i32 to index
        %get3A_1018 = arith.index_cast %add3A_997 : i32 to index
        %get3A_1019 = arith.constant 48 : index
        %get3A_1020 = tpu.vector_load %arg5[%get3A_1017, %get3A_1018, %get3A_1019] {strides = array<i32>} : memref<2x256x128xf32, #tpu.memory_space<vmem>>, vector<16xf32>,
        %mul3A_1021 = arith.mulf %get3A_1020, %get3A_9 : vector<16xf32>
        %get3A_1022 = arith.constant 1 : i32
        %get3A_1023 = arith.index_cast %get3A_1022 : i32 to index
        %get3A_1024 = arith.index_cast %add3A_997 : i32 to index
        %get3A_1025 = arith.constant 64 : index
        %get3A_1026 = tpu.vector_load %arg5[%get3A_1023, %get3A_1024, %get3A_1025] {strides = array<i32>} : memref<2x256x128xf32, #tpu.memory_space<vmem>>, vector<16xf32>,
        %mul3A_1027 = arith.mulf %get3A_1026, %get3A_11 : vector<16xf32>
        %get3A_1028 = arith.constant 1 : i32
        %get3A_1029 = arith.index_cast %get3A_1028 : i32 to index
        %get3A_1030 = arith.index_cast %add3A_997 : i32 to index
        %get3A_1031 = arith.constant 80 : index
        %get3A_1032 = tpu.vector_load %arg5[%get3A_1029, %get3A_1030, %get3A_1031] {strides = array<i32>} : memref<2x256x128xf32, #tpu.memory_space<vmem>>, vector<16xf32>,
        %mul3A_1033 = arith.mulf %get3A_1032, %get3A_13 : vector<16xf32>
        %get3A_1034 = arith.constant 1 : i32
        %get3A_1035 = arith.index_cast %get3A_1034 : i32 to index
        %get3A_1036 = arith.index_cast %add3A_997 : i32 to index
        %get3A_1037 = arith.constant 96 : index
        %get3A_1038 = tpu.vector_load %arg5[%get3A_1035, %get3A_1036, %get3A_1037] {strides = array<i32>} : memref<2x256x128xf32, #tpu.memory_space<vmem>>, vector<16xf32>,
        %mul3A_1039 = arith.mulf %get3A_1038, %get3A_15 : vector<16xf32>
        %get3A_1040 = arith.constant 1 : i32
        %get3A_1041 = arith.index_cast %get3A_1040 : i32 to index
        %get3A_1042 = arith.index_cast %add3A_997 : i32 to index
        %get3A_1043 = arith.constant 112 : index
        %get3A_1044 = tpu.vector_load %arg5[%get3A_1041, %get3A_1042, %get3A_1043] {strides = array<i32>} : memref<2x256x128xf32, #tpu.memory_space<vmem>>, vector<16xf32>,
        %mul3A_1045 = arith.mulf %get3A_1044, %get3A_17 : vector<16xf32>
        %add3A_1046 = arith.addf %mul3A_1003, %mul3A_1009 : vector<16xf32>
        %add3A_1047 = arith.addf %mul3A_1015, %mul3A_1021 : vector<16xf32>
        %add3A_1048 = arith.addf %add3A_1046, %add3A_1047 : vector<16xf32>
        %add3A_1049 = arith.addf %mul3A_1027, %mul3A_1033 : vector<16xf32>
        %add3A_1050 = arith.addf %mul3A_1039, %mul3A_1045 : vector<16xf32>
        %add3A_1051 = arith.addf %add3A_1049, %add3A_1050 : vector<16xf32>
        %add3A_1052 = arith.addf %add3A_1048, %add3A_1051 : vector<16xf32>
        %swap3A_1053 = arith.constant 224 : index
        %swap3A_1054 = tpu.vector_load %arg8[%swap3A_1053] {strides = array<i32>} : memref<256xf32, #tpu.memory_space<vmem>>, vector<16xf32>,
        tpu.vector_store %arg8[%swap3A_1053], %add3A_1052 {strides = array<i32>} : memref<256xf32, #tpu.memory_space<vmem>>, vector<16xf32>,
        %mul3A_1055 = arith.constant 16 : i32
        %mul3A_1056 = arith.muli %scan3A_139, %mul3A_1055 : i32
        %add3A_1057 = arith.constant 15 : i32
        %add3A_1058 = arith.addi %mul3A_1056, %add3A_1057 : i32
        %get3A_1059 = arith.constant 1 : i32
        %get3A_1060 = arith.index_cast %get3A_1059 : i32 to index
        %get3A_1061 = arith.index_cast %add3A_1058 : i32 to index
        %get3A_1062 = arith.constant 0 : index
        %get3A_1063 = tpu.vector_load %arg5[%get3A_1060, %get3A_1061, %get3A_1062] {strides = array<i32>} : memref<2x256x128xf32, #tpu.memory_space<vmem>>, vector<16xf32>,
        %mul3A_1064 = arith.mulf %get3A_1063, %get3A_3 : vector<16xf32>
        %get3A_1065 = arith.constant 1 : i32
        %get3A_1066 = arith.index_cast %get3A_1065 : i32 to index
        %get3A_1067 = arith.index_cast %add3A_1058 : i32 to index
        %get3A_1068 = arith.constant 16 : index
        %get3A_1069 = tpu.vector_load %arg5[%get3A_1066, %get3A_1067, %get3A_1068] {strides = array<i32>} : memref<2x256x128xf32, #tpu.memory_space<vmem>>, vector<16xf32>,
        %mul3A_1070 = arith.mulf %get3A_1069, %get3A_5 : vector<16xf32>
        %get3A_1071 = arith.constant 1 : i32
        %get3A_1072 = arith.index_cast %get3A_1071 : i32 to index
        %get3A_1073 = arith.index_cast %add3A_1058 : i32 to index
        %get3A_1074 = arith.constant 32 : index
        %get3A_1075 = tpu.vector_load %arg5[%get3A_1072, %get3A_1073, %get3A_1074] {strides = array<i32>} : memref<2x256x128xf32, #tpu.memory_space<vmem>>, vector<16xf32>,
        %mul3A_1076 = arith.mulf %get3A_1075, %get3A_7 : vector<16xf32>
        %get3A_1077 = arith.constant 1 : i32
        %get3A_1078 = arith.index_cast %get3A_1077 : i32 to index
        %get3A_1079 = arith.index_cast %add3A_1058 : i32 to index
        %get3A_1080 = arith.constant 48 : index
        %get3A_1081 = tpu.vector_load %arg5[%get3A_1078, %get3A_1079, %get3A_1080] {strides = array<i32>} : memref<2x256x128xf32, #tpu.memory_space<vmem>>, vector<16xf32>,
        %mul3A_1082 = arith.mulf %get3A_1081, %get3A_9 : vector<16xf32>
        %get3A_1083 = arith.constant 1 : i32
        %get3A_1084 = arith.index_cast %get3A_1083 : i32 to index
        %get3A_1085 = arith.index_cast %add3A_1058 : i32 to index
        %get3A_1086 = arith.constant 64 : index
        %get3A_1087 = tpu.vector_load %arg5[%get3A_1084, %get3A_1085, %get3A_1086] {strides = array<i32>} : memref<2x256x128xf32, #tpu.memory_space<vmem>>, vector<16xf32>,
        %mul3A_1088 = arith.mulf %get3A_1087, %get3A_11 : vector<16xf32>
        %get3A_1089 = arith.constant 1 : i32
        %get3A_1090 = arith.index_cast %get3A_1089 : i32 to index
        %get3A_1091 = arith.index_cast %add3A_1058 : i32 to index
        %get3A_1092 = arith.constant 80 : index
        %get3A_1093 = tpu.vector_load %arg5[%get3A_1090, %get3A_1091, %get3A_1092] {strides = array<i32>} : memref<2x256x128xf32, #tpu.memory_space<vmem>>, vector<16xf32>,
        %mul3A_1094 = arith.mulf %get3A_1093, %get3A_13 : vector<16xf32>
        %get3A_1095 = arith.constant 1 : i32
        %get3A_1096 = arith.index_cast %get3A_1095 : i32 to index
        %get3A_1097 = arith.index_cast %add3A_1058 : i32 to index
        %get3A_1098 = arith.constant 96 : index
        %get3A_1099 = tpu.vector_load %arg5[%get3A_1096, %get3A_1097, %get3A_1098] {strides = array<i32>} : memref<2x256x128xf32, #tpu.memory_space<vmem>>, vector<16xf32>,
        %mul3A_1100 = arith.mulf %get3A_1099, %get3A_15 : vector<16xf32>
        %get3A_1101 = arith.constant 1 : i32
        %get3A_1102 = arith.index_cast %get3A_1101 : i32 to index
        %get3A_1103 = arith.index_cast %add3A_1058 : i32 to index
        %get3A_1104 = arith.constant 112 : index
        %get3A_1105 = tpu.vector_load %arg5[%get3A_1102, %get3A_1103, %get3A_1104] {strides = array<i32>} : memref<2x256x128xf32, #tpu.memory_space<vmem>>, vector<16xf32>,
        %mul3A_1106 = arith.mulf %get3A_1105, %get3A_17 : vector<16xf32>
        %add3A_1107 = arith.addf %mul3A_1064, %mul3A_1070 : vector<16xf32>
        %add3A_1108 = arith.addf %mul3A_1076, %mul3A_1082 : vector<16xf32>
        %add3A_1109 = arith.addf %add3A_1107, %add3A_1108 : vector<16xf32>
        %add3A_1110 = arith.addf %mul3A_1088, %mul3A_1094 : vector<16xf32>
        %add3A_1111 = arith.addf %mul3A_1100, %mul3A_1106 : vector<16xf32>
        %add3A_1112 = arith.addf %add3A_1110, %add3A_1111 : vector<16xf32>
        %add3A_1113 = arith.addf %add3A_1109, %add3A_1112 : vector<16xf32>
        %swap3A_1114 = arith.constant 240 : index
        %swap3A_1115 = tpu.vector_load %arg8[%swap3A_1114] {strides = array<i32>} : memref<256xf32, #tpu.memory_space<vmem>>, vector<16xf32>,
        tpu.vector_store %arg8[%swap3A_1114], %add3A_1113 {strides = array<i32>} : memref<256xf32, #tpu.memory_space<vmem>>, vector<16xf32>,
        %gather3A = tpu.vector_load_idx %arg8[%mul3A_20] : memref<256xf32, #tpu.memory_space<vmem>>[vector<16xi32>], vector<16xf32>,
        %add3A_1116 = arith.constant 1 : i32
        %add3A_1117 = vector.broadcast %add3A_1116 : i32 to vector<16xi32>
        %add3A_1118 = arith.addi %mul3A_20, %add3A_1117 : vector<16xi32>
        %gather3A_1119 = tpu.vector_load_idx %arg8[%add3A_1118] : memref<256xf32, #tpu.memory_space<vmem>>[vector<16xi32>], vector<16xf32>,
        %add3A_1120 = arith.addf %gather3A, %gather3A_1119 : vector<16xf32>
        %add3A_1121 = arith.constant 2 : i32
        %add3A_1122 = vector.broadcast %add3A_1121 : i32 to vector<16xi32>
        %add3A_1123 = arith.addi %mul3A_20, %add3A_1122 : vector<16xi32>
        %gather3A_1124 = tpu.vector_load_idx %arg8[%add3A_1123] : memref<256xf32, #tpu.memory_space<vmem>>[vector<16xi32>], vector<16xf32>,
        %add3A_1125 = arith.addf %add3A_1120, %gather3A_1124 : vector<16xf32>
        %add3A_1126 = arith.constant 3 : i32
        %add3A_1127 = vector.broadcast %add3A_1126 : i32 to vector<16xi32>
        %add3A_1128 = arith.addi %mul3A_20, %add3A_1127 : vector<16xi32>
        %gather3A_1129 = tpu.vector_load_idx %arg8[%add3A_1128] : memref<256xf32, #tpu.memory_space<vmem>>[vector<16xi32>], vector<16xf32>,
        %add3A_1130 = arith.addf %add3A_1125, %gather3A_1129 : vector<16xf32>
        %add3A_1131 = arith.constant 4 : i32
        %add3A_1132 = vector.broadcast %add3A_1131 : i32 to vector<16xi32>
        %add3A_1133 = arith.addi %mul3A_20, %add3A_1132 : vector<16xi32>
        %gather3A_1134 = tpu.vector_load_idx %arg8[%add3A_1133] : memref<256xf32, #tpu.memory_space<vmem>>[vector<16xi32>], vector<16xf32>,
        %add3A_1135 = arith.addf %add3A_1130, %gather3A_1134 : vector<16xf32>
        %add3A_1136 = arith.constant 5 : i32
        %add3A_1137 = vector.broadcast %add3A_1136 : i32 to vector<16xi32>
        %add3A_1138 = arith.addi %mul3A_20, %add3A_1137 : vector<16xi32>
        %gather3A_1139 = tpu.vector_load_idx %arg8[%add3A_1138] : memref<256xf32, #tpu.memory_space<vmem>>[vector<16xi32>], vector<16xf32>,
        %add3A_1140 = arith.addf %add3A_1135, %gather3A_1139 : vector<16xf32>
        %add3A_1141 = arith.constant 6 : i32
        %add3A_1142 = vector.broadcast %add3A_1141 : i32 to vector<16xi32>
        %add3A_1143 = arith.addi %mul3A_20, %add3A_1142 : vector<16xi32>
        %gather3A_1144 = tpu.vector_load_idx %arg8[%add3A_1143] : memref<256xf32, #tpu.memory_space<vmem>>[vector<16xi32>], vector<16xf32>,
        %add3A_1145 = arith.addf %add3A_1140, %gather3A_1144 : vector<16xf32>
        %add3A_1146 = arith.constant 7 : i32
        %add3A_1147 = vector.broadcast %add3A_1146 : i32 to vector<16xi32>
        %add3A_1148 = arith.addi %mul3A_20, %add3A_1147 : vector<16xi32>
        %gather3A_1149 = tpu.vector_load_idx %arg8[%add3A_1148] : memref<256xf32, #tpu.memory_space<vmem>>[vector<16xi32>], vector<16xf32>,
        %add3A_1150 = arith.addf %add3A_1145, %gather3A_1149 : vector<16xf32>
        %add3A_1151 = arith.constant 8 : i32
        %add3A_1152 = vector.broadcast %add3A_1151 : i32 to vector<16xi32>
        %add3A_1153 = arith.addi %mul3A_20, %add3A_1152 : vector<16xi32>
        %gather3A_1154 = tpu.vector_load_idx %arg8[%add3A_1153] : memref<256xf32, #tpu.memory_space<vmem>>[vector<16xi32>], vector<16xf32>,
        %add3A_1155 = arith.addf %add3A_1150, %gather3A_1154 : vector<16xf32>
        %add3A_1156 = arith.constant 9 : i32
        %add3A_1157 = vector.broadcast %add3A_1156 : i32 to vector<16xi32>
        %add3A_1158 = arith.addi %mul3A_20, %add3A_1157 : vector<16xi32>
        %gather3A_1159 = tpu.vector_load_idx %arg8[%add3A_1158] : memref<256xf32, #tpu.memory_space<vmem>>[vector<16xi32>], vector<16xf32>,
        %add3A_1160 = arith.addf %add3A_1155, %gather3A_1159 : vector<16xf32>
        %add3A_1161 = arith.constant 10 : i32
        %add3A_1162 = vector.broadcast %add3A_1161 : i32 to vector<16xi32>
        %add3A_1163 = arith.addi %mul3A_20, %add3A_1162 : vector<16xi32>
        %gather3A_1164 = tpu.vector_load_idx %arg8[%add3A_1163] : memref<256xf32, #tpu.memory_space<vmem>>[vector<16xi32>], vector<16xf32>,
        %add3A_1165 = arith.addf %add3A_1160, %gather3A_1164 : vector<16xf32>
        %add3A_1166 = arith.constant 11 : i32
        %add3A_1167 = vector.broadcast %add3A_1166 : i32 to vector<16xi32>
        %add3A_1168 = arith.addi %mul3A_20, %add3A_1167 : vector<16xi32>
        %gather3A_1169 = tpu.vector_load_idx %arg8[%add3A_1168] : memref<256xf32, #tpu.memory_space<vmem>>[vector<16xi32>], vector<16xf32>,
        %add3A_1170 = arith.addf %add3A_1165, %gather3A_1169 : vector<16xf32>
        %add3A_1171 = arith.constant 12 : i32
        %add3A_1172 = vector.broadcast %add3A_1171 : i32 to vector<16xi32>
        %add3A_1173 = arith.addi %mul3A_20, %add3A_1172 : vector<16xi32>
        %gather3A_1174 = tpu.vector_load_idx %arg8[%add3A_1173] : memref<256xf32, #tpu.memory_space<vmem>>[vector<16xi32>], vector<16xf32>,
        %add3A_1175 = arith.addf %add3A_1170, %gather3A_1174 : vector<16xf32>
        %add3A_1176 = arith.constant 13 : i32
        %add3A_1177 = vector.broadcast %add3A_1176 : i32 to vector<16xi32>
        %add3A_1178 = arith.addi %mul3A_20, %add3A_1177 : vector<16xi32>
        %gather3A_1179 = tpu.vector_load_idx %arg8[%add3A_1178] : memref<256xf32, #tpu.memory_space<vmem>>[vector<16xi32>], vector<16xf32>,
        %add3A_1180 = arith.addf %add3A_1175, %gather3A_1179 : vector<16xf32>
        %add3A_1181 = arith.constant 14 : i32
        %add3A_1182 = vector.broadcast %add3A_1181 : i32 to vector<16xi32>
        %add3A_1183 = arith.addi %mul3A_20, %add3A_1182 : vector<16xi32>
        %gather3A_1184 = tpu.vector_load_idx %arg8[%add3A_1183] : memref<256xf32, #tpu.memory_space<vmem>>[vector<16xi32>], vector<16xf32>,
        %add3A_1185 = arith.addf %add3A_1180, %gather3A_1184 : vector<16xf32>
        %add3A_1186 = arith.constant 15 : i32
        %add3A_1187 = vector.broadcast %add3A_1186 : i32 to vector<16xi32>
        %add3A_1188 = arith.addi %mul3A_20, %add3A_1187 : vector<16xi32>
        %gather3A_1189 = tpu.vector_load_idx %arg8[%add3A_1188] : memref<256xf32, #tpu.memory_space<vmem>>[vector<16xi32>], vector<16xf32>,
        %add3A_1190 = arith.addf %add3A_1185, %gather3A_1189 : vector<16xf32>
        %mul3A_1191 = arith.constant 256 : i32
        %mul3A_1192 = arith.muli %add3A_104, %mul3A_1191 : i32
        %mul3A_1193 = arith.constant 16 : i32
        %mul3A_1194 = arith.muli %scan3A_139, %mul3A_1193 : i32
        %add3A_1195 = arith.addi %mul3A_1192, %mul3A_1194 : i32
        %swap3A_1196 = arith.index_cast %add3A_1195 : i32 to index
        %swap3A_1197 = tpu.vector_load %arg6[%swap3A_1196] {strides = array<i32>} : memref<1024xf32, #tpu.memory_space<vmem>>, vector<16xf32>,
        tpu.vector_store %arg6[%swap3A_1196], %add3A_1190 {strides = array<i32>} : memref<1024xf32, #tpu.memory_space<vmem>>, vector<16xf32>,
        %scan3A_1198 = arith.constant 0 : i32
        scf.yield %scan3A_1198 : i32
      }
      %scan3A_130 = arith.constant 16 : i32
      %add3A_131 = arith.constant 2 : i32
      %add3A_132 = arith.addi %add3A_104, %add3A_131 : i32
      %lt3A_133 = arith.constant 4 : i32
      %lt3A_134 = arith.cmpi slt, %add3A_132, %lt3A_133 : i32
      %convert_element_type3A_135 = arith.extui %lt3A_134 : i1 to i32
      %cond3A_136 = arith.constant 0 : i32
      %cond3A_137 = arith.cmpi ne, %convert_element_type3A_135, %cond3A_136 : i32
      scf.if %cond3A_137 {
        %add3A_139 = arith.constant 2 : i32
        %add3A_140 = arith.addi %add3A_104, %add3A_139 : i32
        %mul3A_141 = arith.constant 256 : i32
        %mul3A_142 = arith.muli %add3A_140, %mul3A_141 : i32
        %add3A_143 = arith.addi %mul3A_2, %mul3A_142 : i32
        %dma_start3A_144 = arith.constant 1 : i32
        %dma_start3A_145 = arith.constant 1 : i32
        %dma_start3A_146 = arith.constant 0 : i32
        %dma_start3A_147 = arith.constant 0 : i32
        %dma_start3A_148 = tpu.memref_slice %arg5[%dma_start3A_144, %dma_start3A_146, %dma_start3A_147] : memref<2x256x128xf32, #tpu.memory_space<vmem>> -> memref<1x256x128xf32, #tpu.memory_space<vmem>>
        %dma_start3A_149 = tpu.memref_squeeze %dma_start3A_148 : memref<1x256x128xf32, #tpu.memory_space<vmem>> -> memref<256x128xf32, #tpu.memory_space<vmem>>
        %dma_start3A_150 = arith.constant 0 : i32
        %dma_start3A_151 = tpu.memref_slice %arg2[%add3A_143, %dma_start3A_150] : memref<524288x128xf32, #tpu.memory_space<hbm>> -> memref<256x128xf32, #tpu.memory_space<hbm>>
        %dma_start3A_152 = tpu.memref_slice %arg9[%dma_start3A_145] : memref<2x!tpu.dma_semaphore, #tpu.memory_space<semaphore_mem>> -> memref<1x!tpu.dma_semaphore, #tpu.memory_space<semaphore_mem>>
        %dma_start3A_153 = tpu.memref_squeeze %dma_start3A_152 : memref<1x!tpu.dma_semaphore, #tpu.memory_space<semaphore_mem>> -> memref<!tpu.dma_semaphore, #tpu.memory_space<semaphore_mem>>
        %dma_start3A_154 = arith.constant 0 : i32
        %dma_start3A_155 = arith.constant 0 : i32
        %dma_start3A_156 = tpu.memref_slice %arg5[%dma_start3A_144, %dma_start3A_154, %dma_start3A_155] : memref<2x256x128xf32, #tpu.memory_space<vmem>> -> memref<1x256x128xf32, #tpu.memory_space<vmem>>
        %dma_start3A_157 = tpu.memref_squeeze %dma_start3A_156 : memref<1x256x128xf32, #tpu.memory_space<vmem>> -> memref<256x128xf32, #tpu.memory_space<vmem>>
        %dma_start3A_158 = arith.constant 0 : i32
        %dma_start3A_159 = tpu.memref_slice %arg2[%add3A_143, %dma_start3A_158] : memref<524288x128xf32, #tpu.memory_space<hbm>> -> memref<256x128xf32, #tpu.memory_space<hbm>>
        tpu.enqueue_dma source(%dma_start3A_159 : memref<256x128xf32, #tpu.memory_space<hbm>>) target(%dma_start3A_157 : memref<256x128xf32, #tpu.memory_space<vmem>>) target_semaphore(%dma_start3A_153 : memref<!tpu.dma_semaphore, #tpu.memory_space<semaphore_mem>>)
      } else {
      }
      %scan3A_138 = arith.constant 0 : i32
      scf.yield %scan3A_138 : i32
    }
    %scan3A_61 = arith.constant 2 : i32
    %dma_start3A_62 = tpu.memref_slice %arg4[%mul3A_2] : memref<32768xf32, #tpu.memory_space<hbm>> -> memref<1024xf32, #tpu.memory_space<hbm>>
    %dma_start3A_63 = tpu.memref_slice %arg4[%mul3A_2] : memref<32768xf32, #tpu.memory_space<hbm>> -> memref<1024xf32, #tpu.memory_space<hbm>>
    tpu.enqueue_dma source(%arg6 : memref<1024xf32, #tpu.memory_space<vmem>>) target(%dma_start3A_63 : memref<1024xf32, #tpu.memory_space<hbm>>) target_semaphore(%arg10 : memref<!tpu.dma_semaphore, #tpu.memory_space<semaphore_mem>>)
    %dma_wait3A = tpu.memref_slice %arg4[%mul3A_2] : memref<32768xf32, #tpu.memory_space<hbm>> -> memref<1024xf32, #tpu.memory_space<hbm>>
    %dma_wait3A_64 = tpu.memref_slice %arg4[%mul3A_2] : memref<32768xf32, #tpu.memory_space<hbm>> -> memref<1024xf32, #tpu.memory_space<hbm>>
    tpu.wait_dma2 semaphore(%arg10 : memref<!tpu.dma_semaphore, #tpu.memory_space<semaphore_mem>>) src(%arg6 : memref<1024xf32, #tpu.memory_space<vmem>>) dst(%dma_wait3A_64 : memref<1024xf32, #tpu.memory_space<hbm>>)
    return
  }
}

module attributes {stable_mosaic.version = 14 : i64} {
  func.func @_tc_body(%arg0: memref<4096x128x128xf32, #tpu.memory_space<any>>, %arg1: memref<64x1x128xf32, #tpu.memory_space<vmem>>, %arg2: memref<3840x128xf32, #tpu.memory_space<any>>, %arg3: memref<4x64x128x128xf32, #tpu.memory_space<vmem>>, %arg4: memref<3840x128xf32, #tpu.memory_space<vmem>>, %arg5: memref<4x!tpu.dma_semaphore, #tpu.memory_space<semaphore_mem>>, %arg6: memref<!tpu.dma_semaphore, #tpu.memory_space<semaphore_mem>>) attributes {dimension_semantics = [], scalar_prefetch = 0 : i64, scratch_operands = 4 : i64, tpu.core_type = #tpu.core_type<tc>} {
    %dma_start3A = arith.constant 0 : i32
    %dma_start3A_0 = arith.constant 0 : i32
    %dma_start3A_1 = tpu.memref_slice %arg5[%dma_start3A_0] : memref<4x!tpu.dma_semaphore, #tpu.memory_space<semaphore_mem>> -> memref<1x!tpu.dma_semaphore, #tpu.memory_space<semaphore_mem>>
    %dma_start3A_2 = tpu.memref_squeeze %dma_start3A_1 : memref<1x!tpu.dma_semaphore, #tpu.memory_space<semaphore_mem>> -> memref<!tpu.dma_semaphore, #tpu.memory_space<semaphore_mem>>
    %dma_start3A_3 = arith.constant 0 : i32
    %dma_start3A_4 = arith.constant 0 : i32
    %dma_start3A_5 = arith.constant 0 : i32
    %dma_start3A_6 = tpu.memref_slice %arg3[%dma_start3A, %dma_start3A_3, %dma_start3A_4, %dma_start3A_5] : memref<4x64x128x128xf32, #tpu.memory_space<vmem>> -> memref<1x64x128x128xf32, #tpu.memory_space<vmem>>
    %dma_start3A_7 = tpu.memref_squeeze %dma_start3A_6 : memref<1x64x128x128xf32, #tpu.memory_space<vmem>> -> memref<64x128x128xf32, #tpu.memory_space<vmem>>
    %dma_start3A_8 = arith.constant 256 : i32
    %dma_start3A_9 = arith.constant 0 : i32
    %dma_start3A_10 = arith.constant 0 : i32
    %dma_start3A_11 = tpu.memref_slice %arg0[%dma_start3A_8, %dma_start3A_9, %dma_start3A_10] : memref<4096x128x128xf32, #tpu.memory_space<any>> -> memref<64x128x128xf32, #tpu.memory_space<any>>
    tpu.enqueue_dma source(%dma_start3A_11 : memref<64x128x128xf32, #tpu.memory_space<any>>) target(%dma_start3A_7 : memref<64x128x128xf32, #tpu.memory_space<vmem>>) target_semaphore(%dma_start3A_2 : memref<!tpu.dma_semaphore, #tpu.memory_space<semaphore_mem>>)
    %dma_start3A_12 = arith.constant 1 : i32
    %dma_start3A_13 = arith.constant 1 : i32
    %dma_start3A_14 = tpu.memref_slice %arg5[%dma_start3A_13] : memref<4x!tpu.dma_semaphore, #tpu.memory_space<semaphore_mem>> -> memref<1x!tpu.dma_semaphore, #tpu.memory_space<semaphore_mem>>
    %dma_start3A_15 = tpu.memref_squeeze %dma_start3A_14 : memref<1x!tpu.dma_semaphore, #tpu.memory_space<semaphore_mem>> -> memref<!tpu.dma_semaphore, #tpu.memory_space<semaphore_mem>>
    %dma_start3A_16 = arith.constant 0 : i32
    %dma_start3A_17 = arith.constant 0 : i32
    %dma_start3A_18 = arith.constant 0 : i32
    %dma_start3A_19 = tpu.memref_slice %arg3[%dma_start3A_12, %dma_start3A_16, %dma_start3A_17, %dma_start3A_18] : memref<4x64x128x128xf32, #tpu.memory_space<vmem>> -> memref<1x64x128x128xf32, #tpu.memory_space<vmem>>
    %dma_start3A_20 = tpu.memref_squeeze %dma_start3A_19 : memref<1x64x128x128xf32, #tpu.memory_space<vmem>> -> memref<64x128x128xf32, #tpu.memory_space<vmem>>
    %dma_start3A_21 = arith.constant 320 : i32
    %dma_start3A_22 = arith.constant 0 : i32
    %dma_start3A_23 = arith.constant 0 : i32
    %dma_start3A_24 = tpu.memref_slice %arg0[%dma_start3A_21, %dma_start3A_22, %dma_start3A_23] : memref<4096x128x128xf32, #tpu.memory_space<any>> -> memref<64x128x128xf32, #tpu.memory_space<any>>
    tpu.enqueue_dma source(%dma_start3A_24 : memref<64x128x128xf32, #tpu.memory_space<any>>) target(%dma_start3A_20 : memref<64x128x128xf32, #tpu.memory_space<vmem>>) target_semaphore(%dma_start3A_15 : memref<!tpu.dma_semaphore, #tpu.memory_space<semaphore_mem>>)
    %dma_start3A_25 = arith.constant 2 : i32
    %dma_start3A_26 = arith.constant 2 : i32
    %dma_start3A_27 = tpu.memref_slice %arg5[%dma_start3A_26] : memref<4x!tpu.dma_semaphore, #tpu.memory_space<semaphore_mem>> -> memref<1x!tpu.dma_semaphore, #tpu.memory_space<semaphore_mem>>
    %dma_start3A_28 = tpu.memref_squeeze %dma_start3A_27 : memref<1x!tpu.dma_semaphore, #tpu.memory_space<semaphore_mem>> -> memref<!tpu.dma_semaphore, #tpu.memory_space<semaphore_mem>>
    %dma_start3A_29 = arith.constant 0 : i32
    %dma_start3A_30 = arith.constant 0 : i32
    %dma_start3A_31 = arith.constant 0 : i32
    %dma_start3A_32 = tpu.memref_slice %arg3[%dma_start3A_25, %dma_start3A_29, %dma_start3A_30, %dma_start3A_31] : memref<4x64x128x128xf32, #tpu.memory_space<vmem>> -> memref<1x64x128x128xf32, #tpu.memory_space<vmem>>
    %dma_start3A_33 = tpu.memref_squeeze %dma_start3A_32 : memref<1x64x128x128xf32, #tpu.memory_space<vmem>> -> memref<64x128x128xf32, #tpu.memory_space<vmem>>
    %dma_start3A_34 = arith.constant 384 : i32
    %dma_start3A_35 = arith.constant 0 : i32
    %dma_start3A_36 = arith.constant 0 : i32
    %dma_start3A_37 = tpu.memref_slice %arg0[%dma_start3A_34, %dma_start3A_35, %dma_start3A_36] : memref<4096x128x128xf32, #tpu.memory_space<any>> -> memref<64x128x128xf32, #tpu.memory_space<any>>
    tpu.enqueue_dma source(%dma_start3A_37 : memref<64x128x128xf32, #tpu.memory_space<any>>) target(%dma_start3A_33 : memref<64x128x128xf32, #tpu.memory_space<vmem>>) target_semaphore(%dma_start3A_28 : memref<!tpu.dma_semaphore, #tpu.memory_space<semaphore_mem>>)
    %dma_start3A_38 = arith.constant 3 : i32
    %dma_start3A_39 = arith.constant 3 : i32
    %dma_start3A_40 = tpu.memref_slice %arg5[%dma_start3A_39] : memref<4x!tpu.dma_semaphore, #tpu.memory_space<semaphore_mem>> -> memref<1x!tpu.dma_semaphore, #tpu.memory_space<semaphore_mem>>
    %dma_start3A_41 = tpu.memref_squeeze %dma_start3A_40 : memref<1x!tpu.dma_semaphore, #tpu.memory_space<semaphore_mem>> -> memref<!tpu.dma_semaphore, #tpu.memory_space<semaphore_mem>>
    %dma_start3A_42 = arith.constant 0 : i32
    %dma_start3A_43 = arith.constant 0 : i32
    %dma_start3A_44 = arith.constant 0 : i32
    %dma_start3A_45 = tpu.memref_slice %arg3[%dma_start3A_38, %dma_start3A_42, %dma_start3A_43, %dma_start3A_44] : memref<4x64x128x128xf32, #tpu.memory_space<vmem>> -> memref<1x64x128x128xf32, #tpu.memory_space<vmem>>
    %dma_start3A_46 = tpu.memref_squeeze %dma_start3A_45 : memref<1x64x128x128xf32, #tpu.memory_space<vmem>> -> memref<64x128x128xf32, #tpu.memory_space<vmem>>
    %dma_start3A_47 = arith.constant 448 : i32
    %dma_start3A_48 = arith.constant 0 : i32
    %dma_start3A_49 = arith.constant 0 : i32
    %dma_start3A_50 = tpu.memref_slice %arg0[%dma_start3A_47, %dma_start3A_48, %dma_start3A_49] : memref<4096x128x128xf32, #tpu.memory_space<any>> -> memref<64x128x128xf32, #tpu.memory_space<any>>
    tpu.enqueue_dma source(%dma_start3A_50 : memref<64x128x128xf32, #tpu.memory_space<any>>) target(%dma_start3A_46 : memref<64x128x128xf32, #tpu.memory_space<vmem>>) target_semaphore(%dma_start3A_41 : memref<!tpu.dma_semaphore, #tpu.memory_space<semaphore_mem>>)
    %scan3A = arith.constant 0 : i32
    %scan3A_51 = arith.constant 15 : i32
    %scan3A_52 = arith.addi %scan3A, %scan3A_51 : i32
    %scan3A_53 = arith.constant 1 : i32
    scf.for %scan3A_55 = %scan3A to %scan3A_52 step %scan3A_53  : i32 {
      %mul3A = arith.constant 4 : i32
      %mul3A_56 = arith.muli %scan3A_55, %mul3A : i32
      %add3A = arith.constant 0 : i32
      %add3A_57 = arith.addi %mul3A_56, %add3A : i32
      %mul3A_58 = arith.constant 64 : i32
      %mul3A_59 = arith.muli %add3A_57, %mul3A_58 : i32
      %add3A_60 = arith.constant 256 : i32
      %add3A_61 = arith.addi %add3A_60, %mul3A_59 : i32
      %dma_wait3A = arith.constant 0 : i32
      %dma_wait3A_62 = arith.constant 0 : i32
      %dma_wait3A_63 = tpu.memref_slice %arg5[%dma_wait3A_62] : memref<4x!tpu.dma_semaphore, #tpu.memory_space<semaphore_mem>> -> memref<1x!tpu.dma_semaphore, #tpu.memory_space<semaphore_mem>>
      %dma_wait3A_64 = tpu.memref_squeeze %dma_wait3A_63 : memref<1x!tpu.dma_semaphore, #tpu.memory_space<semaphore_mem>> -> memref<!tpu.dma_semaphore, #tpu.memory_space<semaphore_mem>>
      %dma_wait3A_65 = arith.constant 0 : i32
      %dma_wait3A_66 = arith.constant 0 : i32
      %dma_wait3A_67 = arith.constant 0 : i32
      %dma_wait3A_68 = tpu.memref_slice %arg3[%dma_wait3A, %dma_wait3A_65, %dma_wait3A_66, %dma_wait3A_67] : memref<4x64x128x128xf32, #tpu.memory_space<vmem>> -> memref<1x64x128x128xf32, #tpu.memory_space<vmem>>
      %dma_wait3A_69 = tpu.memref_squeeze %dma_wait3A_68 : memref<1x64x128x128xf32, #tpu.memory_space<vmem>> -> memref<64x128x128xf32, #tpu.memory_space<vmem>>
      %dma_wait3A_70 = arith.constant 0 : i32
      %dma_wait3A_71 = arith.constant 0 : i32
      %dma_wait3A_72 = tpu.memref_slice %arg0[%add3A_61, %dma_wait3A_70, %dma_wait3A_71] : memref<4096x128x128xf32, #tpu.memory_space<any>> -> memref<64x128x128xf32, #tpu.memory_space<any>>
      tpu.wait_dma2 semaphore(%dma_wait3A_64 : memref<!tpu.dma_semaphore, #tpu.memory_space<semaphore_mem>>) src(%dma_wait3A_72 : memref<64x128x128xf32, #tpu.memory_space<any>>) dst(%dma_wait3A_69 : memref<64x128x128xf32, #tpu.memory_space<vmem>>)
      %get3A = arith.constant 0 : index
      %get3A_73 = arith.constant 0 : index
      %get3A_74 = arith.constant 0 : index
      %get3A_75 = vector.load %arg1[%get3A, %get3A_73, %get3A_74] : memref<64x1x128xf32, #tpu.memory_space<vmem>>, vector<64x1x128xf32>
      %get3A_76 = arith.constant 0 : index
      %get3A_77 = arith.constant 0 : index
      %get3A_78 = arith.constant 0 : index
      %get3A_79 = arith.constant 0 : index
      %get3A_80 = vector.load %arg3[%get3A_76, %get3A_77, %get3A_78, %get3A_79] : memref<4x64x128x128xf32, #tpu.memory_space<vmem>>, vector<1x64x128x128xf32>
      %get3A_81 = vector.shape_cast %get3A_80 : vector<1x64x128x128xf32> to vector<64x128x128xf32>
      %dot_general3A = arith.constant dense<0.000000e+00> : vector<64x1x128xf32>
      %dot_general3A_82 = tpu.matmul %get3A_75, %get3A_81, %dot_general3A {dimension_numbers = #tpu.dot_dimension_numbers<[2], [2], [1], [1], [0, 0, 0, 1, 1, 1], [0], [0]>, transpose_lhs_hint = false} : vector<64x1x128xf32>, vector<64x128x128xf32>, vector<64x1x128xf32> -> vector<64x1x128xf32>
      %reshape3A = vector.shape_cast %dot_general3A_82 : vector<64x1x128xf32> to vector<64x128xf32>
      %mul3A_83 = arith.constant 64 : i32
      %mul3A_84 = arith.muli %add3A_57, %mul3A_83 : i32
      %swap3A = arith.index_cast %mul3A_84 : i32 to index
      %swap3A_85 = arith.constant 0 : index
      %swap3A_86 = vector.load %arg4[%swap3A, %swap3A_85] : memref<3840x128xf32, #tpu.memory_space<vmem>>, vector<64x128xf32>
      tpu.vector_store %arg4[%swap3A, %swap3A_85], %reshape3A {strides = array<i32>} : memref<3840x128xf32, #tpu.memory_space<vmem>>, vector<64x128xf32>,
      %add3A_87 = arith.constant 4 : i32
      %add3A_88 = arith.addi %add3A_57, %add3A_87 : i32
      %lt3A = arith.constant 60 : i32
      %lt3A_89 = arith.cmpi slt, %add3A_88, %lt3A : i32
      %convert_element_type3A = arith.extui %lt3A_89 : i1 to i32
      %cond3A = arith.constant 0 : i32
      %cond3A_90 = arith.cmpi ne, %convert_element_type3A, %cond3A : i32
      scf.if %cond3A_90 {
        %add3A_226 = arith.constant 4 : i32
        %add3A_227 = arith.addi %add3A_57, %add3A_226 : i32
        %mul3A_228 = arith.constant 64 : i32
        %mul3A_229 = arith.muli %add3A_227, %mul3A_228 : i32
        %add3A_230 = arith.constant 256 : i32
        %add3A_231 = arith.addi %add3A_230, %mul3A_229 : i32
        %dma_start3A_232 = arith.constant 0 : i32
        %dma_start3A_233 = arith.constant 0 : i32
        %dma_start3A_234 = tpu.memref_slice %arg5[%dma_start3A_233] : memref<4x!tpu.dma_semaphore, #tpu.memory_space<semaphore_mem>> -> memref<1x!tpu.dma_semaphore, #tpu.memory_space<semaphore_mem>>
        %dma_start3A_235 = tpu.memref_squeeze %dma_start3A_234 : memref<1x!tpu.dma_semaphore, #tpu.memory_space<semaphore_mem>> -> memref<!tpu.dma_semaphore, #tpu.memory_space<semaphore_mem>>
        %dma_start3A_236 = arith.constant 0 : i32
        %dma_start3A_237 = arith.constant 0 : i32
        %dma_start3A_238 = arith.constant 0 : i32
        %dma_start3A_239 = tpu.memref_slice %arg3[%dma_start3A_232, %dma_start3A_236, %dma_start3A_237, %dma_start3A_238] : memref<4x64x128x128xf32, #tpu.memory_space<vmem>> -> memref<1x64x128x128xf32, #tpu.memory_space<vmem>>
        %dma_start3A_240 = tpu.memref_squeeze %dma_start3A_239 : memref<1x64x128x128xf32, #tpu.memory_space<vmem>> -> memref<64x128x128xf32, #tpu.memory_space<vmem>>
        %dma_start3A_241 = arith.constant 0 : i32
        %dma_start3A_242 = arith.constant 0 : i32
        %dma_start3A_243 = tpu.memref_slice %arg0[%add3A_231, %dma_start3A_241, %dma_start3A_242] : memref<4096x128x128xf32, #tpu.memory_space<any>> -> memref<64x128x128xf32, #tpu.memory_space<any>>
        tpu.enqueue_dma source(%dma_start3A_243 : memref<64x128x128xf32, #tpu.memory_space<any>>) target(%dma_start3A_240 : memref<64x128x128xf32, #tpu.memory_space<vmem>>) target_semaphore(%dma_start3A_235 : memref<!tpu.dma_semaphore, #tpu.memory_space<semaphore_mem>>)
      } else {
      }
      %mul3A_91 = arith.constant 4 : i32
      %mul3A_92 = arith.muli %scan3A_55, %mul3A_91 : i32
      %add3A_93 = arith.constant 1 : i32
      %add3A_94 = arith.addi %mul3A_92, %add3A_93 : i32
      %mul3A_95 = arith.constant 64 : i32
      %mul3A_96 = arith.muli %add3A_94, %mul3A_95 : i32
      %add3A_97 = arith.constant 256 : i32
      %add3A_98 = arith.addi %add3A_97, %mul3A_96 : i32
      %dma_wait3A_99 = arith.constant 1 : i32
      %dma_wait3A_100 = arith.constant 1 : i32
      %dma_wait3A_101 = tpu.memref_slice %arg5[%dma_wait3A_100] : memref<4x!tpu.dma_semaphore, #tpu.memory_space<semaphore_mem>> -> memref<1x!tpu.dma_semaphore, #tpu.memory_space<semaphore_mem>>
      %dma_wait3A_102 = tpu.memref_squeeze %dma_wait3A_101 : memref<1x!tpu.dma_semaphore, #tpu.memory_space<semaphore_mem>> -> memref<!tpu.dma_semaphore, #tpu.memory_space<semaphore_mem>>
      %dma_wait3A_103 = arith.constant 0 : i32
      %dma_wait3A_104 = arith.constant 0 : i32
      %dma_wait3A_105 = arith.constant 0 : i32
      %dma_wait3A_106 = tpu.memref_slice %arg3[%dma_wait3A_99, %dma_wait3A_103, %dma_wait3A_104, %dma_wait3A_105] : memref<4x64x128x128xf32, #tpu.memory_space<vmem>> -> memref<1x64x128x128xf32, #tpu.memory_space<vmem>>
      %dma_wait3A_107 = tpu.memref_squeeze %dma_wait3A_106 : memref<1x64x128x128xf32, #tpu.memory_space<vmem>> -> memref<64x128x128xf32, #tpu.memory_space<vmem>>
      %dma_wait3A_108 = arith.constant 0 : i32
      %dma_wait3A_109 = arith.constant 0 : i32
      %dma_wait3A_110 = tpu.memref_slice %arg0[%add3A_98, %dma_wait3A_108, %dma_wait3A_109] : memref<4096x128x128xf32, #tpu.memory_space<any>> -> memref<64x128x128xf32, #tpu.memory_space<any>>
      tpu.wait_dma2 semaphore(%dma_wait3A_102 : memref<!tpu.dma_semaphore, #tpu.memory_space<semaphore_mem>>) src(%dma_wait3A_110 : memref<64x128x128xf32, #tpu.memory_space<any>>) dst(%dma_wait3A_107 : memref<64x128x128xf32, #tpu.memory_space<vmem>>)
      %get3A_111 = arith.constant 0 : index
      %get3A_112 = arith.constant 0 : index
      %get3A_113 = arith.constant 0 : index
      %get3A_114 = vector.load %arg1[%get3A_111, %get3A_112, %get3A_113] : memref<64x1x128xf32, #tpu.memory_space<vmem>>, vector<64x1x128xf32>
      %get3A_115 = arith.constant 1 : index
      %get3A_116 = arith.constant 0 : index
      %get3A_117 = arith.constant 0 : index
      %get3A_118 = arith.constant 0 : index
      %get3A_119 = vector.load %arg3[%get3A_115, %get3A_116, %get3A_117, %get3A_118] : memref<4x64x128x128xf32, #tpu.memory_space<vmem>>, vector<1x64x128x128xf32>
      %get3A_120 = vector.shape_cast %get3A_119 : vector<1x64x128x128xf32> to vector<64x128x128xf32>
      %dot_general3A_121 = arith.constant dense<0.000000e+00> : vector<64x1x128xf32>
      %dot_general3A_122 = tpu.matmul %get3A_114, %get3A_120, %dot_general3A_121 {dimension_numbers = #tpu.dot_dimension_numbers<[2], [2], [1], [1], [0, 0, 0, 1, 1, 1], [0], [0]>, transpose_lhs_hint = false} : vector<64x1x128xf32>, vector<64x128x128xf32>, vector<64x1x128xf32> -> vector<64x1x128xf32>
      %reshape3A_123 = vector.shape_cast %dot_general3A_122 : vector<64x1x128xf32> to vector<64x128xf32>
      %mul3A_124 = arith.constant 64 : i32
      %mul3A_125 = arith.muli %add3A_94, %mul3A_124 : i32
      %swap3A_126 = arith.index_cast %mul3A_125 : i32 to index
      %swap3A_127 = arith.constant 0 : index
      %swap3A_128 = vector.load %arg4[%swap3A_126, %swap3A_127] : memref<3840x128xf32, #tpu.memory_space<vmem>>, vector<64x128xf32>
      tpu.vector_store %arg4[%swap3A_126, %swap3A_127], %reshape3A_123 {strides = array<i32>} : memref<3840x128xf32, #tpu.memory_space<vmem>>, vector<64x128xf32>,
      %add3A_129 = arith.constant 4 : i32
      %add3A_130 = arith.addi %add3A_94, %add3A_129 : i32
      %lt3A_131 = arith.constant 60 : i32
      %lt3A_132 = arith.cmpi slt, %add3A_130, %lt3A_131 : i32
      %convert_element_type3A_133 = arith.extui %lt3A_132 : i1 to i32
      %cond3A_134 = arith.constant 0 : i32
      %cond3A_135 = arith.cmpi ne, %convert_element_type3A_133, %cond3A_134 : i32
      scf.if %cond3A_135 {
        %add3A_226 = arith.constant 4 : i32
        %add3A_227 = arith.addi %add3A_94, %add3A_226 : i32
        %mul3A_228 = arith.constant 64 : i32
        %mul3A_229 = arith.muli %add3A_227, %mul3A_228 : i32
        %add3A_230 = arith.constant 256 : i32
        %add3A_231 = arith.addi %add3A_230, %mul3A_229 : i32
        %dma_start3A_232 = arith.constant 1 : i32
        %dma_start3A_233 = arith.constant 1 : i32
        %dma_start3A_234 = tpu.memref_slice %arg5[%dma_start3A_233] : memref<4x!tpu.dma_semaphore, #tpu.memory_space<semaphore_mem>> -> memref<1x!tpu.dma_semaphore, #tpu.memory_space<semaphore_mem>>
        %dma_start3A_235 = tpu.memref_squeeze %dma_start3A_234 : memref<1x!tpu.dma_semaphore, #tpu.memory_space<semaphore_mem>> -> memref<!tpu.dma_semaphore, #tpu.memory_space<semaphore_mem>>
        %dma_start3A_236 = arith.constant 0 : i32
        %dma_start3A_237 = arith.constant 0 : i32
        %dma_start3A_238 = arith.constant 0 : i32
        %dma_start3A_239 = tpu.memref_slice %arg3[%dma_start3A_232, %dma_start3A_236, %dma_start3A_237, %dma_start3A_238] : memref<4x64x128x128xf32, #tpu.memory_space<vmem>> -> memref<1x64x128x128xf32, #tpu.memory_space<vmem>>
        %dma_start3A_240 = tpu.memref_squeeze %dma_start3A_239 : memref<1x64x128x128xf32, #tpu.memory_space<vmem>> -> memref<64x128x128xf32, #tpu.memory_space<vmem>>
        %dma_start3A_241 = arith.constant 0 : i32
        %dma_start3A_242 = arith.constant 0 : i32
        %dma_start3A_243 = tpu.memref_slice %arg0[%add3A_231, %dma_start3A_241, %dma_start3A_242] : memref<4096x128x128xf32, #tpu.memory_space<any>> -> memref<64x128x128xf32, #tpu.memory_space<any>>
        tpu.enqueue_dma source(%dma_start3A_243 : memref<64x128x128xf32, #tpu.memory_space<any>>) target(%dma_start3A_240 : memref<64x128x128xf32, #tpu.memory_space<vmem>>) target_semaphore(%dma_start3A_235 : memref<!tpu.dma_semaphore, #tpu.memory_space<semaphore_mem>>)
      } else {
      }
      %mul3A_136 = arith.constant 4 : i32
      %mul3A_137 = arith.muli %scan3A_55, %mul3A_136 : i32
      %add3A_138 = arith.constant 2 : i32
      %add3A_139 = arith.addi %mul3A_137, %add3A_138 : i32
      %mul3A_140 = arith.constant 64 : i32
      %mul3A_141 = arith.muli %add3A_139, %mul3A_140 : i32
      %add3A_142 = arith.constant 256 : i32
      %add3A_143 = arith.addi %add3A_142, %mul3A_141 : i32
      %dma_wait3A_144 = arith.constant 2 : i32
      %dma_wait3A_145 = arith.constant 2 : i32
      %dma_wait3A_146 = tpu.memref_slice %arg5[%dma_wait3A_145] : memref<4x!tpu.dma_semaphore, #tpu.memory_space<semaphore_mem>> -> memref<1x!tpu.dma_semaphore, #tpu.memory_space<semaphore_mem>>
      %dma_wait3A_147 = tpu.memref_squeeze %dma_wait3A_146 : memref<1x!tpu.dma_semaphore, #tpu.memory_space<semaphore_mem>> -> memref<!tpu.dma_semaphore, #tpu.memory_space<semaphore_mem>>
      %dma_wait3A_148 = arith.constant 0 : i32
      %dma_wait3A_149 = arith.constant 0 : i32
      %dma_wait3A_150 = arith.constant 0 : i32
      %dma_wait3A_151 = tpu.memref_slice %arg3[%dma_wait3A_144, %dma_wait3A_148, %dma_wait3A_149, %dma_wait3A_150] : memref<4x64x128x128xf32, #tpu.memory_space<vmem>> -> memref<1x64x128x128xf32, #tpu.memory_space<vmem>>
      %dma_wait3A_152 = tpu.memref_squeeze %dma_wait3A_151 : memref<1x64x128x128xf32, #tpu.memory_space<vmem>> -> memref<64x128x128xf32, #tpu.memory_space<vmem>>
      %dma_wait3A_153 = arith.constant 0 : i32
      %dma_wait3A_154 = arith.constant 0 : i32
      %dma_wait3A_155 = tpu.memref_slice %arg0[%add3A_143, %dma_wait3A_153, %dma_wait3A_154] : memref<4096x128x128xf32, #tpu.memory_space<any>> -> memref<64x128x128xf32, #tpu.memory_space<any>>
      tpu.wait_dma2 semaphore(%dma_wait3A_147 : memref<!tpu.dma_semaphore, #tpu.memory_space<semaphore_mem>>) src(%dma_wait3A_155 : memref<64x128x128xf32, #tpu.memory_space<any>>) dst(%dma_wait3A_152 : memref<64x128x128xf32, #tpu.memory_space<vmem>>)
      %get3A_156 = arith.constant 0 : index
      %get3A_157 = arith.constant 0 : index
      %get3A_158 = arith.constant 0 : index
      %get3A_159 = vector.load %arg1[%get3A_156, %get3A_157, %get3A_158] : memref<64x1x128xf32, #tpu.memory_space<vmem>>, vector<64x1x128xf32>
      %get3A_160 = arith.constant 2 : index
      %get3A_161 = arith.constant 0 : index
      %get3A_162 = arith.constant 0 : index
      %get3A_163 = arith.constant 0 : index
      %get3A_164 = vector.load %arg3[%get3A_160, %get3A_161, %get3A_162, %get3A_163] : memref<4x64x128x128xf32, #tpu.memory_space<vmem>>, vector<1x64x128x128xf32>
      %get3A_165 = vector.shape_cast %get3A_164 : vector<1x64x128x128xf32> to vector<64x128x128xf32>
      %dot_general3A_166 = arith.constant dense<0.000000e+00> : vector<64x1x128xf32>
      %dot_general3A_167 = tpu.matmul %get3A_159, %get3A_165, %dot_general3A_166 {dimension_numbers = #tpu.dot_dimension_numbers<[2], [2], [1], [1], [0, 0, 0, 1, 1, 1], [0], [0]>, transpose_lhs_hint = false} : vector<64x1x128xf32>, vector<64x128x128xf32>, vector<64x1x128xf32> -> vector<64x1x128xf32>
      %reshape3A_168 = vector.shape_cast %dot_general3A_167 : vector<64x1x128xf32> to vector<64x128xf32>
      %mul3A_169 = arith.constant 64 : i32
      %mul3A_170 = arith.muli %add3A_139, %mul3A_169 : i32
      %swap3A_171 = arith.index_cast %mul3A_170 : i32 to index
      %swap3A_172 = arith.constant 0 : index
      %swap3A_173 = vector.load %arg4[%swap3A_171, %swap3A_172] : memref<3840x128xf32, #tpu.memory_space<vmem>>, vector<64x128xf32>
      tpu.vector_store %arg4[%swap3A_171, %swap3A_172], %reshape3A_168 {strides = array<i32>} : memref<3840x128xf32, #tpu.memory_space<vmem>>, vector<64x128xf32>,
      %add3A_174 = arith.constant 4 : i32
      %add3A_175 = arith.addi %add3A_139, %add3A_174 : i32
      %lt3A_176 = arith.constant 60 : i32
      %lt3A_177 = arith.cmpi slt, %add3A_175, %lt3A_176 : i32
      %convert_element_type3A_178 = arith.extui %lt3A_177 : i1 to i32
      %cond3A_179 = arith.constant 0 : i32
      %cond3A_180 = arith.cmpi ne, %convert_element_type3A_178, %cond3A_179 : i32
      scf.if %cond3A_180 {
        %add3A_226 = arith.constant 4 : i32
        %add3A_227 = arith.addi %add3A_139, %add3A_226 : i32
        %mul3A_228 = arith.constant 64 : i32
        %mul3A_229 = arith.muli %add3A_227, %mul3A_228 : i32
        %add3A_230 = arith.constant 256 : i32
        %add3A_231 = arith.addi %add3A_230, %mul3A_229 : i32
        %dma_start3A_232 = arith.constant 2 : i32
        %dma_start3A_233 = arith.constant 2 : i32
        %dma_start3A_234 = tpu.memref_slice %arg5[%dma_start3A_233] : memref<4x!tpu.dma_semaphore, #tpu.memory_space<semaphore_mem>> -> memref<1x!tpu.dma_semaphore, #tpu.memory_space<semaphore_mem>>
        %dma_start3A_235 = tpu.memref_squeeze %dma_start3A_234 : memref<1x!tpu.dma_semaphore, #tpu.memory_space<semaphore_mem>> -> memref<!tpu.dma_semaphore, #tpu.memory_space<semaphore_mem>>
        %dma_start3A_236 = arith.constant 0 : i32
        %dma_start3A_237 = arith.constant 0 : i32
        %dma_start3A_238 = arith.constant 0 : i32
        %dma_start3A_239 = tpu.memref_slice %arg3[%dma_start3A_232, %dma_start3A_236, %dma_start3A_237, %dma_start3A_238] : memref<4x64x128x128xf32, #tpu.memory_space<vmem>> -> memref<1x64x128x128xf32, #tpu.memory_space<vmem>>
        %dma_start3A_240 = tpu.memref_squeeze %dma_start3A_239 : memref<1x64x128x128xf32, #tpu.memory_space<vmem>> -> memref<64x128x128xf32, #tpu.memory_space<vmem>>
        %dma_start3A_241 = arith.constant 0 : i32
        %dma_start3A_242 = arith.constant 0 : i32
        %dma_start3A_243 = tpu.memref_slice %arg0[%add3A_231, %dma_start3A_241, %dma_start3A_242] : memref<4096x128x128xf32, #tpu.memory_space<any>> -> memref<64x128x128xf32, #tpu.memory_space<any>>
        tpu.enqueue_dma source(%dma_start3A_243 : memref<64x128x128xf32, #tpu.memory_space<any>>) target(%dma_start3A_240 : memref<64x128x128xf32, #tpu.memory_space<vmem>>) target_semaphore(%dma_start3A_235 : memref<!tpu.dma_semaphore, #tpu.memory_space<semaphore_mem>>)
      } else {
      }
      %mul3A_181 = arith.constant 4 : i32
      %mul3A_182 = arith.muli %scan3A_55, %mul3A_181 : i32
      %add3A_183 = arith.constant 3 : i32
      %add3A_184 = arith.addi %mul3A_182, %add3A_183 : i32
      %mul3A_185 = arith.constant 64 : i32
      %mul3A_186 = arith.muli %add3A_184, %mul3A_185 : i32
      %add3A_187 = arith.constant 256 : i32
      %add3A_188 = arith.addi %add3A_187, %mul3A_186 : i32
      %dma_wait3A_189 = arith.constant 3 : i32
      %dma_wait3A_190 = arith.constant 3 : i32
      %dma_wait3A_191 = tpu.memref_slice %arg5[%dma_wait3A_190] : memref<4x!tpu.dma_semaphore, #tpu.memory_space<semaphore_mem>> -> memref<1x!tpu.dma_semaphore, #tpu.memory_space<semaphore_mem>>
      %dma_wait3A_192 = tpu.memref_squeeze %dma_wait3A_191 : memref<1x!tpu.dma_semaphore, #tpu.memory_space<semaphore_mem>> -> memref<!tpu.dma_semaphore, #tpu.memory_space<semaphore_mem>>
      %dma_wait3A_193 = arith.constant 0 : i32
      %dma_wait3A_194 = arith.constant 0 : i32
      %dma_wait3A_195 = arith.constant 0 : i32
      %dma_wait3A_196 = tpu.memref_slice %arg3[%dma_wait3A_189, %dma_wait3A_193, %dma_wait3A_194, %dma_wait3A_195] : memref<4x64x128x128xf32, #tpu.memory_space<vmem>> -> memref<1x64x128x128xf32, #tpu.memory_space<vmem>>
      %dma_wait3A_197 = tpu.memref_squeeze %dma_wait3A_196 : memref<1x64x128x128xf32, #tpu.memory_space<vmem>> -> memref<64x128x128xf32, #tpu.memory_space<vmem>>
      %dma_wait3A_198 = arith.constant 0 : i32
      %dma_wait3A_199 = arith.constant 0 : i32
      %dma_wait3A_200 = tpu.memref_slice %arg0[%add3A_188, %dma_wait3A_198, %dma_wait3A_199] : memref<4096x128x128xf32, #tpu.memory_space<any>> -> memref<64x128x128xf32, #tpu.memory_space<any>>
      tpu.wait_dma2 semaphore(%dma_wait3A_192 : memref<!tpu.dma_semaphore, #tpu.memory_space<semaphore_mem>>) src(%dma_wait3A_200 : memref<64x128x128xf32, #tpu.memory_space<any>>) dst(%dma_wait3A_197 : memref<64x128x128xf32, #tpu.memory_space<vmem>>)
      %get3A_201 = arith.constant 0 : index
      %get3A_202 = arith.constant 0 : index
      %get3A_203 = arith.constant 0 : index
      %get3A_204 = vector.load %arg1[%get3A_201, %get3A_202, %get3A_203] : memref<64x1x128xf32, #tpu.memory_space<vmem>>, vector<64x1x128xf32>
      %get3A_205 = arith.constant 3 : index
      %get3A_206 = arith.constant 0 : index
      %get3A_207 = arith.constant 0 : index
      %get3A_208 = arith.constant 0 : index
      %get3A_209 = vector.load %arg3[%get3A_205, %get3A_206, %get3A_207, %get3A_208] : memref<4x64x128x128xf32, #tpu.memory_space<vmem>>, vector<1x64x128x128xf32>
      %get3A_210 = vector.shape_cast %get3A_209 : vector<1x64x128x128xf32> to vector<64x128x128xf32>
      %dot_general3A_211 = arith.constant dense<0.000000e+00> : vector<64x1x128xf32>
      %dot_general3A_212 = tpu.matmul %get3A_204, %get3A_210, %dot_general3A_211 {dimension_numbers = #tpu.dot_dimension_numbers<[2], [2], [1], [1], [0, 0, 0, 1, 1, 1], [0], [0]>, transpose_lhs_hint = false} : vector<64x1x128xf32>, vector<64x128x128xf32>, vector<64x1x128xf32> -> vector<64x1x128xf32>
      %reshape3A_213 = vector.shape_cast %dot_general3A_212 : vector<64x1x128xf32> to vector<64x128xf32>
      %mul3A_214 = arith.constant 64 : i32
      %mul3A_215 = arith.muli %add3A_184, %mul3A_214 : i32
      %swap3A_216 = arith.index_cast %mul3A_215 : i32 to index
      %swap3A_217 = arith.constant 0 : index
      %swap3A_218 = vector.load %arg4[%swap3A_216, %swap3A_217] : memref<3840x128xf32, #tpu.memory_space<vmem>>, vector<64x128xf32>
      tpu.vector_store %arg4[%swap3A_216, %swap3A_217], %reshape3A_213 {strides = array<i32>} : memref<3840x128xf32, #tpu.memory_space<vmem>>, vector<64x128xf32>,
      %add3A_219 = arith.constant 4 : i32
      %add3A_220 = arith.addi %add3A_184, %add3A_219 : i32
      %lt3A_221 = arith.constant 60 : i32
      %lt3A_222 = arith.cmpi slt, %add3A_220, %lt3A_221 : i32
      %convert_element_type3A_223 = arith.extui %lt3A_222 : i1 to i32
      %cond3A_224 = arith.constant 0 : i32
      %cond3A_225 = arith.cmpi ne, %convert_element_type3A_223, %cond3A_224 : i32
      scf.if %cond3A_225 {
        %add3A_226 = arith.constant 4 : i32
        %add3A_227 = arith.addi %add3A_184, %add3A_226 : i32
        %mul3A_228 = arith.constant 64 : i32
        %mul3A_229 = arith.muli %add3A_227, %mul3A_228 : i32
        %add3A_230 = arith.constant 256 : i32
        %add3A_231 = arith.addi %add3A_230, %mul3A_229 : i32
        %dma_start3A_232 = arith.constant 3 : i32
        %dma_start3A_233 = arith.constant 3 : i32
        %dma_start3A_234 = tpu.memref_slice %arg5[%dma_start3A_233] : memref<4x!tpu.dma_semaphore, #tpu.memory_space<semaphore_mem>> -> memref<1x!tpu.dma_semaphore, #tpu.memory_space<semaphore_mem>>
        %dma_start3A_235 = tpu.memref_squeeze %dma_start3A_234 : memref<1x!tpu.dma_semaphore, #tpu.memory_space<semaphore_mem>> -> memref<!tpu.dma_semaphore, #tpu.memory_space<semaphore_mem>>
        %dma_start3A_236 = arith.constant 0 : i32
        %dma_start3A_237 = arith.constant 0 : i32
        %dma_start3A_238 = arith.constant 0 : i32
        %dma_start3A_239 = tpu.memref_slice %arg3[%dma_start3A_232, %dma_start3A_236, %dma_start3A_237, %dma_start3A_238] : memref<4x64x128x128xf32, #tpu.memory_space<vmem>> -> memref<1x64x128x128xf32, #tpu.memory_space<vmem>>
        %dma_start3A_240 = tpu.memref_squeeze %dma_start3A_239 : memref<1x64x128x128xf32, #tpu.memory_space<vmem>> -> memref<64x128x128xf32, #tpu.memory_space<vmem>>
        %dma_start3A_241 = arith.constant 0 : i32
        %dma_start3A_242 = arith.constant 0 : i32
        %dma_start3A_243 = tpu.memref_slice %arg0[%add3A_231, %dma_start3A_241, %dma_start3A_242] : memref<4096x128x128xf32, #tpu.memory_space<any>> -> memref<64x128x128xf32, #tpu.memory_space<any>>
        tpu.enqueue_dma source(%dma_start3A_243 : memref<64x128x128xf32, #tpu.memory_space<any>>) target(%dma_start3A_240 : memref<64x128x128xf32, #tpu.memory_space<vmem>>) target_semaphore(%dma_start3A_235 : memref<!tpu.dma_semaphore, #tpu.memory_space<semaphore_mem>>)
      } else {
      }
    }
    %scan3A_54 = arith.constant 15 : i32
    tpu.enqueue_dma source(%arg4 : memref<3840x128xf32, #tpu.memory_space<vmem>>) target(%arg2 : memref<3840x128xf32, #tpu.memory_space<any>>) target_semaphore(%arg6 : memref<!tpu.dma_semaphore, #tpu.memory_space<semaphore_mem>>)
    tpu.wait_dma2 semaphore(%arg6 : memref<!tpu.dma_semaphore, #tpu.memory_space<semaphore_mem>>) src(%arg4 : memref<3840x128xf32, #tpu.memory_space<vmem>>) dst(%arg2 : memref<3840x128xf32, #tpu.memory_space<any>>)
    return
  }
}

</mosaic_0001>

<sc_bundles>
// kernel: kernel.4.cloned.1.call-start
scs
__scs_entry_jumppad:
0x0: {  	(pc) =	sbr.rel $0x88, $3  }
0x1: {  	(tag) =	ssettag $0x0;
	lr =	simm.s32 $0x1  }
0x2: {  	[smem:$0x3F9F] =	sst lr;
	_ =	strace $0xD0000000  }
0x3: {  	_ = 	snop  }
0x4: {  	_ = 	snop  }
0x5: {  	_ = 	snop  }
0x6: {  	_ = 	snop  }
0x7: {  	_ = 	snop  }
__scs_overlays_trampoline_lowered:
0x8: {  	[smem:$0x3FAE] =	sst s0  }
0x9: {  	[smem:$0x3FAF] =	sst s1  }
0xa: {  	[smem:$0x3FB0] =	sst s2  }
0xb: {  	[smem:$0x3FB1] =	sst s3  }
0xc: {  	[smem:$0x3FB2] =	sst s4  }
0xd: {  	[smem:$0x3FB3] =	sst s5  }
0xe: {  	[smem:$0x3FB4] =	sst s6  }
0xf: {  	[smem:$0x3FB5] =	sst s7  }
0x10: {  	[smem:$0x3FB6] =	sst s8  }
0x11: {  	[smem:$0x3FB7] =	sst s9;
	s0 =	simm.s32 @!p0 $0x0  }
0x12: {  	s1 =	sld [smem:$0x3F9D];
	s0 =	simm.s32 @p0 $0x1  }
0x13: {  	[smem:$0x3FB8] =	sst s0;
	s0 =	simm.s32 @!p1 $0x0  }
0x14: {  	s2 =	sld [smem:$0x3F9C];
	s0 =	simm.s32 @p1 $0x1  }
0x15: {  	[smem:$0x3FB9] =	sst s0;
	s0 =	simm.s32 @!p2 $0x0  }
0x16: {  	s3 =	sld [smem:$0x3FDB];
	s0 =	simm.s32 @p2 $0x1  }
0x17: {  	s4 =	simm.s32 $0x1BF5;
	[smem:$0x3FBB] =	sst s0  }
0x18: {  	s0 =	sld [smem:$0x3F9E];
	_ =	swait.ge [sflag:s4], $0x0  }
0x19: {  	s7 =	sld [smem:$0x3F9F]  }
0x1a: {  	s8 =	sadd.s32 $0xFFFFE003, lr  }
0x1b: {  	s9 =	sadd.s32 $0xFFFFFEF7, lr;
	s5 =	simm.s32 $0xFFFFFFFF;
	p2 =	slt.u32 s8, $0xFFFFF086  }
0x1c: {  	p1 =	slt.u32 s9, $0xF7A;
	s5 =	simm.s32 @!p2 $0x0  }
0x1d: {  	s5 =	simm.s32 @p1 $0x1;
	p0 =	seq.s32 s7, s2  }
0x1e: {  	s7 =	smul.u32 @!p0 $0xF7A, s2;
	p2 =	seq.s32 @!p0 s5, $0x0  }
0x1f: {  	s9 =	smul.u32 $0xF7A, s1;
	s8 =	simm.s32 @!p0 $0x1BF5;
	p2 =	por !p2, p0  }
0x20: {  	[sflag:s8] =	ssyncset.s32 @!p0 $0xFFFFF086;
	s6 =	sadd.s32 @!p0 s3, s7;
	s7 =	simm.s32 @!p0 $0x108  }
0x21: {  	s3 =	sadd.s32 s3, s9;
	s6 =	sadd.s32 @!p0 $0x88, s6;
	s7 =	simm.s32 @p2 $0x1082  }
0x22: {  	[simem:s7], [sflag:s8] =	dma.local @!p0 [hbm:s6], $0xF7A  }
0x23: {  	s9 =	sor.u32 $0xD0000000, s2;
	s6 =	simm.s32 $0x108;
	_ =	swait.ge @!p0 [sflag:s8], $0x0  }
0x24: {  	s3 =	sadd.s32 $0x88, s3;
	s6 =	simm.s32 @!p1 $0x1082;
	[sflag:s4] =	ssyncset.s32 $0xFFFFF086  }
0x25: {  	[simem:s6], [sflag:s4] =	dma.local [hbm:s3], $0xF7A  }
0x26: {  	[smem:$0x3F9F] =	sst s1;
	(tag) =	ssettag s2;
	_ =	strace s9  }
0x27: {  	s1 =	sld [smem:$0x3FAF]  }
0x28: {  	s2 =	sld [smem:$0x3FB0]  }
0x29: {  	s4 =	sld [smem:$0x3FB2]  }
0x2a: {  	p0 =	seq.s32 s5, $0x0;
	s5 =	sld [smem:$0x3FB3]  }
0x2b: {  	s6 =	sld [smem:$0x3FB4]  }
0x2c: {  	s7 =	sld [smem:$0x3FB5]  }
0x2d: {  	s3 =	simm.s32 $0x108;
	s8 =	sld [smem:$0x3FB6]  }
0x2e: {  	s3 =	simm.s32 @!p0 $0x1082;
	s9 =	sld [smem:$0x3FB7]  }
0x2f: {  	lr =	sadd.s32 s0, s3;
	s0 =	sld [smem:$0x3FAE]  }
0x30: {  	s3 =	sld [smem:$0x3FB1]  }
0x31: {  	[smem:$0x3FBA] =	sst s10  }
0x32: {  	s10 =	sld [smem:$0x3FB8];
	_ =	sdelay $0x3  }
0x33: {  	p0 =	seq.s32 s10, $0x1;
	s10 =	sld [smem:$0x3FBA];
	_ =	sdelay $0x3  }
0x34: {  	[smem:$0x3FBA] =	sst s10  }
0x35: {  	s10 =	sld [smem:$0x3FB9];
	_ =	sdelay $0x3  }
0x36: {  	p1 =	seq.s32 s10, $0x1;
	s10 =	sld [smem:$0x3FBA];
	_ =	sdelay $0x3  }
0x37: {  	[smem:$0x3FBA] =	sst s10  }
0x38: {  	s10 =	sld [smem:$0x3FBB]  }
0x39: {  	_ = 	snop;
	(pc) =	sbr.ind lr, $3  }
0x3a: {  	_ = 	snop  }
0x3b: {  	_ = 	snop  }
0x3c: {  	p2 =	seq.s32 s10, $0x1;
	s10 =	sld [smem:$0x3FBA]  }
0x3d: {  	_ =	shalt  }
0x3e: {  	_ =	shalt  }
0x3f: {  	_ =	shalt  }
0x40: {  	_ =	shalt  }
0x41: {  	_ =	shalt  }
0x42: {  	_ =	shalt  }
0x43: {  	_ =	shalt  }
0x44: {  	_ =	shalt  }
0x45: {  	_ =	shalt  }
0x46: {  	_ =	shalt  }
0x47: {  	_ =	shalt  }
0x48: {  	_ =	shalt  }
0x49: {  	_ =	shalt  }
0x4a: {  	_ =	shalt  }
0x4b: {  	_ =	shalt  }
0x4c: {  	_ =	shalt  }
0x4d: {  	_ =	shalt  }
0x4e: {  	_ =	shalt  }
0x4f: {  	_ =	shalt  }
0x50: {  	_ =	shalt  }
0x51: {  	_ =	shalt  }
0x52: {  	_ =	shalt  }
0x53: {  	_ =	shalt  }
0x54: {  	_ =	shalt  }
0x55: {  	_ =	shalt  }
0x56: {  	_ =	shalt  }
0x57: {  	_ =	shalt  }
0x58: {  	_ =	shalt  }
0x59: {  	_ =	shalt  }
0x5a: {  	_ =	shalt  }
0x5b: {  	_ =	shalt  }
0x5c: {  	_ =	shalt  }
0x5d: {  	_ =	shalt  }
0x5e: {  	_ =	shalt  }
0x5f: {  	_ =	shalt  }
0x60: {  	_ =	shalt  }
0x61: {  	_ =	shalt  }
0x62: {  	_ =	shalt  }
0x63: {  	_ =	shalt  }
0x64: {  	_ =	shalt  }
0x65: {  	_ =	shalt  }
0x66: {  	_ =	shalt  }
0x67: {  	_ =	shalt  }
0x68: {  	_ =	shalt  }
0x69: {  	_ =	shalt  }
0x6a: {  	_ =	shalt  }
0x6b: {  	_ =	shalt  }
0x6c: {  	_ =	shalt  }
0x6d: {  	_ =	shalt  }
0x6e: {  	_ =	shalt  }
0x6f: {  	_ =	shalt  }
0x70: {  	_ =	shalt  }
0x71: {  	_ =	shalt  }
0x72: {  	_ =	shalt  }
0x73: {  	_ =	shalt  }
0x74: {  	_ =	shalt  }
0x75: {  	_ =	shalt  }
0x76: {  	_ =	shalt  }
0x77: {  	_ =	shalt  }
0x78: {  	_ =	shalt  }
0x79: {  	_ =	shalt  }
0x7a: {  	_ =	shalt  }
0x7b: {  	_ =	shalt  }
0x7c: {  	_ =	shalt  }
0x7d: {  	_ =	shalt  }
0x7e: {  	_ =	shalt  }
0x7f: {  	_ =	shalt  }
0x80: {  	_ =	shalt  }
0x81: {  	_ =	shalt  }
0x82: {  	_ =	shalt  }
0x83: {  	_ =	shalt  }
0x84: {  	_ =	shalt  }
0x85: {  	_ =	shalt  }
0x86: {  	_ =	shalt  }
0x87: {  	_ =	shalt  }
.Lfunc_end0:
.L_simem_size_0:
called_computation_lowered:
.L_overlay_start_0:
0x88: {  	s2 =	sld [smem:$0x3FD9]  }
0x89: {  	s3 =	sld [smem:$0x3FFE];
	_ =	sdelay $0x1  }
0x8a: {  	s1 =	srdreg.scid  }
0x8b: {  	s0 =	sand.u32 $0x1, s1  }
0x8c: {  	s17 =	sshll.u32 s0, $0xA;
	s2 =	sadd.s32 s3, s2  }
0x8d: {  	s2 =	sadd.s32 s2, s17  }
0x8e: {  	[smem:$0x3FC6] =	sst s2  }
0x8f: {  	_ = 	snop  }
0x90: {  	s2 =	sld [smem:$0x3FC9]  }
0x91: {  	s18 =	sld [smem:$0x3FC8];
	(tm) =	ssettm $0x1  }
0x92: {  	s4 =	sld [smem:$0x3FFB];
	_ =	sdelay $0x3  }
0x93: {  	_ =	strace s4  }
0x94: {  	s4 =	sld [smem:$0x3FFC];
	_ =	sdelay $0x3  }
0x95: {  	_ =	strace s4  }
0x96: {  	s4 =	sld [smem:$0x3FFD];
	_ =	sdelay $0x3  }
0x97: {  	_ =	strace s4  }
0x98: {  	_ =	strace $0x8FFFFFFF  }
0x99: {  	s19 =	sld [smem:$0x3FDB];
	_ =	sdelay $0x1  }
0x9a: {  	s5 =	simm.s32 $_scs_section_size  }
0x9b: {  	s6 =	simm.s32 $_size__tile_overlayer_lowered;
	s7 =	simm.s32 $_tile_overlayer_lowered  }
0x9c: {  	s22 =	simm.s32 $0x1BFF;
	s21 =	sshll.u32 s7, $0x1;
	s4 =	sadd.s32 s5, s19  }
0x9d: {  	s8 =	simm.s32 $0x0;
	s20 =	sshll.u32 s6, $0x1;
	s6 =	sadd.s32 s21, s4  }
0x9e: {  	[timem:s8], [sflag:s22] =	dma.local [hbm:s6], s20  }
0x9f: {  	_ =	swait.ge [sflag:s22], s20  }
0xa0: {  	s5 =	ssub.s32 $0x0, s20;
	[sflag:s22] =	ssyncset.done $0x0  }
0xa1: {  	[sflag:s22] =	ssyncadd.s32 s5;
	_ =	sdelay $0x1  }
0xa2: {  	s23 =	simm.s32 $0x1B8B  }
0xa3: {  	_ =	swait.ge [sflag:s23], $0x1  }
0xa4: {  	[sflag:s23] =	ssyncset.done $0x0  }
0xa5: {  	s25 =	simm.s32 $0x1B8E;
	s24 =	sld [smem:$0x3FFE];
	[sflag:s23] =	ssyncadd.s32 $0xFFFFFFFF  }
0xa6: {  	s26 =	simm.s32 $execute0_lowered;
	[smem:$0x3FD2] =	sst s25  }
0xa7: {  	s6 =	sshll.u32 s26, $0x1;
	_ =	strace $0x80000046;
	[dreg:$0x1] =	wrdreg $0xFFFFFFFF  }
0xa8: {  	s28 =	simm.s32 $_size_execute0_lowered;
	s4 =	sadd.s32 s4, s6;
	[dreg:$0x0] =	wrdreg $0x0  }
0xa9: {  	s6 =	sshll.u32 s28, $0x1;
	[dreg:$0x2] =	wrdreg s4  }
0xaa: {  	[dreg:$0x3] =	wrdreg s6  }
0xab: {  	[dreg:$0x4] =	wrdreg $0xC0  }
0xac: {  	_ =	task [dreg:s8], $0x5FFFF  }
0xad: {  	[dreg:$0x1] =	wrdreg $0xFFFFFFFF  }
0xae: {  	[dreg:$0x0] =	wrdreg $0x60  }
0xaf: {  	[dreg:$0x2] =	wrdreg s2  }
0xb0: {  	[dreg:$0x3] =	wrdreg s18  }
0xb1: {  	[dreg:$0x4] =	wrdreg s24  }
0xb2: {  	[dreg:$0x5] =	wrdreg $0x9  }
0xb3: {  	_ =	task.clear_ibuf [dreg:s8], $0x6FFFF;
	_ =	strace $0x90000046  }
0xb4: {  	s29 =	simm.s32 $0x9;
	_ =	strace $0x80000048  }
0xb5: {  	_ =	swait.ge [sflag:s29], $0x1  }
0xb6: {  	[sflag:s29] =	ssyncadd.s32 $0xFFFFFFFF  }
0xb7: {  	_ =	strace $0x90000048  }
0xb8: {  	_ =	sfence  }
0xb9: {  	s30 =	sld [smem:$0x0];
	_ =	sdelay $0x2  }
0xba: {  	s31 =	sshll.u32 s1, $0xD;
	s1 =	sshrl.u32 s1, $0x2  }
0xbb: {  	s3 =	sand.u32 $0x4000, s31;
	s1 =	sadd.s32 s1, s30  }
0xbc: {  	s0 =	sor.u32 s3, s0;
	s1 =	sshll.u32 s1, $0x11  }
0xbd: {  	s0 =	sor.u32 s1, s0  }
0xbe: {  	s0 =	sadd.s32 $0x8F2B, s0  }
0xbf: {  	[sflag:s0] =	ssyncadd.remote.s32 $0x1  }
0xc0: {  	_ =	sfence.sel $0xFFFF  }
0xc1: {  	[dreg:$0x0] =	wrdreg $0xFFFFFFFF;
	(pc) =	sbr.abs _section_cstart, $3  }
0xc2: {  	[dreg:$0x1] =	wrdreg $0xFFFFFFFF  }
0xc3: {  	_ =	task.clear_ibuf [dreg:s8], $0x2FFFF;
	_ =	strace $0x9FFFFFFF  }
0xc4: {  	(tm) =	ssettm $0x7FFFFFFF  }
0xc5: {  	_ =	shalt  }
tec
execute0_lowered:
.L_overlay_start_1:
0x0: {  	(tag) =	ssettag $0x1  }
0x1: {  	s8 =	rddreg [dreg:$0x0]  }
0x2: {  	s1 =	rddreg [dreg:$0x1]  }
0x3: {  	s5 =	rddreg [dreg:$0x2]  }
0x4: {  	s0 =	rddreg [dreg:$0x3]  }
0x5: {  	s4 =	srdreg.scid;
	s3 =	simm.s32 $0x0;
	s2 =	stileid.u32  }
0x6: {  	s12 =	simm.s32 $0x4;
	s13 =	simm.s32 $0x8000;
	s14 =	simm.s32 $0x1  }
0x7: {  	v0 =	vlaneseq.u32;
	s15 =	simm.s32 $0x10480;
	s16 =	simm.s32 $0x2;
	s17 =	simm.s32 $0x10000  }
0x8: {  	s18 =	simm.s32 $0x3;
	s19 =	simm.s32 $0x0;
	s4 =	sand.u32 $0x1, s4;
	v0 =	vmul.u32 $0x10, v0  }
0x9: {  	[smem:$0x7FF] =	sst s3;
	s6 =	sshll.u32 s2, $0xB;
	s7 =	sshll.u32 s4, $0xA  }
0xa: {  	_ =	strace $0x80000047;
	s9 =	ssub.s32 $0x2, s4;
	s6 =	sor.u32 s7, s6;
	v1 =	vor.u32 $0x1, v0;
	v2 =	vor.u32 $0x2, v0;
	v3 =	vor.u32 $0x3, v0  }
0xb: {  	s31 =	sshrl.u32 s9, $0x1;
	v4 =	vor.u32 $0x4, v0;
	v5 =	vor.u32 $0x5, v0;
	v6 =	vor.u32 $0x6, v0;
	s7 =	sshrl.u32 s6, $0x3;
	s4 =	sshll.u32 s6, $0x4  }
0xc: {  	v7 =	vor.u32 $0x7, v0;
	v8 =	vor.u32 $0x8, v0;
	v9 =	vor.u32 $0x9, v0;
	s11 =	ssub.s32 s9, s31;
	s10 =	sadd.s32 s7, s5;
	s5 =	sadd.s32 s8, s4  }
0xd: {  	v10 =	vor.u32 $0xA, v0;
	v11 =	vor.u32 $0xB, v0;
	v12 =	vor.u32 $0xC, v0;
	s6 =	sadd.s32 $0x1000, s8;
	s8 =	sadd.s32 $0x3000, s8;
	s7 =	sadd.s32 $0x2000, s5  }
0xe: {  	v13 =	vor.u32 $0xD, v0;
	v14 =	vor.u32 $0xE, v0;
	v15 =	vor.u32 $0xF, v0;
	s9 =	sadd.s32 $0x600, s10;
	s10 =	smax.u32 s11, $0x1;
	s11 =	simm.s32 $0x10400  }
.LBB2_1:
0xf: {  	[tilespmem:s11], [sflag:$0x4] =	stream.linear.gather [hbm4b:s1+s3], $0x80, $0x38;
	[tilespmem:$0x10580] =	vst v63  }
0x10: {  	_ =	swait.ge [sflag:s12], $0x80  }
0x11: {  	[sflag:s12] =	ssyncset.done $0x0  }
0x12: {  	[sflag:s12] =	ssyncadd.s32 $0xFFFFFF80  }
0x13: {  	v16 =	vld [tilespmem:$0x10400]  }
0x14: {  	v17 =	vld [tilespmem:$0x10410]  }
0x15: {  	v18 =	vld [tilespmem:$0x10420]  }
0x16: {  	v19 =	vld [tilespmem:$0x10430]  }
0x17: {  	v20 =	vld [tilespmem:$0x10440]  }
0x18: {  	v21 =	vld [tilespmem:$0x10450]  }
0x19: {  	p1 =	por $0x1, $0x1;
	s21 =	smov.u32 s6;
	s20 =	simm.s32 $0x0;
	v22 =	vld [tilespmem:$0x10460]  }
0x1a: {  	v23 =	vld [tilespmem:$0x10470];
	[tilespmem:s3], [sflag:$0x1] =	stream.linear.gather [hbm4b:s5+s3], $0x8000, $0x38  }
.LBB2_2:
0x1b: {  	s22 =	sadd.s32 s4, s21;
	s21 =	simm.s32 $0x0  }
0x1c: {  	[tilespmem:s13], [sflag:$0x2] =	stream.linear.gather [hbm4b:s22+s21], $0x8000, $0x38;
	[tilespmem:$0x10580] =	vst v63  }
0x1d: {  	_ =	swait.ge [sflag:s14], $0x8000  }
0x1e: {  	s20 =	sshra.s32 s20, $0x2;
	p0 =	por p1, p1;
	[sflag:s14] =	ssyncset.done $0x0  }
0x1f: {  	s20 =	sadd.s32 $0x10000, s20;
	s22 =	simm.s32 $0x400;
	[sflag:s14] =	ssyncadd.s32 $0xFFFF8000  }
.LBB2_3:
0x20: {  	v24 =	vld [tilespmem:s22+$0xFFFFFC00]  }
0x21: {  	v25 =	vld [tilespmem:s22+$0xFFFFFC10]  }
0x22: {  	v26 =	vld [tilespmem:s22+$0xFFFFFC20]  }
0x23: {  	v27 =	vld [tilespmem:s22+$0xFFFFFC30]  }
0x24: {  	v28 =	vld [tilespmem:s22+$0xFFFFFC40]  }
0x25: {  	v29 =	vld [tilespmem:s22+$0xFFFFFC50]  }
0x26: {  	v30 =	vld [tilespmem:s22+$0xFFFFFC60]  }
0x27: {  	v31 =	vld [tilespmem:s22+$0xFFFFFC70];
	_ =	sdelay $0x1  }
0x28: {  	v24 =	vmul.f32 v24, v16;
	v25 =	vmul.f32 v25, v17  }
0x29: {  	v26 =	vmul.f32 v26, v18;
	v27 =	vmul.f32 v27, v19  }
0x2a: {  	v28 =	vmul.f32 v28, v20;
	v29 =	vmul.f32 v29, v21  }
0x2b: {  	v30 =	vmul.f32 v30, v22;
	v31 =	vmul.f32 v31, v23  }
0x2c: {  	v24 =	vadd.f32 v25, v24;
	v40 =	vadd.f32 v27, v26  }
0x2d: {  	v41 =	vadd.f32 v29, v28;
	v42 =	vadd.f32 v31, v30;
	_ =	sdelay $0x1  }
0x2e: {  	v24 =	vadd.f32 v40, v24;
	v43 =	vadd.f32 v42, v41;
	_ =	sdelay $0x1  }
0x2f: {  	v24 =	vadd.f32 v43, v24;
	_ =	sdelay $0x1  }
0x30: {  	[tilespmem:$0x10480] =	vst v24  }
0x31: {  	v24 =	vld [tilespmem:s22+$0xFFFFFC80]  }
0x32: {  	v44 =	vld [tilespmem:s22+$0xFFFFFC90]  }
0x33: {  	v45 =	vld [tilespmem:s22+$0xFFFFFCA0]  }
0x34: {  	v46 =	vld [tilespmem:s22+$0xFFFFFCB0]  }
0x35: {  	v47 =	vld [tilespmem:s22+$0xFFFFFCC0]  }
0x36: {  	v48 =	vld [tilespmem:s22+$0xFFFFFCD0]  }
0x37: {  	v49 =	vld [tilespmem:s22+$0xFFFFFCE0]  }
0x38: {  	v50 =	vld [tilespmem:s22+$0xFFFFFCF0];
	_ =	sdelay $0x1  }
0x39: {  	v24 =	vmul.f32 v24, v16;
	v25 =	vmul.f32 v44, v17  }
0x3a: {  	v26 =	vmul.f32 v45, v18;
	v27 =	vmul.f32 v46, v19  }
0x3b: {  	v28 =	vmul.f32 v47, v20;
	v29 =	vmul.f32 v48, v21  }
0x3c: {  	v30 =	vmul.f32 v49, v22;
	v31 =	vmul.f32 v50, v23  }
0x3d: {  	v24 =	vadd.f32 v25, v24;
	v51 =	vadd.f32 v27, v26  }
0x3e: {  	v52 =	vadd.f32 v29, v28;
	v53 =	vadd.f32 v31, v30;
	_ =	sdelay $0x1  }
0x3f: {  	v24 =	vadd.f32 v51, v24;
	v54 =	vadd.f32 v53, v52;
	_ =	sdelay $0x1  }
0x40: {  	v24 =	vadd.f32 v54, v24;
	_ =	sdelay $0x1  }
0x41: {  	[tilespmem:$0x10490] =	vst v24  }
0x42: {  	v24 =	vld [tilespmem:s22+$0xFFFFFD00]  }
0x43: {  	v55 =	vld [tilespmem:s22+$0xFFFFFD10]  }
0x44: {  	v56 =	vld [tilespmem:s22+$0xFFFFFD20]  }
0x45: {  	v57 =	vld [tilespmem:s22+$0xFFFFFD30]  }
0x46: {  	v58 =	vld [tilespmem:s22+$0xFFFFFD40]  }
0x47: {  	v59 =	vld [tilespmem:s22+$0xFFFFFD50]  }
0x48: {  	v60 =	vld [tilespmem:s22+$0xFFFFFD60]  }
0x49: {  	v61 =	vld [tilespmem:s22+$0xFFFFFD70];
	_ =	sdelay $0x1  }
0x4a: {  	v24 =	vmul.f32 v24, v16;
	v25 =	vmul.f32 v55, v17  }
0x4b: {  	v26 =	vmul.f32 v56, v18;
	v27 =	vmul.f32 v57, v19  }
0x4c: {  	v28 =	vmul.f32 v58, v20;
	v29 =	vmul.f32 v59, v21  }
0x4d: {  	v30 =	vmul.f32 v60, v22;
	v31 =	vmul.f32 v61, v23  }
0x4e: {  	v24 =	vadd.f32 v25, v24;
	v62 =	vadd.f32 v27, v26  }
0x4f: {  	v63 =	vadd.f32 v29, v28;
	v31 =	vadd.f32 v31, v30;
	_ =	sdelay $0x1  }
0x50: {  	v24 =	vadd.f32 v62, v24;
	v32 =	vadd.f32 v31, v63;
	_ =	sdelay $0x1  }
0x51: {  	v24 =	vadd.f32 v32, v24;
	_ =	sdelay $0x1  }
0x52: {  	[tilespmem:$0x104A0] =	vst v24  }
0x53: {  	v24 =	vld [tilespmem:s22+$0xFFFFFD80]  }
0x54: {  	v33 =	vld [tilespmem:s22+$0xFFFFFD90]  }
0x55: {  	v34 =	vld [tilespmem:s22+$0xFFFFFDA0]  }
0x56: {  	v35 =	vld [tilespmem:s22+$0xFFFFFDB0]  }
0x57: {  	v36 =	vld [tilespmem:s22+$0xFFFFFDC0]  }
0x58: {  	v37 =	vld [tilespmem:s22+$0xFFFFFDD0]  }
0x59: {  	v38 =	vld [tilespmem:s22+$0xFFFFFDE0]  }
0x5a: {  	v39 =	vld [tilespmem:s22+$0xFFFFFDF0];
	_ =	sdelay $0x1  }
0x5b: {  	v24 =	vmul.f32 v24, v16;
	v25 =	vmul.f32 v33, v17  }
0x5c: {  	v26 =	vmul.f32 v34, v18;
	v27 =	vmul.f32 v35, v19  }
0x5d: {  	v28 =	vmul.f32 v36, v20;
	v29 =	vmul.f32 v37, v21  }
0x5e: {  	v30 =	vmul.f32 v38, v22;
	v31 =	vmul.f32 v39, v23  }
0x5f: {  	v24 =	vadd.f32 v25, v24;
	v40 =	vadd.f32 v27, v26  }
0x60: {  	v41 =	vadd.f32 v29, v28;
	v42 =	vadd.f32 v31, v30;
	_ =	sdelay $0x1  }
0x61: {  	v24 =	vadd.f32 v40, v24;
	v43 =	vadd.f32 v42, v41;
	_ =	sdelay $0x1  }
0x62: {  	v24 =	vadd.f32 v43, v24;
	_ =	sdelay $0x1  }
0x63: {  	[tilespmem:$0x104B0] =	vst v24  }
0x64: {  	v24 =	vld [tilespmem:s22+$0xFFFFFE00]  }
0x65: {  	v44 =	vld [tilespmem:s22+$0xFFFFFE10]  }
0x66: {  	v45 =	vld [tilespmem:s22+$0xFFFFFE20]  }
0x67: {  	v46 =	vld [tilespmem:s22+$0xFFFFFE30]  }
0x68: {  	v47 =	vld [tilespmem:s22+$0xFFFFFE40]  }
0x69: {  	v48 =	vld [tilespmem:s22+$0xFFFFFE50]  }
0x6a: {  	v49 =	vld [tilespmem:s22+$0xFFFFFE60]  }
0x6b: {  	v50 =	vld [tilespmem:s22+$0xFFFFFE70];
	_ =	sdelay $0x1  }
0x6c: {  	v24 =	vmul.f32 v24, v16;
	v25 =	vmul.f32 v44, v17  }
0x6d: {  	v26 =	vmul.f32 v45, v18;
	v27 =	vmul.f32 v46, v19  }
0x6e: {  	v28 =	vmul.f32 v47, v20;
	v29 =	vmul.f32 v48, v21  }
0x6f: {  	v30 =	vmul.f32 v49, v22;
	v31 =	vmul.f32 v50, v23  }
0x70: {  	v24 =	vadd.f32 v25, v24;
	v51 =	vadd.f32 v27, v26  }
0x71: {  	v52 =	vadd.f32 v29, v28;
	v53 =	vadd.f32 v31, v30;
	_ =	sdelay $0x1  }
0x72: {  	v24 =	vadd.f32 v51, v24;
	v54 =	vadd.f32 v53, v52;
	_ =	sdelay $0x1  }
0x73: {  	v24 =	vadd.f32 v54, v24;
	_ =	sdelay $0x1  }
0x74: {  	[tilespmem:$0x104C0] =	vst v24  }
0x75: {  	v24 =	vld [tilespmem:s22+$0xFFFFFE80]  }
0x76: {  	v55 =	vld [tilespmem:s22+$0xFFFFFE90]  }
0x77: {  	v56 =	vld [tilespmem:s22+$0xFFFFFEA0]  }
0x78: {  	v57 =	vld [tilespmem:s22+$0xFFFFFEB0]  }
0x79: {  	v58 =	vld [tilespmem:s22+$0xFFFFFEC0]  }
0x7a: {  	v59 =	vld [tilespmem:s22+$0xFFFFFED0]  }
0x7b: {  	v60 =	vld [tilespmem:s22+$0xFFFFFEE0]  }
0x7c: {  	v61 =	vld [tilespmem:s22+$0xFFFFFEF0];
	_ =	sdelay $0x1  }
0x7d: {  	v24 =	vmul.f32 v24, v16;
	v25 =	vmul.f32 v55, v17  }
0x7e: {  	v26 =	vmul.f32 v56, v18;
	v27 =	vmul.f32 v57, v19  }
0x7f: {  	v28 =	vmul.f32 v58, v20;
	v29 =	vmul.f32 v59, v21  }
0x80: {  	v30 =	vmul.f32 v60, v22;
	v31 =	vmul.f32 v61, v23  }
0x81: {  	v24 =	vadd.f32 v25, v24;
	v62 =	vadd.f32 v27, v26  }
0x82: {  	v63 =	vadd.f32 v29, v28;
	v32 =	vadd.f32 v31, v30;
	_ =	sdelay $0x1  }
0x83: {  	v24 =	vadd.f32 v62, v24;
	v33 =	vadd.f32 v32, v63;
	_ =	sdelay $0x1  }
0x84: {  	v24 =	vadd.f32 v33, v24;
	_ =	sdelay $0x1  }
0x85: {  	[tilespmem:$0x104D0] =	vst v24  }
0x86: {  	v24 =	vld [tilespmem:s22+$0xFFFFFF00]  }
0x87: {  	v34 =	vld [tilespmem:s22+$0xFFFFFF10]  }
0x88: {  	v35 =	vld [tilespmem:s22+$0xFFFFFF20]  }
0x89: {  	v36 =	vld [tilespmem:s22+$0xFFFFFF30]  }
0x8a: {  	v37 =	vld [tilespmem:s22+$0xFFFFFF40]  }
0x8b: {  	v38 =	vld [tilespmem:s22+$0xFFFFFF50]  }
0x8c: {  	v39 =	vld [tilespmem:s22+$0xFFFFFF60]  }
0x8d: {  	v40 =	vld [tilespmem:s22+$0xFFFFFF70];
	_ =	sdelay $0x1  }
0x8e: {  	v24 =	vmul.f32 v24, v16;
	v25 =	vmul.f32 v34, v17  }
0x8f: {  	v26 =	vmul.f32 v35, v18;
	v27 =	vmul.f32 v36, v19  }
0x90: {  	v28 =	vmul.f32 v37, v20;
	v29 =	vmul.f32 v38, v21  }
0x91: {  	v30 =	vmul.f32 v39, v22;
	v31 =	vmul.f32 v40, v23  }
0x92: {  	v24 =	vadd.f32 v25, v24;
	v41 =	vadd.f32 v27, v26  }
0x93: {  	v42 =	vadd.f32 v29, v28;
	v43 =	vadd.f32 v31, v30;
	_ =	sdelay $0x1  }
0x94: {  	v24 =	vadd.f32 v41, v24;
	v44 =	vadd.f32 v43, v42;
	_ =	sdelay $0x1  }
0x95: {  	v24 =	vadd.f32 v44, v24;
	_ =	sdelay $0x1  }
0x96: {  	[tilespmem:$0x104E0] =	vst v24  }
0x97: {  	v24 =	vld [tilespmem:s22+$0xFFFFFF80]  }
0x98: {  	v45 =	vld [tilespmem:s22+$0xFFFFFF90]  }
0x99: {  	v46 =	vld [tilespmem:s22+$0xFFFFFFA0]  }
0x9a: {  	v47 =	vld [tilespmem:s22+$0xFFFFFFB0]  }
0x9b: {  	v48 =	vld [tilespmem:s22+$0xFFFFFFC0]  }
0x9c: {  	v49 =	vld [tilespmem:s22+$0xFFFFFFD0]  }
0x9d: {  	v50 =	vld [tilespmem:s22+$0xFFFFFFE0]  }
0x9e: {  	v51 =	vld [tilespmem:s22+$0xFFFFFFF0];
	_ =	sdelay $0x1  }
0x9f: {  	v24 =	vmul.f32 v24, v16;
	v25 =	vmul.f32 v45, v17  }
0xa0: {  	v26 =	vmul.f32 v46, v18;
	v27 =	vmul.f32 v47, v19  }
0xa1: {  	v28 =	vmul.f32 v48, v20;
	v29 =	vmul.f32 v49, v21  }
0xa2: {  	v30 =	vmul.f32 v50, v22;
	v31 =	vmul.f32 v51, v23  }
0xa3: {  	v24 =	vadd.f32 v25, v24;
	v52 =	vadd.f32 v27, v26  }
0xa4: {  	v53 =	vadd.f32 v29, v28;
	v54 =	vadd.f32 v31, v30;
	_ =	sdelay $0x1  }
0xa5: {  	v24 =	vadd.f32 v52, v24;
	v55 =	vadd.f32 v54, v53;
	_ =	sdelay $0x1  }
0xa6: {  	v24 =	vadd.f32 v55, v24;
	_ =	sdelay $0x1  }
0xa7: {  	[tilespmem:$0x104F0] =	vst v24  }
0xa8: {  	v24 =	vld [tilespmem:s22+$0x0]  }
0xa9: {  	v56 =	vld [tilespmem:s22+$0x10]  }
0xaa: {  	v57 =	vld [tilespmem:s22+$0x20]  }
0xab: {  	v58 =	vld [tilespmem:s22+$0x30]  }
0xac: {  	v59 =	vld [tilespmem:s22+$0x40]  }
0xad: {  	v60 =	vld [tilespmem:s22+$0x50]  }
0xae: {  	v61 =	vld [tilespmem:s22+$0x60]  }
0xaf: {  	v62 =	vld [tilespmem:s22+$0x70];
	_ =	sdelay $0x1  }
0xb0: {  	v24 =	vmul.f32 v24, v16;
	v25 =	vmul.f32 v56, v17  }
0xb1: {  	v26 =	vmul.f32 v57, v18;
	v27 =	vmul.f32 v58, v19  }
0xb2: {  	v28 =	vmul.f32 v59, v20;
	v29 =	vmul.f32 v60, v21  }
0xb3: {  	v30 =	vmul.f32 v61, v22;
	v31 =	vmul.f32 v62, v23  }
0xb4: {  	v24 =	vadd.f32 v25, v24;
	v63 =	vadd.f32 v27, v26  }
0xb5: {  	v32 =	vadd.f32 v29, v28;
	v33 =	vadd.f32 v31, v30;
	_ =	sdelay $0x1  }
0xb6: {  	v24 =	vadd.f32 v63, v24;
	v34 =	vadd.f32 v33, v32;
	_ =	sdelay $0x1  }
0xb7: {  	v24 =	vadd.f32 v34, v24;
	_ =	sdelay $0x1  }
0xb8: {  	[tilespmem:$0x10500] =	vst v24  }
0xb9: {  	v24 =	vld [tilespmem:s22+$0x80]  }
0xba: {  	v35 =	vld [tilespmem:s22+$0x90]  }
0xbb: {  	v36 =	vld [tilespmem:s22+$0xA0]  }
0xbc: {  	v37 =	vld [tilespmem:s22+$0xB0]  }
0xbd: {  	v38 =	vld [tilespmem:s22+$0xC0]  }
0xbe: {  	v39 =	vld [tilespmem:s22+$0xD0]  }
0xbf: {  	v40 =	vld [tilespmem:s22+$0xE0]  }
0xc0: {  	v41 =	vld [tilespmem:s22+$0xF0];
	_ =	sdelay $0x1  }
0xc1: {  	v24 =	vmul.f32 v24, v16;
	v25 =	vmul.f32 v35, v17  }
0xc2: {  	v26 =	vmul.f32 v36, v18;
	v27 =	vmul.f32 v37, v19  }
0xc3: {  	v28 =	vmul.f32 v38, v20;
	v29 =	vmul.f32 v39, v21  }
0xc4: {  	v30 =	vmul.f32 v40, v22;
	v31 =	vmul.f32 v41, v23  }
0xc5: {  	v24 =	vadd.f32 v25, v24;
	v42 =	vadd.f32 v27, v26  }
0xc6: {  	v43 =	vadd.f32 v29, v28;
	v44 =	vadd.f32 v31, v30;
	_ =	sdelay $0x1  }
0xc7: {  	v24 =	vadd.f32 v42, v24;
	v45 =	vadd.f32 v44, v43;
	_ =	sdelay $0x1  }
0xc8: {  	v24 =	vadd.f32 v45, v24;
	_ =	sdelay $0x1  }
0xc9: {  	[tilespmem:$0x10510] =	vst v24  }
0xca: {  	v24 =	vld [tilespmem:s22+$0x100]  }
0xcb: {  	v46 =	vld [tilespmem:s22+$0x110]  }
0xcc: {  	v47 =	vld [tilespmem:s22+$0x120]  }
0xcd: {  	v48 =	vld [tilespmem:s22+$0x130]  }
0xce: {  	v49 =	vld [tilespmem:s22+$0x140]  }
0xcf: {  	v50 =	vld [tilespmem:s22+$0x150]  }
0xd0: {  	v51 =	vld [tilespmem:s22+$0x160]  }
0xd1: {  	v52 =	vld [tilespmem:s22+$0x170];
	_ =	sdelay $0x1  }
0xd2: {  	v24 =	vmul.f32 v24, v16;
	v25 =	vmul.f32 v46, v17  }
0xd3: {  	v26 =	vmul.f32 v47, v18;
	v27 =	vmul.f32 v48, v19  }
0xd4: {  	v28 =	vmul.f32 v49, v20;
	v29 =	vmul.f32 v50, v21  }
0xd5: {  	v30 =	vmul.f32 v51, v22;
	v31 =	vmul.f32 v52, v23  }
0xd6: {  	v24 =	vadd.f32 v25, v24;
	v53 =	vadd.f32 v27, v26  }
0xd7: {  	v54 =	vadd.f32 v29, v28;
	v55 =	vadd.f32 v31, v30;
	_ =	sdelay $0x1  }
0xd8: {  	v24 =	vadd.f32 v53, v24;
	v56 =	vadd.f32 v55, v54;
	_ =	sdelay $0x1  }
0xd9: {  	v24 =	vadd.f32 v56, v24;
	_ =	sdelay $0x1  }
0xda: {  	[tilespmem:$0x10520] =	vst v24  }
0xdb: {  	v24 =	vld [tilespmem:s22+$0x180]  }
0xdc: {  	v57 =	vld [tilespmem:s22+$0x190]  }
0xdd: {  	v58 =	vld [tilespmem:s22+$0x1A0]  }
0xde: {  	v59 =	vld [tilespmem:s22+$0x1B0]  }
0xdf: {  	v60 =	vld [tilespmem:s22+$0x1C0]  }
0xe0: {  	v61 =	vld [tilespmem:s22+$0x1D0]  }
0xe1: {  	v62 =	vld [tilespmem:s22+$0x1E0]  }
0xe2: {  	v63 =	vld [tilespmem:s22+$0x1F0];
	_ =	sdelay $0x1  }
0xe3: {  	v24 =	vmul.f32 v24, v16;
	v25 =	vmul.f32 v57, v17  }
0xe4: {  	v26 =	vmul.f32 v58, v18;
	v27 =	vmul.f32 v59, v19  }
0xe5: {  	v28 =	vmul.f32 v60, v20;
	v29 =	vmul.f32 v61, v21  }
0xe6: {  	v30 =	vmul.f32 v62, v22;
	v31 =	vmul.f32 v63, v23  }
0xe7: {  	v24 =	vadd.f32 v25, v24;
	v32 =	vadd.f32 v27, v26  }
0xe8: {  	v33 =	vadd.f32 v29, v28;
	v34 =	vadd.f32 v31, v30;
	_ =	sdelay $0x1  }
0xe9: {  	v24 =	vadd.f32 v32, v24;
	v35 =	vadd.f32 v34, v33;
	_ =	sdelay $0x1  }
0xea: {  	v24 =	vadd.f32 v35, v24;
	_ =	sdelay $0x1  }
0xeb: {  	[tilespmem:$0x10530] =	vst v24  }
0xec: {  	v24 =	vld [tilespmem:s22+$0x200]  }
0xed: {  	v36 =	vld [tilespmem:s22+$0x210]  }
0xee: {  	v37 =	vld [tilespmem:s22+$0x220]  }
0xef: {  	v38 =	vld [tilespmem:s22+$0x230]  }
0xf0: {  	v39 =	vld [tilespmem:s22+$0x240]  }
0xf1: {  	v40 =	vld [tilespmem:s22+$0x250]  }
0xf2: {  	v41 =	vld [tilespmem:s22+$0x260]  }
0xf3: {  	v42 =	vld [tilespmem:s22+$0x270];
	_ =	sdelay $0x1  }
0xf4: {  	v24 =	vmul.f32 v24, v16;
	v25 =	vmul.f32 v36, v17  }
0xf5: {  	v26 =	vmul.f32 v37, v18;
	v27 =	vmul.f32 v38, v19  }
0xf6: {  	v28 =	vmul.f32 v39, v20;
	v29 =	vmul.f32 v40, v21  }
0xf7: {  	v30 =	vmul.f32 v41, v22;
	v31 =	vmul.f32 v42, v23  }
0xf8: {  	v24 =	vadd.f32 v25, v24;
	v43 =	vadd.f32 v27, v26  }
0xf9: {  	v44 =	vadd.f32 v29, v28;
	v45 =	vadd.f32 v31, v30;
	_ =	sdelay $0x1  }
0xfa: {  	v24 =	vadd.f32 v43, v24;
	v46 =	vadd.f32 v45, v44;
	_ =	sdelay $0x1  }
0xfb: {  	v24 =	vadd.f32 v46, v24;
	_ =	sdelay $0x1  }
0xfc: {  	[tilespmem:$0x10540] =	vst v24  }
0xfd: {  	v24 =	vld [tilespmem:s22+$0x280]  }
0xfe: {  	v47 =	vld [tilespmem:s22+$0x290]  }
0xff: {  	v48 =	vld [tilespmem:s22+$0x2A0]  }
0x100: {  	v49 =	vld [tilespmem:s22+$0x2B0]  }
0x101: {  	v50 =	vld [tilespmem:s22+$0x2C0]  }
0x102: {  	v51 =	vld [tilespmem:s22+$0x2D0]  }
0x103: {  	v52 =	vld [tilespmem:s22+$0x2E0]  }
0x104: {  	v53 =	vld [tilespmem:s22+$0x2F0];
	_ =	sdelay $0x1  }
0x105: {  	v24 =	vmul.f32 v24, v16;
	v25 =	vmul.f32 v47, v17  }
0x106: {  	v26 =	vmul.f32 v48, v18;
	v27 =	vmul.f32 v49, v19  }
0x107: {  	v28 =	vmul.f32 v50, v20;
	v29 =	vmul.f32 v51, v21  }
0x108: {  	v30 =	vmul.f32 v52, v22;
	v31 =	vmul.f32 v53, v23  }
0x109: {  	v24 =	vadd.f32 v25, v24;
	v54 =	vadd.f32 v27, v26  }
0x10a: {  	v55 =	vadd.f32 v29, v28;
	v56 =	vadd.f32 v31, v30;
	_ =	sdelay $0x1  }
0x10b: {  	v24 =	vadd.f32 v54, v24;
	v57 =	vadd.f32 v56, v55;
	_ =	sdelay $0x1  }
0x10c: {  	v24 =	vadd.f32 v57, v24;
	_ =	sdelay $0x1  }
0x10d: {  	[tilespmem:$0x10550] =	vst v24  }
0x10e: {  	v24 =	vld [tilespmem:s22+$0x300]  }
0x10f: {  	v58 =	vld [tilespmem:s22+$0x310]  }
0x110: {  	v59 =	vld [tilespmem:s22+$0x320]  }
0x111: {  	v60 =	vld [tilespmem:s22+$0x330]  }
0x112: {  	v61 =	vld [tilespmem:s22+$0x340]  }
0x113: {  	v62 =	vld [tilespmem:s22+$0x350]  }
0x114: {  	v63 =	vld [tilespmem:s22+$0x360]  }
0x115: {  	v33 =	vld [tilespmem:s22+$0x370];
	_ =	sdelay $0x1  }
0x116: {  	v24 =	vmul.f32 v24, v16;
	v25 =	vmul.f32 v58, v17  }
0x117: {  	v26 =	vmul.f32 v59, v18;
	v27 =	vmul.f32 v60, v19  }
0x118: {  	v28 =	vmul.f32 v61, v20;
	v29 =	vmul.f32 v62, v21  }
0x119: {  	v30 =	vmul.f32 v63, v22;
	v31 =	vmul.f32 v33, v23  }
0x11a: {  	v24 =	vadd.f32 v25, v24;
	v34 =	vadd.f32 v27, v26  }
0x11b: {  	v35 =	vadd.f32 v29, v28;
	v36 =	vadd.f32 v31, v30;
	_ =	sdelay $0x1  }
0x11c: {  	v24 =	vadd.f32 v34, v24;
	v37 =	vadd.f32 v36, v35;
	_ =	sdelay $0x1  }
0x11d: {  	v24 =	vadd.f32 v37, v24;
	_ =	sdelay $0x1  }
0x11e: {  	[tilespmem:$0x10560] =	vst v24  }
0x11f: {  	v24 =	vld [tilespmem:s22+$0x380]  }
0x120: {  	v38 =	vld [tilespmem:s22+$0x390]  }
0x121: {  	v39 =	vld [tilespmem:s22+$0x3A0]  }
0x122: {  	v40 =	vld [tilespmem:s22+$0x3B0]  }
0x123: {  	v41 =	vld [tilespmem:s22+$0x3C0]  }
0x124: {  	v42 =	vld [tilespmem:s22+$0x3D0]  }
0x125: {  	v43 =	vld [tilespmem:s22+$0x3E0]  }
0x126: {  	v44 =	vld [tilespmem:s22+$0x3F0];
	_ =	sdelay $0x1  }
0x127: {  	v24 =	vmul.f32 v24, v16;
	v25 =	vmul.f32 v38, v17  }
0x128: {  	v26 =	vmul.f32 v39, v18;
	v27 =	vmul.f32 v40, v19  }
0x129: {  	v28 =	vmul.f32 v41, v20;
	v29 =	vmul.f32 v42, v21  }
0x12a: {  	v30 =	vmul.f32 v43, v22;
	v31 =	vmul.f32 v44, v23  }
0x12b: {  	v24 =	vadd.f32 v25, v24;
	v45 =	vadd.f32 v27, v26  }
0x12c: {  	v46 =	vadd.f32 v29, v28;
	v47 =	vadd.f32 v31, v30;
	_ =	sdelay $0x1  }
0x12d: {  	v24 =	vadd.f32 v45, v24;
	v48 =	vadd.f32 v47, v46;
	_ =	sdelay $0x1  }
0x12e: {  	v24 =	vadd.f32 v48, v24;
	_ =	sdelay $0x1  }
0x12f: {  	[tilespmem:$0x10570] =	vst v24  }
0x130: {  	v24 =	vld.idx.msk [tilespmem:v0+s15+$0x0], $0xffff  }
0x131: {  	v49 =	vld.idx.msk [tilespmem:v1+s15+$0x0], $0xffff;
	_ =	sdelay $0x1  }
0x132: {  	v50 =	vld.idx.msk [tilespmem:v2+s15+$0x0], $0xffff;
	_ =	sdelay $0x1  }
0x133: {  	v51 =	vld.idx.msk [tilespmem:v3+s15+$0x0], $0xffff  }
0x134: {  	v24 =	vadd.f32 v49, v24  }
0x135: {  	v52 =	vld.idx.msk [tilespmem:v4+s15+$0x0], $0xffff  }
0x136: {  	v24 =	vadd.f32 v50, v24  }
0x137: {  	v53 =	vld.idx.msk [tilespmem:v5+s15+$0x0], $0xffff  }
0x138: {  	v24 =	vadd.f32 v51, v24  }
0x139: {  	v54 =	vld.idx.msk [tilespmem:v6+s15+$0x0], $0xffff  }
0x13a: {  	v24 =	vadd.f32 v52, v24  }
0x13b: {  	v55 =	vld.idx.msk [tilespmem:v7+s15+$0x0], $0xffff  }
0x13c: {  	v24 =	vadd.f32 v53, v24  }
0x13d: {  	v56 =	vld.idx.msk [tilespmem:v8+s15+$0x0], $0xffff  }
0x13e: {  	v24 =	vadd.f32 v54, v24  }
0x13f: {  	v57 =	vld.idx.msk [tilespmem:v9+s15+$0x0], $0xffff  }
0x140: {  	v24 =	vadd.f32 v55, v24  }
0x141: {  	v58 =	vld.idx.msk [tilespmem:v10+s15+$0x0], $0xffff  }
0x142: {  	v24 =	vadd.f32 v56, v24  }
0x143: {  	v59 =	vld.idx.msk [tilespmem:v11+s15+$0x0], $0xffff  }
0x144: {  	v24 =	vadd.f32 v57, v24  }
0x145: {  	v60 =	vld.idx.msk [tilespmem:v12+s15+$0x0], $0xffff  }
0x146: {  	v24 =	vadd.f32 v58, v24  }
0x147: {  	v61 =	vld.idx.msk [tilespmem:v13+s15+$0x0], $0xffff  }
0x148: {  	v24 =	vadd.f32 v59, v24  }
0x149: {  	v62 =	vld.idx.msk [tilespmem:v14+s15+$0x0], $0xffff  }
0x14a: {  	v24 =	vadd.f32 v60, v24  }
0x14b: {  	v63 =	vld.idx.msk [tilespmem:v15+s15+$0x0], $0xffff  }
0x14c: {  	v24 =	vadd.f32 v61, v24  }
0x14d: {  	p1 =	sne.s32 s21, $0xF0  }
.Ltmp0:
0x14e: {  	v24 =	vadd.f32 v62, v24;
	(pc) =	sbr.rel @p1 .LBB2_3-.Ltmp0, $4  }
0x14f: {  	s23 =	sand.u32 $0x80, s21  }
0x150: {  	s24 =	sand.u32 $0x70, s21;
	s23 =	sadd.s32 s23, s20;
	v24 =	vadd.f32 v63, v24  }
0x151: {  	s23 =	sadd.s32 s24, s23  }
0x152: {  	s21 =	sadd.s32 $0x10, s21;
	s22 =	sadd.s32 $0x800, s22;
	[tilespmem:s23+$0x0] =	vst v24  }
0x153: {  	s21 =	simm.s32 @p0 $0x0  }
0x154: {  	[tilespmem:s21], [sflag:$0x1] =	stream.linear.gather @p0 [hbm4b:s7+s21], $0x8000, $0x38;
	[tilespmem:$0x10580] =	vst v63  }
0x155: {  	_ =	swait.ge [sflag:s16], $0x8000  }
0x156: {  	[sflag:s16] =	ssyncset.done $0x0  }
0x157: {  	s22 =	simm.s32 $0x0;
	s21 =	simm.s32 $0x0;
	[sflag:s16] =	ssyncadd.s32 $0xFFFF8000  }
.LBB2_5:
0x158: {  	s23 =	sshra.s32 s22, $0x2  }
0x159: {  	v24 =	vld [tilespmem:s23+$0x8000]  }
0x15a: {  	v25 =	vld [tilespmem:s23+$0x8010]  }
0x15b: {  	v26 =	vld [tilespmem:s23+$0x8020]  }
0x15c: {  	v27 =	vld [tilespmem:s23+$0x8030]  }
0x15d: {  	v28 =	vld [tilespmem:s23+$0x8040]  }
0x15e: {  	v29 =	vld [tilespmem:s23+$0x8050]  }
0x15f: {  	v30 =	vld [tilespmem:s23+$0x8060]  }
0x160: {  	v31 =	vld [tilespmem:s23+$0x8070];
	_ =	sdelay $0x1  }
0x161: {  	v24 =	vmul.f32 v24, v16;
	v25 =	vmul.f32 v25, v17  }
0x162: {  	v26 =	vmul.f32 v26, v18;
	v27 =	vmul.f32 v27, v19  }
0x163: {  	v28 =	vmul.f32 v28, v20;
	v29 =	vmul.f32 v29, v21  }
0x164: {  	v30 =	vmul.f32 v30, v22;
	v31 =	vmul.f32 v31, v23  }
0x165: {  	v24 =	vadd.f32 v25, v24;
	v40 =	vadd.f32 v27, v26  }
0x166: {  	v41 =	vadd.f32 v29, v28;
	v42 =	vadd.f32 v31, v30;
	_ =	sdelay $0x1  }
0x167: {  	v24 =	vadd.f32 v40, v24;
	v43 =	vadd.f32 v42, v41;
	_ =	sdelay $0x1  }
0x168: {  	v24 =	vadd.f32 v43, v24;
	_ =	sdelay $0x1  }
0x169: {  	[tilespmem:$0x10480] =	vst v24  }
0x16a: {  	v24 =	vld [tilespmem:s23+$0x8080]  }
0x16b: {  	v44 =	vld [tilespmem:s23+$0x8090]  }
0x16c: {  	v45 =	vld [tilespmem:s23+$0x80A0]  }
0x16d: {  	v46 =	vld [tilespmem:s23+$0x80B0]  }
0x16e: {  	v47 =	vld [tilespmem:s23+$0x80C0]  }
0x16f: {  	v48 =	vld [tilespmem:s23+$0x80D0]  }
0x170: {  	v49 =	vld [tilespmem:s23+$0x80E0]  }
0x171: {  	v50 =	vld [tilespmem:s23+$0x80F0];
	_ =	sdelay $0x1  }
0x172: {  	v24 =	vmul.f32 v24, v16;
	v25 =	vmul.f32 v44, v17  }
0x173: {  	v26 =	vmul.f32 v45, v18;
	v27 =	vmul.f32 v46, v19  }
0x174: {  	v28 =	vmul.f32 v47, v20;
	v29 =	vmul.f32 v48, v21  }
0x175: {  	v30 =	vmul.f32 v49, v22;
	v31 =	vmul.f32 v50, v23  }
0x176: {  	v24 =	vadd.f32 v25, v24;
	v51 =	vadd.f32 v27, v26  }
0x177: {  	v52 =	vadd.f32 v29, v28;
	v53 =	vadd.f32 v31, v30;
	_ =	sdelay $0x1  }
0x178: {  	v24 =	vadd.f32 v51, v24;
	v54 =	vadd.f32 v53, v52;
	_ =	sdelay $0x1  }
0x179: {  	v24 =	vadd.f32 v54, v24;
	_ =	sdelay $0x1  }
0x17a: {  	[tilespmem:$0x10490] =	vst v24  }
0x17b: {  	v24 =	vld [tilespmem:s23+$0x8100]  }
0x17c: {  	v55 =	vld [tilespmem:s23+$0x8110]  }
0x17d: {  	v56 =	vld [tilespmem:s23+$0x8120]  }
0x17e: {  	v57 =	vld [tilespmem:s23+$0x8130]  }
0x17f: {  	v58 =	vld [tilespmem:s23+$0x8140]  }
0x180: {  	v59 =	vld [tilespmem:s23+$0x8150]  }
0x181: {  	v60 =	vld [tilespmem:s23+$0x8160]  }
0x182: {  	v61 =	vld [tilespmem:s23+$0x8170];
	_ =	sdelay $0x1  }
0x183: {  	v24 =	vmul.f32 v24, v16;
	v25 =	vmul.f32 v55, v17  }
0x184: {  	v26 =	vmul.f32 v56, v18;
	v27 =	vmul.f32 v57, v19  }
0x185: {  	v28 =	vmul.f32 v58, v20;
	v29 =	vmul.f32 v59, v21  }
0x186: {  	v30 =	vmul.f32 v60, v22;
	v31 =	vmul.f32 v61, v23  }
0x187: {  	v24 =	vadd.f32 v25, v24;
	v62 =	vadd.f32 v27, v26  }
0x188: {  	v63 =	vadd.f32 v29, v28;
	v31 =	vadd.f32 v31, v30;
	_ =	sdelay $0x1  }
0x189: {  	v24 =	vadd.f32 v62, v24;
	v32 =	vadd.f32 v31, v63;
	_ =	sdelay $0x1  }
0x18a: {  	v24 =	vadd.f32 v32, v24;
	_ =	sdelay $0x1  }
0x18b: {  	[tilespmem:$0x104A0] =	vst v24  }
0x18c: {  	v24 =	vld [tilespmem:s23+$0x8180]  }
0x18d: {  	v33 =	vld [tilespmem:s23+$0x8190]  }
0x18e: {  	v34 =	vld [tilespmem:s23+$0x81A0]  }
0x18f: {  	v35 =	vld [tilespmem:s23+$0x81B0]  }
0x190: {  	v36 =	vld [tilespmem:s23+$0x81C0]  }
0x191: {  	v37 =	vld [tilespmem:s23+$0x81D0]  }
0x192: {  	v38 =	vld [tilespmem:s23+$0x81E0]  }
0x193: {  	v39 =	vld [tilespmem:s23+$0x81F0];
	_ =	sdelay $0x1  }
0x194: {  	v24 =	vmul.f32 v24, v16;
	v25 =	vmul.f32 v33, v17  }
0x195: {  	v26 =	vmul.f32 v34, v18;
	v27 =	vmul.f32 v35, v19  }
0x196: {  	v28 =	vmul.f32 v36, v20;
	v29 =	vmul.f32 v37, v21  }
0x197: {  	v30 =	vmul.f32 v38, v22;
	v31 =	vmul.f32 v39, v23  }
0x198: {  	v24 =	vadd.f32 v25, v24;
	v40 =	vadd.f32 v27, v26  }
0x199: {  	v41 =	vadd.f32 v29, v28;
	v42 =	vadd.f32 v31, v30;
	_ =	sdelay $0x1  }
0x19a: {  	v24 =	vadd.f32 v40, v24;
	v43 =	vadd.f32 v42, v41;
	_ =	sdelay $0x1  }
0x19b: {  	v24 =	vadd.f32 v43, v24;
	_ =	sdelay $0x1  }
0x19c: {  	[tilespmem:$0x104B0] =	vst v24  }
0x19d: {  	v24 =	vld [tilespmem:s23+$0x8200]  }
0x19e: {  	v44 =	vld [tilespmem:s23+$0x8210]  }
0x19f: {  	v45 =	vld [tilespmem:s23+$0x8220]  }
0x1a0: {  	v46 =	vld [tilespmem:s23+$0x8230]  }
0x1a1: {  	v47 =	vld [tilespmem:s23+$0x8240]  }
0x1a2: {  	v48 =	vld [tilespmem:s23+$0x8250]  }
0x1a3: {  	v49 =	vld [tilespmem:s23+$0x8260]  }
0x1a4: {  	v50 =	vld [tilespmem:s23+$0x8270];
	_ =	sdelay $0x1  }
0x1a5: {  	v24 =	vmul.f32 v24, v16;
	v25 =	vmul.f32 v44, v17  }
0x1a6: {  	v26 =	vmul.f32 v45, v18;
	v27 =	vmul.f32 v46, v19  }
0x1a7: {  	v28 =	vmul.f32 v47, v20;
	v29 =	vmul.f32 v48, v21  }
0x1a8: {  	v30 =	vmul.f32 v49, v22;
	v31 =	vmul.f32 v50, v23  }
0x1a9: {  	v24 =	vadd.f32 v25, v24;
	v51 =	vadd.f32 v27, v26  }
0x1aa: {  	v52 =	vadd.f32 v29, v28;
	v53 =	vadd.f32 v31, v30;
	_ =	sdelay $0x1  }
0x1ab: {  	v24 =	vadd.f32 v51, v24;
	v54 =	vadd.f32 v53, v52;
	_ =	sdelay $0x1  }
0x1ac: {  	v24 =	vadd.f32 v54, v24;
	_ =	sdelay $0x1  }
0x1ad: {  	[tilespmem:$0x104C0] =	vst v24  }
0x1ae: {  	v24 =	vld [tilespmem:s23+$0x8280]  }
0x1af: {  	v55 =	vld [tilespmem:s23+$0x8290]  }
0x1b0: {  	v56 =	vld [tilespmem:s23+$0x82A0]  }
0x1b1: {  	v57 =	vld [tilespmem:s23+$0x82B0]  }
0x1b2: {  	v58 =	vld [tilespmem:s23+$0x82C0]  }
0x1b3: {  	v59 =	vld [tilespmem:s23+$0x82D0]  }
0x1b4: {  	v60 =	vld [tilespmem:s23+$0x82E0]  }
0x1b5: {  	v61 =	vld [tilespmem:s23+$0x82F0];
	_ =	sdelay $0x1  }
0x1b6: {  	v24 =	vmul.f32 v24, v16;
	v25 =	vmul.f32 v55, v17  }
0x1b7: {  	v26 =	vmul.f32 v56, v18;
	v27 =	vmul.f32 v57, v19  }
0x1b8: {  	v28 =	vmul.f32 v58, v20;
	v29 =	vmul.f32 v59, v21  }
0x1b9: {  	v30 =	vmul.f32 v60, v22;
	v31 =	vmul.f32 v61, v23  }
0x1ba: {  	v24 =	vadd.f32 v25, v24;
	v62 =	vadd.f32 v27, v26  }
0x1bb: {  	v63 =	vadd.f32 v29, v28;
	v32 =	vadd.f32 v31, v30;
	_ =	sdelay $0x1  }
0x1bc: {  	v24 =	vadd.f32 v62, v24;
	v33 =	vadd.f32 v32, v63;
	_ =	sdelay $0x1  }
0x1bd: {  	v24 =	vadd.f32 v33, v24;
	_ =	sdelay $0x1  }
0x1be: {  	[tilespmem:$0x104D0] =	vst v24  }
0x1bf: {  	v24 =	vld [tilespmem:s23+$0x8300]  }
0x1c0: {  	v34 =	vld [tilespmem:s23+$0x8310]  }
0x1c1: {  	v35 =	vld [tilespmem:s23+$0x8320]  }
0x1c2: {  	v36 =	vld [tilespmem:s23+$0x8330]  }
0x1c3: {  	v37 =	vld [tilespmem:s23+$0x8340]  }
0x1c4: {  	v38 =	vld [tilespmem:s23+$0x8350]  }
0x1c5: {  	v39 =	vld [tilespmem:s23+$0x8360]  }
0x1c6: {  	v40 =	vld [tilespmem:s23+$0x8370];
	_ =	sdelay $0x1  }
0x1c7: {  	v24 =	vmul.f32 v24, v16;
	v25 =	vmul.f32 v34, v17  }
0x1c8: {  	v26 =	vmul.f32 v35, v18;
	v27 =	vmul.f32 v36, v19  }
0x1c9: {  	v28 =	vmul.f32 v37, v20;
	v29 =	vmul.f32 v38, v21  }
0x1ca: {  	v30 =	vmul.f32 v39, v22;
	v31 =	vmul.f32 v40, v23  }
0x1cb: {  	v24 =	vadd.f32 v25, v24;
	v41 =	vadd.f32 v27, v26  }
0x1cc: {  	v42 =	vadd.f32 v29, v28;
	v43 =	vadd.f32 v31, v30;
	_ =	sdelay $0x1  }
0x1cd: {  	v24 =	vadd.f32 v41, v24;
	v44 =	vadd.f32 v43, v42;
	_ =	sdelay $0x1  }
0x1ce: {  	v24 =	vadd.f32 v44, v24;
	_ =	sdelay $0x1  }
0x1cf: {  	[tilespmem:$0x104E0] =	vst v24  }
0x1d0: {  	v24 =	vld [tilespmem:s23+$0x8380]  }
0x1d1: {  	v45 =	vld [tilespmem:s23+$0x8390]  }
0x1d2: {  	v46 =	vld [tilespmem:s23+$0x83A0]  }
0x1d3: {  	v47 =	vld [tilespmem:s23+$0x83B0]  }
0x1d4: {  	v48 =	vld [tilespmem:s23+$0x83C0]  }
0x1d5: {  	v49 =	vld [tilespmem:s23+$0x83D0]  }
0x1d6: {  	v50 =	vld [tilespmem:s23+$0x83E0]  }
0x1d7: {  	v51 =	vld [tilespmem:s23+$0x83F0];
	_ =	sdelay $0x1  }
0x1d8: {  	v24 =	vmul.f32 v24, v16;
	v25 =	vmul.f32 v45, v17  }
0x1d9: {  	v26 =	vmul.f32 v46, v18;
	v27 =	vmul.f32 v47, v19  }
0x1da: {  	v28 =	vmul.f32 v48, v20;
	v29 =	vmul.f32 v49, v21  }
0x1db: {  	v30 =	vmul.f32 v50, v22;
	v31 =	vmul.f32 v51, v23  }
0x1dc: {  	v24 =	vadd.f32 v25, v24;
	v52 =	vadd.f32 v27, v26  }
0x1dd: {  	v53 =	vadd.f32 v29, v28;
	v54 =	vadd.f32 v31, v30;
	_ =	sdelay $0x1  }
0x1de: {  	v24 =	vadd.f32 v52, v24;
	v55 =	vadd.f32 v54, v53;
	_ =	sdelay $0x1  }
0x1df: {  	v24 =	vadd.f32 v55, v24;
	_ =	sdelay $0x1  }
0x1e0: {  	[tilespmem:$0x104F0] =	vst v24  }
0x1e1: {  	v24 =	vld [tilespmem:s23+$0x8400]  }
0x1e2: {  	v56 =	vld [tilespmem:s23+$0x8410]  }
0x1e3: {  	v57 =	vld [tilespmem:s23+$0x8420]  }
0x1e4: {  	v58 =	vld [tilespmem:s23+$0x8430]  }
0x1e5: {  	v59 =	vld [tilespmem:s23+$0x8440]  }
0x1e6: {  	v60 =	vld [tilespmem:s23+$0x8450]  }
0x1e7: {  	v61 =	vld [tilespmem:s23+$0x8460]  }
0x1e8: {  	v62 =	vld [tilespmem:s23+$0x8470];
	_ =	sdelay $0x1  }
0x1e9: {  	v24 =	vmul.f32 v24, v16;
	v25 =	vmul.f32 v56, v17  }
0x1ea: {  	v26 =	vmul.f32 v57, v18;
	v27 =	vmul.f32 v58, v19  }
0x1eb: {  	v28 =	vmul.f32 v59, v20;
	v29 =	vmul.f32 v60, v21  }
0x1ec: {  	v30 =	vmul.f32 v61, v22;
	v31 =	vmul.f32 v62, v23  }
0x1ed: {  	v24 =	vadd.f32 v25, v24;
	v63 =	vadd.f32 v27, v26  }
0x1ee: {  	v32 =	vadd.f32 v29, v28;
	v33 =	vadd.f32 v31, v30;
	_ =	sdelay $0x1  }
0x1ef: {  	v24 =	vadd.f32 v63, v24;
	v34 =	vadd.f32 v33, v32;
	_ =	sdelay $0x1  }
0x1f0: {  	v24 =	vadd.f32 v34, v24;
	_ =	sdelay $0x1  }
0x1f1: {  	[tilespmem:$0x10500] =	vst v24  }
0x1f2: {  	v24 =	vld [tilespmem:s23+$0x8480]  }
0x1f3: {  	v35 =	vld [tilespmem:s23+$0x8490]  }
0x1f4: {  	v36 =	vld [tilespmem:s23+$0x84A0]  }
0x1f5: {  	v37 =	vld [tilespmem:s23+$0x84B0]  }
0x1f6: {  	v38 =	vld [tilespmem:s23+$0x84C0]  }
0x1f7: {  	v39 =	vld [tilespmem:s23+$0x84D0]  }
0x1f8: {  	v40 =	vld [tilespmem:s23+$0x84E0]  }
0x1f9: {  	v41 =	vld [tilespmem:s23+$0x84F0];
	_ =	sdelay $0x1  }
0x1fa: {  	v24 =	vmul.f32 v24, v16;
	v25 =	vmul.f32 v35, v17  }
0x1fb: {  	v26 =	vmul.f32 v36, v18;
	v27 =	vmul.f32 v37, v19  }
0x1fc: {  	v28 =	vmul.f32 v38, v20;
	v29 =	vmul.f32 v39, v21  }
0x1fd: {  	v30 =	vmul.f32 v40, v22;
	v31 =	vmul.f32 v41, v23  }
0x1fe: {  	v24 =	vadd.f32 v25, v24;
	v42 =	vadd.f32 v27, v26  }
0x1ff: {  	v43 =	vadd.f32 v29, v28;
	v44 =	vadd.f32 v31, v30;
	_ =	sdelay $0x1  }
0x200: {  	v24 =	vadd.f32 v42, v24;
	v45 =	vadd.f32 v44, v43;
	_ =	sdelay $0x1  }
0x201: {  	v24 =	vadd.f32 v45, v24;
	_ =	sdelay $0x1  }
0x202: {  	[tilespmem:$0x10510] =	vst v24  }
0x203: {  	v24 =	vld [tilespmem:s23+$0x8500]  }
0x204: {  	v46 =	vld [tilespmem:s23+$0x8510]  }
0x205: {  	v47 =	vld [tilespmem:s23+$0x8520]  }
0x206: {  	v48 =	vld [tilespmem:s23+$0x8530]  }
0x207: {  	v49 =	vld [tilespmem:s23+$0x8540]  }
0x208: {  	v50 =	vld [tilespmem:s23+$0x8550]  }
0x209: {  	v51 =	vld [tilespmem:s23+$0x8560]  }
0x20a: {  	v52 =	vld [tilespmem:s23+$0x8570];
	_ =	sdelay $0x1  }
0x20b: {  	v24 =	vmul.f32 v24, v16;
	v25 =	vmul.f32 v46, v17  }
0x20c: {  	v26 =	vmul.f32 v47, v18;
	v27 =	vmul.f32 v48, v19  }
0x20d: {  	v28 =	vmul.f32 v49, v20;
	v29 =	vmul.f32 v50, v21  }
0x20e: {  	v30 =	vmul.f32 v51, v22;
	v31 =	vmul.f32 v52, v23  }
0x20f: {  	v24 =	vadd.f32 v25, v24;
	v53 =	vadd.f32 v27, v26  }
0x210: {  	v54 =	vadd.f32 v29, v28;
	v55 =	vadd.f32 v31, v30;
	_ =	sdelay $0x1  }
0x211: {  	v24 =	vadd.f32 v53, v24;
	v56 =	vadd.f32 v55, v54;
	_ =	sdelay $0x1  }
0x212: {  	v24 =	vadd.f32 v56, v24;
	_ =	sdelay $0x1  }
0x213: {  	[tilespmem:$0x10520] =	vst v24  }
0x214: {  	v24 =	vld [tilespmem:s23+$0x8580]  }
0x215: {  	v57 =	vld [tilespmem:s23+$0x8590]  }
0x216: {  	v58 =	vld [tilespmem:s23+$0x85A0]  }
0x217: {  	v59 =	vld [tilespmem:s23+$0x85B0]  }
0x218: {  	v60 =	vld [tilespmem:s23+$0x85C0]  }
0x219: {  	v61 =	vld [tilespmem:s23+$0x85D0]  }
0x21a: {  	v62 =	vld [tilespmem:s23+$0x85E0]  }
0x21b: {  	v63 =	vld [tilespmem:s23+$0x85F0];
	_ =	sdelay $0x1  }
0x21c: {  	v24 =	vmul.f32 v24, v16;
	v25 =	vmul.f32 v57, v17  }
0x21d: {  	v26 =	vmul.f32 v58, v18;
	v27 =	vmul.f32 v59, v19  }
0x21e: {  	v28 =	vmul.f32 v60, v20;
	v29 =	vmul.f32 v61, v21  }
0x21f: {  	v30 =	vmul.f32 v62, v22;
	v31 =	vmul.f32 v63, v23  }
0x220: {  	v24 =	vadd.f32 v25, v24;
	v32 =	vadd.f32 v27, v26  }
0x221: {  	v33 =	vadd.f32 v29, v28;
	v34 =	vadd.f32 v31, v30;
	_ =	sdelay $0x1  }
0x222: {  	v24 =	vadd.f32 v32, v24;
	v35 =	vadd.f32 v34, v33;
	_ =	sdelay $0x1  }
0x223: {  	v24 =	vadd.f32 v35, v24;
	_ =	sdelay $0x1  }
0x224: {  	[tilespmem:$0x10530] =	vst v24  }
0x225: {  	v24 =	vld [tilespmem:s23+$0x8600]  }
0x226: {  	v36 =	vld [tilespmem:s23+$0x8610]  }
0x227: {  	v37 =	vld [tilespmem:s23+$0x8620]  }
0x228: {  	v38 =	vld [tilespmem:s23+$0x8630]  }
0x229: {  	v39 =	vld [tilespmem:s23+$0x8640]  }
0x22a: {  	v40 =	vld [tilespmem:s23+$0x8650]  }
0x22b: {  	v41 =	vld [tilespmem:s23+$0x8660]  }
0x22c: {  	v42 =	vld [tilespmem:s23+$0x8670];
	_ =	sdelay $0x1  }
0x22d: {  	v24 =	vmul.f32 v24, v16;
	v25 =	vmul.f32 v36, v17  }
0x22e: {  	v26 =	vmul.f32 v37, v18;
	v27 =	vmul.f32 v38, v19  }
0x22f: {  	v28 =	vmul.f32 v39, v20;
	v29 =	vmul.f32 v40, v21  }
0x230: {  	v30 =	vmul.f32 v41, v22;
	v31 =	vmul.f32 v42, v23  }
0x231: {  	v24 =	vadd.f32 v25, v24;
	v43 =	vadd.f32 v27, v26  }
0x232: {  	v44 =	vadd.f32 v29, v28;
	v45 =	vadd.f32 v31, v30;
	_ =	sdelay $0x1  }
0x233: {  	v24 =	vadd.f32 v43, v24;
	v46 =	vadd.f32 v45, v44;
	_ =	sdelay $0x1  }
0x234: {  	v24 =	vadd.f32 v46, v24;
	_ =	sdelay $0x1  }
0x235: {  	[tilespmem:$0x10540] =	vst v24  }
0x236: {  	v24 =	vld [tilespmem:s23+$0x8680]  }
0x237: {  	v47 =	vld [tilespmem:s23+$0x8690]  }
0x238: {  	v48 =	vld [tilespmem:s23+$0x86A0]  }
0x239: {  	v49 =	vld [tilespmem:s23+$0x86B0]  }
0x23a: {  	v50 =	vld [tilespmem:s23+$0x86C0]  }
0x23b: {  	v51 =	vld [tilespmem:s23+$0x86D0]  }
0x23c: {  	v52 =	vld [tilespmem:s23+$0x86E0]  }
0x23d: {  	v53 =	vld [tilespmem:s23+$0x86F0];
	_ =	sdelay $0x1  }
0x23e: {  	v24 =	vmul.f32 v24, v16;
	v25 =	vmul.f32 v47, v17  }
0x23f: {  	v26 =	vmul.f32 v48, v18;
	v27 =	vmul.f32 v49, v19  }
0x240: {  	v28 =	vmul.f32 v50, v20;
	v29 =	vmul.f32 v51, v21  }
0x241: {  	v30 =	vmul.f32 v52, v22;
	v31 =	vmul.f32 v53, v23  }
0x242: {  	v24 =	vadd.f32 v25, v24;
	v54 =	vadd.f32 v27, v26  }
0x243: {  	v55 =	vadd.f32 v29, v28;
	v56 =	vadd.f32 v31, v30;
	_ =	sdelay $0x1  }
0x244: {  	v24 =	vadd.f32 v54, v24;
	v57 =	vadd.f32 v56, v55;
	_ =	sdelay $0x1  }
0x245: {  	v24 =	vadd.f32 v57, v24;
	_ =	sdelay $0x1  }
0x246: {  	[tilespmem:$0x10550] =	vst v24  }
0x247: {  	v24 =	vld [tilespmem:s23+$0x8700]  }
0x248: {  	v58 =	vld [tilespmem:s23+$0x8710]  }
0x249: {  	v59 =	vld [tilespmem:s23+$0x8720]  }
0x24a: {  	v60 =	vld [tilespmem:s23+$0x8730]  }
0x24b: {  	v61 =	vld [tilespmem:s23+$0x8740]  }
0x24c: {  	v62 =	vld [tilespmem:s23+$0x8750]  }
0x24d: {  	v63 =	vld [tilespmem:s23+$0x8760]  }
0x24e: {  	v33 =	vld [tilespmem:s23+$0x8770];
	_ =	sdelay $0x1  }
0x24f: {  	v24 =	vmul.f32 v24, v16;
	v25 =	vmul.f32 v58, v17  }
0x250: {  	v26 =	vmul.f32 v59, v18;
	v27 =	vmul.f32 v60, v19  }
0x251: {  	v28 =	vmul.f32 v61, v20;
	v29 =	vmul.f32 v62, v21  }
0x252: {  	v30 =	vmul.f32 v63, v22;
	v31 =	vmul.f32 v33, v23  }
0x253: {  	v24 =	vadd.f32 v25, v24;
	v34 =	vadd.f32 v27, v26  }
0x254: {  	v35 =	vadd.f32 v29, v28;
	v36 =	vadd.f32 v31, v30;
	_ =	sdelay $0x1  }
0x255: {  	v24 =	vadd.f32 v34, v24;
	v37 =	vadd.f32 v36, v35;
	_ =	sdelay $0x1  }
0x256: {  	v24 =	vadd.f32 v37, v24;
	_ =	sdelay $0x1  }
0x257: {  	[tilespmem:$0x10560] =	vst v24  }
0x258: {  	v24 =	vld [tilespmem:s23+$0x8780]  }
0x259: {  	v38 =	vld [tilespmem:s23+$0x8790]  }
0x25a: {  	v39 =	vld [tilespmem:s23+$0x87A0]  }
0x25b: {  	v40 =	vld [tilespmem:s23+$0x87B0]  }
0x25c: {  	v41 =	vld [tilespmem:s23+$0x87C0]  }
0x25d: {  	v42 =	vld [tilespmem:s23+$0x87D0]  }
0x25e: {  	v43 =	vld [tilespmem:s23+$0x87E0]  }
0x25f: {  	v44 =	vld [tilespmem:s23+$0x87F0];
	_ =	sdelay $0x1  }
0x260: {  	v24 =	vmul.f32 v24, v16;
	v25 =	vmul.f32 v38, v17  }
0x261: {  	v26 =	vmul.f32 v39, v18;
	v27 =	vmul.f32 v40, v19  }
0x262: {  	v28 =	vmul.f32 v41, v20;
	v29 =	vmul.f32 v42, v21  }
0x263: {  	v30 =	vmul.f32 v43, v22;
	v31 =	vmul.f32 v44, v23  }
0x264: {  	v24 =	vadd.f32 v25, v24;
	v45 =	vadd.f32 v27, v26  }
0x265: {  	v46 =	vadd.f32 v29, v28;
	v47 =	vadd.f32 v31, v30;
	_ =	sdelay $0x1  }
0x266: {  	v24 =	vadd.f32 v45, v24;
	v48 =	vadd.f32 v47, v46;
	_ =	sdelay $0x1  }
0x267: {  	v24 =	vadd.f32 v48, v24;
	_ =	sdelay $0x1  }
0x268: {  	[tilespmem:$0x10570] =	vst v24  }
0x269: {  	v24 =	vld.idx.msk [tilespmem:v0+s15+$0x0], $0xffff  }
0x26a: {  	v49 =	vld.idx.msk [tilespmem:v1+s15+$0x0], $0xffff;
	_ =	sdelay $0x1  }
0x26b: {  	v50 =	vld.idx.msk [tilespmem:v2+s15+$0x0], $0xffff;
	_ =	sdelay $0x1  }
0x26c: {  	v51 =	vld.idx.msk [tilespmem:v3+s15+$0x0], $0xffff  }
0x26d: {  	v24 =	vadd.f32 v49, v24  }
0x26e: {  	v52 =	vld.idx.msk [tilespmem:v4+s15+$0x0], $0xffff  }
0x26f: {  	v24 =	vadd.f32 v50, v24  }
0x270: {  	v53 =	vld.idx.msk [tilespmem:v5+s15+$0x0], $0xffff  }
0x271: {  	v24 =	vadd.f32 v51, v24  }
0x272: {  	v54 =	vld.idx.msk [tilespmem:v6+s15+$0x0], $0xffff  }
0x273: {  	v24 =	vadd.f32 v52, v24  }
0x274: {  	v55 =	vld.idx.msk [tilespmem:v7+s15+$0x0], $0xffff  }
0x275: {  	v24 =	vadd.f32 v53, v24  }
0x276: {  	v56 =	vld.idx.msk [tilespmem:v8+s15+$0x0], $0xffff  }
0x277: {  	v24 =	vadd.f32 v54, v24  }
0x278: {  	v57 =	vld.idx.msk [tilespmem:v9+s15+$0x0], $0xffff  }
0x279: {  	v24 =	vadd.f32 v55, v24  }
0x27a: {  	v58 =	vld.idx.msk [tilespmem:v10+s15+$0x0], $0xffff  }
0x27b: {  	v24 =	vadd.f32 v56, v24  }
0x27c: {  	v59 =	vld.idx.msk [tilespmem:v11+s15+$0x0], $0xffff  }
0x27d: {  	v24 =	vadd.f32 v57, v24  }
0x27e: {  	v60 =	vld.idx.msk [tilespmem:v12+s15+$0x0], $0xffff  }
0x27f: {  	v24 =	vadd.f32 v58, v24  }
0x280: {  	v61 =	vld.idx.msk [tilespmem:v13+s15+$0x0], $0xffff  }
0x281: {  	v24 =	vadd.f32 v59, v24  }
0x282: {  	v62 =	vld.idx.msk [tilespmem:v14+s15+$0x0], $0xffff  }
0x283: {  	v24 =	vadd.f32 v60, v24  }
0x284: {  	v63 =	vld.idx.msk [tilespmem:v15+s15+$0x0], $0xffff  }
0x285: {  	v24 =	vadd.f32 v61, v24  }
0x286: {  	p1 =	sne.s32 s22, $0x1E000  }
.Ltmp1:
0x287: {  	v24 =	vadd.f32 v62, v24;
	(pc) =	sbr.rel @p1 .LBB2_5-.Ltmp1, $4  }
0x288: {  	s31 =	sand.u32 $0x80, s21  }
0x289: {  	s24 =	sand.u32 $0x70, s21;
	s23 =	sadd.s32 s31, s20;
	v24 =	vadd.f32 v63, v24  }
0x28a: {  	s23 =	sadd.s32 s24, s23  }
0x28b: {  	s21 =	sadd.s32 $0x10, s21;
	s22 =	sadd.s32 $0x2000, s22;
	[tilespmem:s23+$0x100] =	vst v24  }
.Ltmp2:
0x28c: {  	(pc) =	sbr.rel @p0 .LBB2_2-.Ltmp2, $2  }
0x28d: {  	_ =	sdelay $0x2  }
0x28e: {  	s20 =	simm.s32 $0x800;
	p1 =	por $0x0, $0x0;
	s21 =	smov.u32 s8  }
0x28f: {  	s19 =	sadd.s32 $0x1, s19  }
0x290: {  	p0 =	sne.s32 s19, s10  }
.Ltmp3:
0x291: {  	_ = 	snop;
	(pc) =	sbr.rel @p0 .LBB2_1-.Ltmp3, $4  }
0x292: {  	[hbm4b:s9+s3] =	stream.linear.scatter [tilespmem:s17], [sflag:$0x3], $0x400, $0x38;
	[tilespmem:$0x10580] =	vst v63  }
0x293: {  	_ =	swait.ge [sflag:s18], $0x400  }
0x294: {  	[sflag:s18] =	ssyncset.done $0x0  }
0x295: {  	[sflag:s18] =	ssyncadd.s32 $0xFFFFFC00  }
0x296: {  	_ =	sfence.sel $0x180000  }
0x297: {  	[bflag:$0x0] =	sbarrier.arrive $0xFFFF  }
0x298: {  	p0 =	sne.s32 s2, $0x0;
	_ =	strace $0x90000047  }
0x299: {  	s0 =	sadd.s32 @!p0 $0x100000, s0;
	[bflag:$0x2] =	sbarrier.arrive $0xFFFF  }
0x29a: {  	[sflag:s0] =	ssyncadd.tile.s32 @!p0 $0x1;
	_ =	shalt  }
.Lfunc_end2:
_tile_overlayer_lowered:
.L_overlay_start_2:
0x29b: {  	(tag) =	ssettag $0x2  }
0x29c: {  	s0 =	rddreg [dreg:$0x0];
	s2 =	stileid.u32  }
0x29d: {  	s1 =	rddreg [dreg:$0x1];
	p0 =	sne.s32 s2, $0x0  }
0x29e: {  	s3 =	rddreg [dreg:$0x2];
	[bflag:$0x3] =	sbarrier.arrive $0xFFFF;
	s2 =	simm.s32 @!p0 $0x1C04  }
0x29f: {  	[timem:s3], [sflag:s2] =	dma.local @!p0 [hbm:s0], s1  }
0x2a0: {  	s0 =	simm.s32 @!p0 $0x4  }
0x2a1: {  	_ =	swait.ge @!p0 [sflag:s0], s1  }
0x2a2: {  	s1 =	ssub.s32 @!p0 $0x0, s1;
	[sflag:s0] =	ssyncset.done @!p0 $0x0  }
0x2a3: {  	[sflag:s0] =	ssyncadd.s32 @!p0 s1  }
0x2a4: {  	[bflag:$0x3] =	sbarrier.arrive $0xFFFF  }
0x2a5: {  	_ =	shalt  }

</sc_bundles>
